<compile_context>
chip_gen: v7x
topology: tpu7x:2x2x1
jax: 0.10.2.dev20260603
libtpu: 0.0.44.dev20260713+nightly
codegen_flags: <defaults>
</compile_context>

<pallas_src>
import functools

import jax
import jax.numpy as jnp
from jax import lax
from jax.experimental import pallas as pl
from jax.experimental.pallas import tpu as pltpu
from jax.experimental.pallas import tpu_sc as plsc

HOPS = 3
EMB = 128
NEG_BIG = -1e30


def _ec(j):
  return pl.ds(16 * j, 16)


def _sc_body(nc, bpw, m_slots, t_width, ctx_hbm, c_hbm, out_hbm,
             idx_v, rows_a, rows_b, rows_c, s_v, attn_ref, out_v,
             sem_a, sem_b, sem_c):
  njc = EMB // 16
  nrows = m_slots * t_width
  wid = lax.axis_index("s") * nc + lax.axis_index("c")
  base = wid * bpw

  pltpu.sync_copy(ctx_hbm.at[pl.ds(base * 3 * nrows, bpw * 3 * nrows)], idx_v)

  lanes = lax.iota(jnp.int32, 16)
  zeros16 = lanes * 0
  nvp = (m_slots + 15) // 16
  def _lane_sum(v):
    for sh in (8, 4, 2, 1):
      v = v + v.at[lanes ^ sh].get(mode="promise_in_bounds")
    return v

  def _lane_max(v):
    for sh in (8, 4, 2, 1):
      v = jnp.maximum(v, v.at[lanes ^ sh].get(mode="promise_in_bounds"))
    return v

  def softmax_to_attn(v):
    mx = v[0]
    for k in range(1, nvp):
      mx = jnp.maximum(mx, v[k])
    mx = _lane_max(mx)
    e = [jnp.exp(vk - mx) for vk in v]
    s = e[0]
    for k in range(1, nvp):
      s = s + e[k]
    inv = 1.0 / _lane_sum(s)
    for k in range(nvp):
      attn_ref[pl.ds(16 * k, 16)] = e[k] * inv

  def p_loop(q):
    def body(m, pvecs):
      acc = s_v[m, _ec(0)] * q[0]
      for j in range(1, njc):
        acc = acc + s_v[m, _ec(j)] * q[j]
      pm = _lane_sum(acc)
      lane_upd = lanes == (m % 16)
      k_tgt = m // 16
      out = []
      for k in range(nvp):
        upd = jnp.where(lane_upd, pm, pvecs[k])
        out.append(jnp.where(k_tgt == k, upd, pvecs[k]))
      return tuple(out)
    init = tuple(jnp.full((16,), NEG_BIG, jnp.float32) for _ in range(nvp))
    return plsc.parallel_loop(0, m_slots, carry=init, unroll=2)(body)

  bufs = (rows_a, rows_b, rows_c)
  sems = (sem_a, sem_b, sem_c)

  def start(bl, t, p):
    off = bl * 3 * nrows + t * nrows
    pltpu.async_copy(c_hbm.at[idx_v.at[pl.ds(off, nrows)]], bufs[p], sems[p])

  def wait(p):
    pltpu.make_async_copy(c_hbm.at[pl.ds(0, nrows)], bufs[p], sems[p]).wait()

  def mat1_fn(rows_v):
    def mat1(m, sums):
      accs = []
      for j in range(njc):
        a = rows_v[t_width * m, _ec(j)]
        for tt in range(1, t_width):
          a = a + rows_v[t_width * m + tt, _ec(j)]
        s_v[m, _ec(j)] = a
        accs.append(sums[j] + a)
      return tuple(accs)
    zeros = tuple(jnp.zeros((16,), jnp.float32) for _ in range(njc))
    sums = plsc.parallel_loop(0, m_slots, carry=zeros, unroll=4)(mat1)
    return tuple(s * (1.0 / m_slots) for s in sums)

  def mat2_fn(rows_v, q):
    def mat2(m, qacc):
      a = attn_ref[pl.ds(m, 16)].at[zeros16].get(mode="promise_in_bounds")
      accs = []
      for j in range(njc):
        r = rows_v[t_width * m, _ec(j)]
        for tt in range(1, t_width):
          r = r + rows_v[t_width * m + tt, _ec(j)]
        s_v[m, _ec(j)] = r
        accs.append(qacc[j] + r * a)
      return tuple(accs)
    return plsc.parallel_loop(0, m_slots, carry=q, unroll=4)(mat2)

  def o2_fn(rows_v, q):
    def o2(m, qacc):
      a = attn_ref[pl.ds(m, 16)].at[zeros16].get(mode="promise_in_bounds")
      accs = list(qacc)
      for j in range(njc):
        r = rows_v[t_width * m, _ec(j)]
        for tt in range(1, t_width):
          r = r + rows_v[t_width * m + tt, _ec(j)]
        accs[j] = accs[j] + r * a
      return tuple(accs)
    return plsc.parallel_loop(0, m_slots, carry=q, unroll=4)(o2)

  start(0, 0, 0)
  start(0, 1, 1)

  def b_body(bl, carry):
    nb = jnp.minimum(bl + 1, bpw - 1)
    wait(0)
    start(bl, 2, 2)
    q = mat1_fn(bufs[0])
    softmax_to_attn(p_loop(q))
    wait(1)
    start(nb, 0, 0)
    q = mat2_fn(bufs[1], q)
    softmax_to_attn(p_loop(q))
    wait(2)
    start(nb, 1, 1)
    q = o2_fn(bufs[2], q)
    for j in range(njc):
      out_v[bl, _ec(j)] = q[j]
    return carry

  lax.fori_loop(0, bpw, b_body, 0)
  wait(0)
  wait(1)
  pltpu.sync_copy(out_v, out_hbm.at[pl.ds(base, bpw)])


@jax.jit
def kernel(context, C):
  B, M, T = context.shape
  nwords = C.shape[1]
  flat = context.reshape(B, 1, M * T)
  offs = (jnp.arange(1, HOPS + 1, dtype=jnp.int32) * nwords).reshape(1, HOPS, 1)
  idx3 = (flat + offs).reshape(-1)
  c_flat = C.reshape((HOPS + 1) * nwords, EMB)

  info = plsc.get_sparse_core_info()
  nc, ns = info.num_cores, info.num_subcores
  nw = nc * ns
  bpw = B // nw
  nrows = M * T

  mesh = plsc.VectorSubcoreMesh(core_axis_name="c", subcore_axis_name="s")
  body = functools.partial(_sc_body, nc, bpw, M, T)
  return pl.kernel(
      body,
      out_type=jax.ShapeDtypeStruct((B, EMB), jnp.float32),
      mesh=mesh,
      scratch_types=[
          pltpu.VMEM((bpw * HOPS * nrows,), jnp.int32),
          pltpu.VMEM((nrows, EMB), jnp.float32),
          pltpu.VMEM((nrows, EMB), jnp.float32),
          pltpu.VMEM((nrows, EMB), jnp.float32),
          pltpu.VMEM((M, EMB), jnp.float32),
          pltpu.VMEM((80,), jnp.float32),
          pltpu.VMEM((bpw, EMB), jnp.float32),
          pltpu.SemaphoreType.DMA,
          pltpu.SemaphoreType.DMA,
          pltpu.SemaphoreType.DMA,
      ],
  )(idx3, c_flat)

# --- scband reference (transcript-rebuilt; emitter-appended) ---
"""Pipeline reference for scband-mem2-seq-49855980372016 (READ-ONLY COPY).

The authoritative reference and input builder live on the scoring server;
editing this copy changes nothing except your own understanding.
"""

import jax, jax.numpy as jnp
import numpy as np

HOPS = 3
NWORDS = 100000
EMB = 128
B = 1024
M = 50
T = 4


def setup_inputs(seed: int = 0) -> dict:
    key = jax.random.key(seed)
    k1, k2 = jax.random.split(key)
    context = jax.random.randint(k1, (B, M, T), 0, NWORDS, dtype=jnp.int32)
    # hops+1 embedding tables, normal(0, 0.1), padding_idx=0 -> row 0 zeroed
    C = 0.1 * jax.random.normal(k2, (HOPS + 1, NWORDS, EMB), dtype=jnp.float32)
    C = C.at[:, 0, :].set(0.0)
    return {"context": context, "C": C}


def reference(context, C):
    # Faithful JAX translation of Mem2Seq's Encoder.forward (encoder_og),
    # the multi-hop end-to-end memory network over the input story.
    B_, M_, T_ = context.shape
    E = C.shape[-1]
    flat = context.reshape(B_, -1)  # (B, M*T)
    q = jnp.zeros((B_, E), dtype=jnp.float32)
    for h in range(HOPS):
        m = jnp.take(C[h], flat, axis=0).reshape(B_, M_, T_, E)
        m = jnp.sum(m, axis=2)  # (B, M, E) bag-of-words per memory slot
        p = jnp.sum(m * q[:, None, :], axis=2)  # (B, M)
        attn = jax.nn.softmax(p, axis=1)
        c = jnp.take(C[h + 1], flat, axis=0).reshape(B_, M_, T_, E)
        c = jnp.sum(c, axis=2)  # (B, M, E)
        o = jnp.einsum('bm,bme->be', attn, c)  # bmm(attn.unsqueeze(1), c).squeeze(1)
        q = q + o
    return q

if __name__ == "__main__":
    import jax
    _d = setup_inputs()
    print(jax.jit(kernel)(*tuple(_d.values())))

</pallas_src>

<mosaic_0001>
#map = affine_map<(d0, d1) -> (0)>
#map1 = affine_map<(d0, d1) -> (0, 0)>
module attributes {stable_mosaic.version = 14 : i64} {
  func.func @_sc_body(%arg0: i32, %arg1: i32, %arg2: memref<614400xi32, #tpu.memory_space<hbm>>, %arg3: memref<400000x128xf32, #tpu.memory_space<hbm>>, %arg4: memref<1024x128xf32, #tpu.memory_space<hbm>>, %arg5: memref<19200xi32, #tpu.memory_space<vmem>>, %arg6: memref<200x128xf32, #tpu.memory_space<vmem>>, %arg7: memref<200x128xf32, #tpu.memory_space<vmem>>, %arg8: memref<200x128xf32, #tpu.memory_space<vmem>>, %arg9: memref<50x128xf32, #tpu.memory_space<vmem>>, %arg10: memref<80xf32, #tpu.memory_space<vmem>>, %arg11: memref<32x128xf32, #tpu.memory_space<vmem>>, %arg12: memref<!tpu.dma_semaphore, #tpu.memory_space<semaphore_mem>>, %arg13: memref<!tpu.dma_semaphore, #tpu.memory_space<semaphore_mem>>, %arg14: memref<!tpu.dma_semaphore, #tpu.memory_space<semaphore_mem>>) attributes {dimension_semantics = [#tpu.dimension_semantics<core_parallel>, #tpu.dimension_semantics<subcore_parallel>], iteration_bounds = array<i64: 2, 16>, scalar_prefetch = 0 : i64, scratch_operands = 10 : i64, tpu.core_type = #tpu.core_type<sc_vector_subcore>, window_params = [{transform_indices = #map}, {transform_indices = #map1}, {transform_indices = #map1}]} {
    %mul3A = arith.constant 2 : i32
    %mul3A_0 = arith.muli %arg1, %mul3A : i32
    %add3A = arith.addi %mul3A_0, %arg0 : i32
    %mul3A_1 = arith.constant 32 : i32
    %mul3A_2 = arith.muli %add3A, %mul3A_1 : i32
    %mul3A_3 = arith.constant 3 : i32
    %mul3A_4 = arith.muli %mul3A_2, %mul3A_3 : i32
    %mul3A_5 = arith.constant 200 : i32
    %mul3A_6 = arith.muli %mul3A_4, %mul3A_5 : i32
    "tpu.region"() ({
      %run_scoped3A = tpu.sem_alloc : memref<!tpu.dma_semaphore, #tpu.memory_space<semaphore_mem>>
      %dma_start3A_35 = tpu.memref_slice %arg2[%mul3A_6] : memref<614400xi32, #tpu.memory_space<hbm>> -> memref<19200xi32, #tpu.memory_space<hbm>>
      %dma_start3A_36 = tpu.memref_slice %arg2[%mul3A_6] : memref<614400xi32, #tpu.memory_space<hbm>> -> memref<19200xi32, #tpu.memory_space<hbm>>
      tpu.enqueue_dma source(%dma_start3A_36 : memref<19200xi32, #tpu.memory_space<hbm>>) target(%arg5 : memref<19200xi32, #tpu.memory_space<vmem>>) target_semaphore(%run_scoped3A : memref<!tpu.dma_semaphore, #tpu.memory_space<semaphore_mem>>)
      %dma_wait3A_37 = tpu.memref_slice %arg2[%mul3A_6] : memref<614400xi32, #tpu.memory_space<hbm>> -> memref<19200xi32, #tpu.memory_space<hbm>>
      %dma_wait3A_38 = tpu.memref_slice %arg2[%mul3A_6] : memref<614400xi32, #tpu.memory_space<hbm>> -> memref<19200xi32, #tpu.memory_space<hbm>>
      tpu.wait_dma2 semaphore(%run_scoped3A : memref<!tpu.dma_semaphore, #tpu.memory_space<semaphore_mem>>) src(%dma_wait3A_38 : memref<19200xi32, #tpu.memory_space<hbm>>) dst(%arg5 : memref<19200xi32, #tpu.memory_space<vmem>>)
      tpu.yield
    }) : () -> ()
    %iota3A = tpu.iota {dimensions = array<i32: 0>} : vector<16xi32>
    %mul3A_7 = arith.constant 0 : i32
    %mul3A_8 = vector.broadcast %mul3A_7 : i32 to vector<16xi32>
    %mul3A_9 = arith.muli %iota3A, %mul3A_8 : vector<16xi32>
    %dma_start3A = arith.constant 0 : i32
    %dma_start3A_10 = tpu.memref_slice %arg5[%dma_start3A] : memref<19200xi32, #tpu.memory_space<vmem>> -> memref<200xi32, #tpu.memory_space<vmem>>
    %dma_start3A_11 = arith.constant 0 : i32
    %dma_start3A_12 = arith.constant 0 : i32
    %dma_start3A_13 = tpu.memref_slice %arg3[%dma_start3A_11, %dma_start3A_12] : memref<400000x128xf32, #tpu.memory_space<hbm>> -> memref<400000x128xf32, #tpu.memory_space<hbm>>
    tpu.enqueue_indirect_dma source(%dma_start3A_13 : memref<400000x128xf32, #tpu.memory_space<hbm>>) target(%arg6 : memref<200x128xf32, #tpu.memory_space<vmem>>) offsets(%dma_start3A_10 : memref<200xi32, #tpu.memory_space<vmem>>) semaphore(%arg12 : memref<!tpu.dma_semaphore, #tpu.memory_space<semaphore_mem>>)
    %dma_start3A_14 = arith.constant 200 : i32
    %dma_start3A_15 = tpu.memref_slice %arg5[%dma_start3A_14] : memref<19200xi32, #tpu.memory_space<vmem>> -> memref<200xi32, #tpu.memory_space<vmem>>
    %dma_start3A_16 = arith.constant 0 : i32
    %dma_start3A_17 = arith.constant 0 : i32
    %dma_start3A_18 = tpu.memref_slice %arg3[%dma_start3A_16, %dma_start3A_17] : memref<400000x128xf32, #tpu.memory_space<hbm>> -> memref<400000x128xf32, #tpu.memory_space<hbm>>
    tpu.enqueue_indirect_dma source(%dma_start3A_18 : memref<400000x128xf32, #tpu.memory_space<hbm>>) target(%arg7 : memref<200x128xf32, #tpu.memory_space<vmem>>) offsets(%dma_start3A_15 : memref<200xi32, #tpu.memory_space<vmem>>) semaphore(%arg13 : memref<!tpu.dma_semaphore, #tpu.memory_space<semaphore_mem>>)
    %scan3A = arith.constant 0 : i32
    %scan3A_19 = arith.constant 0 : i32
    %scan3A_20 = arith.constant 32 : i32
    %scan3A_21 = arith.addi %scan3A_19, %scan3A_20 : i32
    %scan3A_22 = arith.constant 1 : i32
    scf.for %scan3A_35 = %scan3A_19 to %scan3A_21 step %scan3A_22  : i32 {
      %add3A_36 = arith.constant 1 : i32
      %add3A_37 = arith.addi %scan3A_35, %add3A_36 : i32
      %min3A = arith.constant 31 : i32
      %min3A_38 = arith.minsi %add3A_37, %min3A : i32
      %dma_wait3A_39 = arith.constant 0 : i32
      %dma_wait3A_40 = arith.constant 0 : i32
      %dma_wait3A_41 = tpu.memref_slice %arg3[%dma_wait3A_39, %dma_wait3A_40] : memref<400000x128xf32, #tpu.memory_space<hbm>> -> memref<200x128xf32, #tpu.memory_space<hbm>>
      %dma_wait3A_42 = arith.constant 0 : i32
      %dma_wait3A_43 = arith.constant 0 : i32
      %dma_wait3A_44 = tpu.memref_slice %arg3[%dma_wait3A_42, %dma_wait3A_43] : memref<400000x128xf32, #tpu.memory_space<hbm>> -> memref<200x128xf32, #tpu.memory_space<hbm>>
      tpu.wait_dma2 semaphore(%arg12 : memref<!tpu.dma_semaphore, #tpu.memory_space<semaphore_mem>>) src(%dma_wait3A_44 : memref<200x128xf32, #tpu.memory_space<hbm>>) dst(%arg6 : memref<200x128xf32, #tpu.memory_space<vmem>>)
      %mul3A_45 = arith.constant 3 : i32
      %mul3A_46 = arith.muli %scan3A_35, %mul3A_45 : i32
      %mul3A_47 = arith.constant 200 : i32
      %mul3A_48 = arith.muli %mul3A_46, %mul3A_47 : i32
      %add3A_49 = arith.constant 400 : i32
      %add3A_50 = arith.addi %mul3A_48, %add3A_49 : i32
      %dma_start3A_51 = tpu.memref_slice %arg5[%add3A_50] : memref<19200xi32, #tpu.memory_space<vmem>> -> memref<200xi32, #tpu.memory_space<vmem>>
      %dma_start3A_52 = arith.constant 0 : i32
      %dma_start3A_53 = arith.constant 0 : i32
      %dma_start3A_54 = tpu.memref_slice %arg3[%dma_start3A_52, %dma_start3A_53] : memref<400000x128xf32, #tpu.memory_space<hbm>> -> memref<400000x128xf32, #tpu.memory_space<hbm>>
      tpu.enqueue_indirect_dma source(%dma_start3A_54 : memref<400000x128xf32, #tpu.memory_space<hbm>>) target(%arg8 : memref<200x128xf32, #tpu.memory_space<vmem>>) offsets(%dma_start3A_51 : memref<200xi32, #tpu.memory_space<vmem>>) semaphore(%arg14 : memref<!tpu.dma_semaphore, #tpu.memory_space<semaphore_mem>>)
      %broadcast_in_dim3A = arith.constant 0.000000e+00 : f32
      %broadcast_in_dim3A_55 = vector.broadcast %broadcast_in_dim3A : f32 to vector<16xf32>
      %broadcast_in_dim3A_56 = arith.constant 0.000000e+00 : f32
      %broadcast_in_dim3A_57 = vector.broadcast %broadcast_in_dim3A_56 : f32 to vector<16xf32>
      %broadcast_in_dim3A_58 = arith.constant 0.000000e+00 : f32
      %broadcast_in_dim3A_59 = vector.broadcast %broadcast_in_dim3A_58 : f32 to vector<16xf32>
      %broadcast_in_dim3A_60 = arith.constant 0.000000e+00 : f32
      %broadcast_in_dim3A_61 = vector.broadcast %broadcast_in_dim3A_60 : f32 to vector<16xf32>
      %broadcast_in_dim3A_62 = arith.constant 0.000000e+00 : f32
      %broadcast_in_dim3A_63 = vector.broadcast %broadcast_in_dim3A_62 : f32 to vector<16xf32>
      %broadcast_in_dim3A_64 = arith.constant 0.000000e+00 : f32
      %broadcast_in_dim3A_65 = vector.broadcast %broadcast_in_dim3A_64 : f32 to vector<16xf32>
      %broadcast_in_dim3A_66 = arith.constant 0.000000e+00 : f32
      %broadcast_in_dim3A_67 = vector.broadcast %broadcast_in_dim3A_66 : f32 to vector<16xf32>
      %broadcast_in_dim3A_68 = arith.constant 0.000000e+00 : f32
      %broadcast_in_dim3A_69 = vector.broadcast %broadcast_in_dim3A_68 : f32 to vector<16xf32>
      %parallel_loop3A = arith.constant 0 : i32
      %parallel_loop3A_70 = arith.constant 50 : i32
      %parallel_loop3A_71 = arith.constant 1 : i32
      %parallel_loop3A_72:8 = scf.for %parallel_loop3A_490 = %parallel_loop3A to %parallel_loop3A_70 step %parallel_loop3A_71 iter_args(%parallel_loop3A_491 = %broadcast_in_dim3A_55, %parallel_loop3A_492 = %broadcast_in_dim3A_57, %parallel_loop3A_493 = %broadcast_in_dim3A_59, %parallel_loop3A_494 = %broadcast_in_dim3A_61, %parallel_loop3A_495 = %broadcast_in_dim3A_63, %parallel_loop3A_496 = %broadcast_in_dim3A_65, %parallel_loop3A_497 = %broadcast_in_dim3A_67, %parallel_loop3A_498 = %broadcast_in_dim3A_69) -> (vector<16xf32>, vector<16xf32>, vector<16xf32>, vector<16xf32>, vector<16xf32>, vector<16xf32>, vector<16xf32>, vector<16xf32>)  : i32 {
        %parallel_loop3A_499 = arith.constant 4 : i32
        %parallel_loop3A_500 = arith.muli %parallel_loop3A_499, %parallel_loop3A_490 : i32
        %parallel_loop3A_501 = arith.index_cast %parallel_loop3A_500 : i32 to index
        %parallel_loop3A_502 = arith.constant 0 : index
        %parallel_loop3A_503 = tpu.vector_load %arg6[%parallel_loop3A_501, %parallel_loop3A_502] {strides = array<i32>} : memref<200x128xf32, #tpu.memory_space<vmem>>, vector<1x16xf32>,
        %parallel_loop3A_504 = vector.shape_cast %parallel_loop3A_503 : vector<1x16xf32> to vector<16xf32>
        %parallel_loop3A_505 = arith.constant 4 : i32
        %parallel_loop3A_506 = arith.muli %parallel_loop3A_505, %parallel_loop3A_490 : i32
        %parallel_loop3A_507 = arith.constant 1 : i32
        %parallel_loop3A_508 = arith.addi %parallel_loop3A_506, %parallel_loop3A_507 : i32
        %parallel_loop3A_509 = arith.index_cast %parallel_loop3A_508 : i32 to index
        %parallel_loop3A_510 = arith.constant 0 : index
        %parallel_loop3A_511 = tpu.vector_load %arg6[%parallel_loop3A_509, %parallel_loop3A_510] {strides = array<i32>} : memref<200x128xf32, #tpu.memory_space<vmem>>, vector<1x16xf32>,
        %parallel_loop3A_512 = vector.shape_cast %parallel_loop3A_511 : vector<1x16xf32> to vector<16xf32>
        %parallel_loop3A_513 = arith.addf %parallel_loop3A_504, %parallel_loop3A_512 : vector<16xf32>
        %parallel_loop3A_514 = arith.constant 4 : i32
        %parallel_loop3A_515 = arith.muli %parallel_loop3A_514, %parallel_loop3A_490 : i32
        %parallel_loop3A_516 = arith.constant 2 : i32
        %parallel_loop3A_517 = arith.addi %parallel_loop3A_515, %parallel_loop3A_516 : i32
        %parallel_loop3A_518 = arith.index_cast %parallel_loop3A_517 : i32 to index
        %parallel_loop3A_519 = arith.constant 0 : index
        %parallel_loop3A_520 = tpu.vector_load %arg6[%parallel_loop3A_518, %parallel_loop3A_519] {strides = array<i32>} : memref<200x128xf32, #tpu.memory_space<vmem>>, vector<1x16xf32>,
        %parallel_loop3A_521 = vector.shape_cast %parallel_loop3A_520 : vector<1x16xf32> to vector<16xf32>
        %parallel_loop3A_522 = arith.addf %parallel_loop3A_513, %parallel_loop3A_521 : vector<16xf32>
        %parallel_loop3A_523 = arith.constant 4 : i32
        %parallel_loop3A_524 = arith.muli %parallel_loop3A_523, %parallel_loop3A_490 : i32
        %parallel_loop3A_525 = arith.constant 3 : i32
        %parallel_loop3A_526 = arith.addi %parallel_loop3A_524, %parallel_loop3A_525 : i32
        %parallel_loop3A_527 = arith.index_cast %parallel_loop3A_526 : i32 to index
        %parallel_loop3A_528 = arith.constant 0 : index
        %parallel_loop3A_529 = tpu.vector_load %arg6[%parallel_loop3A_527, %parallel_loop3A_528] {strides = array<i32>} : memref<200x128xf32, #tpu.memory_space<vmem>>, vector<1x16xf32>,
        %parallel_loop3A_530 = vector.shape_cast %parallel_loop3A_529 : vector<1x16xf32> to vector<16xf32>
        %parallel_loop3A_531 = arith.addf %parallel_loop3A_522, %parallel_loop3A_530 : vector<16xf32>
        %parallel_loop3A_532 = arith.index_cast %parallel_loop3A_490 : i32 to index
        %parallel_loop3A_533 = arith.constant 0 : index
        %parallel_loop3A_534 = tpu.vector_load %arg9[%parallel_loop3A_532, %parallel_loop3A_533] {strides = array<i32>} : memref<50x128xf32, #tpu.memory_space<vmem>>, vector<1x16xf32>,
        %parallel_loop3A_535 = vector.shape_cast %parallel_loop3A_534 : vector<1x16xf32> to vector<16xf32>
        %parallel_loop3A_536 = vector.shape_cast %parallel_loop3A_531 : vector<16xf32> to vector<1x16xf32>
        tpu.vector_store %arg9[%parallel_loop3A_532, %parallel_loop3A_533], %parallel_loop3A_536 {strides = array<i32>} : memref<50x128xf32, #tpu.memory_space<vmem>>, vector<1x16xf32>,
        %parallel_loop3A_537 = arith.addf %parallel_loop3A_491, %parallel_loop3A_531 : vector<16xf32>
        %parallel_loop3A_538 = arith.constant 4 : i32
        %parallel_loop3A_539 = arith.muli %parallel_loop3A_538, %parallel_loop3A_490 : i32
        %parallel_loop3A_540 = arith.index_cast %parallel_loop3A_539 : i32 to index
        %parallel_loop3A_541 = arith.constant 16 : index
        %parallel_loop3A_542 = tpu.vector_load %arg6[%parallel_loop3A_540, %parallel_loop3A_541] {strides = array<i32>} : memref<200x128xf32, #tpu.memory_space<vmem>>, vector<1x16xf32>,
        %parallel_loop3A_543 = vector.shape_cast %parallel_loop3A_542 : vector<1x16xf32> to vector<16xf32>
        %parallel_loop3A_544 = arith.constant 4 : i32
        %parallel_loop3A_545 = arith.muli %parallel_loop3A_544, %parallel_loop3A_490 : i32
        %parallel_loop3A_546 = arith.constant 1 : i32
        %parallel_loop3A_547 = arith.addi %parallel_loop3A_545, %parallel_loop3A_546 : i32
        %parallel_loop3A_548 = arith.index_cast %parallel_loop3A_547 : i32 to index
        %parallel_loop3A_549 = arith.constant 16 : index
        %parallel_loop3A_550 = tpu.vector_load %arg6[%parallel_loop3A_548, %parallel_loop3A_549] {strides = array<i32>} : memref<200x128xf32, #tpu.memory_space<vmem>>, vector<1x16xf32>,
        %parallel_loop3A_551 = vector.shape_cast %parallel_loop3A_550 : vector<1x16xf32> to vector<16xf32>
        %parallel_loop3A_552 = arith.addf %parallel_loop3A_543, %parallel_loop3A_551 : vector<16xf32>
        %parallel_loop3A_553 = arith.constant 4 : i32
        %parallel_loop3A_554 = arith.muli %parallel_loop3A_553, %parallel_loop3A_490 : i32
        %parallel_loop3A_555 = arith.constant 2 : i32
        %parallel_loop3A_556 = arith.addi %parallel_loop3A_554, %parallel_loop3A_555 : i32
        %parallel_loop3A_557 = arith.index_cast %parallel_loop3A_556 : i32 to index
        %parallel_loop3A_558 = arith.constant 16 : index
        %parallel_loop3A_559 = tpu.vector_load %arg6[%parallel_loop3A_557, %parallel_loop3A_558] {strides = array<i32>} : memref<200x128xf32, #tpu.memory_space<vmem>>, vector<1x16xf32>,
        %parallel_loop3A_560 = vector.shape_cast %parallel_loop3A_559 : vector<1x16xf32> to vector<16xf32>
        %parallel_loop3A_561 = arith.addf %parallel_loop3A_552, %parallel_loop3A_560 : vector<16xf32>
        %parallel_loop3A_562 = arith.constant 4 : i32
        %parallel_loop3A_563 = arith.muli %parallel_loop3A_562, %parallel_loop3A_490 : i32
        %parallel_loop3A_564 = arith.constant 3 : i32
        %parallel_loop3A_565 = arith.addi %parallel_loop3A_563, %parallel_loop3A_564 : i32
        %parallel_loop3A_566 = arith.index_cast %parallel_loop3A_565 : i32 to index
        %parallel_loop3A_567 = arith.constant 16 : index
        %parallel_loop3A_568 = tpu.vector_load %arg6[%parallel_loop3A_566, %parallel_loop3A_567] {strides = array<i32>} : memref<200x128xf32, #tpu.memory_space<vmem>>, vector<1x16xf32>,
        %parallel_loop3A_569 = vector.shape_cast %parallel_loop3A_568 : vector<1x16xf32> to vector<16xf32>
        %parallel_loop3A_570 = arith.addf %parallel_loop3A_561, %parallel_loop3A_569 : vector<16xf32>
        %parallel_loop3A_571 = arith.index_cast %parallel_loop3A_490 : i32 to index
        %parallel_loop3A_572 = arith.constant 16 : index
        %parallel_loop3A_573 = tpu.vector_load %arg9[%parallel_loop3A_571, %parallel_loop3A_572] {strides = array<i32>} : memref<50x128xf32, #tpu.memory_space<vmem>>, vector<1x16xf32>,
        %parallel_loop3A_574 = vector.shape_cast %parallel_loop3A_573 : vector<1x16xf32> to vector<16xf32>
        %parallel_loop3A_575 = vector.shape_cast %parallel_loop3A_570 : vector<16xf32> to vector<1x16xf32>
        tpu.vector_store %arg9[%parallel_loop3A_571, %parallel_loop3A_572], %parallel_loop3A_575 {strides = array<i32>} : memref<50x128xf32, #tpu.memory_space<vmem>>, vector<1x16xf32>,
        %parallel_loop3A_576 = arith.addf %parallel_loop3A_492, %parallel_loop3A_570 : vector<16xf32>
        %parallel_loop3A_577 = arith.constant 4 : i32
        %parallel_loop3A_578 = arith.muli %parallel_loop3A_577, %parallel_loop3A_490 : i32
        %parallel_loop3A_579 = arith.index_cast %parallel_loop3A_578 : i32 to index
        %parallel_loop3A_580 = arith.constant 32 : index
        %parallel_loop3A_581 = tpu.vector_load %arg6[%parallel_loop3A_579, %parallel_loop3A_580] {strides = array<i32>} : memref<200x128xf32, #tpu.memory_space<vmem>>, vector<1x16xf32>,
        %parallel_loop3A_582 = vector.shape_cast %parallel_loop3A_581 : vector<1x16xf32> to vector<16xf32>
        %parallel_loop3A_583 = arith.constant 4 : i32
        %parallel_loop3A_584 = arith.muli %parallel_loop3A_583, %parallel_loop3A_490 : i32
        %parallel_loop3A_585 = arith.constant 1 : i32
        %parallel_loop3A_586 = arith.addi %parallel_loop3A_584, %parallel_loop3A_585 : i32
        %parallel_loop3A_587 = arith.index_cast %parallel_loop3A_586 : i32 to index
        %parallel_loop3A_588 = arith.constant 32 : index
        %parallel_loop3A_589 = tpu.vector_load %arg6[%parallel_loop3A_587, %parallel_loop3A_588] {strides = array<i32>} : memref<200x128xf32, #tpu.memory_space<vmem>>, vector<1x16xf32>,
        %parallel_loop3A_590 = vector.shape_cast %parallel_loop3A_589 : vector<1x16xf32> to vector<16xf32>
        %parallel_loop3A_591 = arith.addf %parallel_loop3A_582, %parallel_loop3A_590 : vector<16xf32>
        %parallel_loop3A_592 = arith.constant 4 : i32
        %parallel_loop3A_593 = arith.muli %parallel_loop3A_592, %parallel_loop3A_490 : i32
        %parallel_loop3A_594 = arith.constant 2 : i32
        %parallel_loop3A_595 = arith.addi %parallel_loop3A_593, %parallel_loop3A_594 : i32
        %parallel_loop3A_596 = arith.index_cast %parallel_loop3A_595 : i32 to index
        %parallel_loop3A_597 = arith.constant 32 : index
        %parallel_loop3A_598 = tpu.vector_load %arg6[%parallel_loop3A_596, %parallel_loop3A_597] {strides = array<i32>} : memref<200x128xf32, #tpu.memory_space<vmem>>, vector<1x16xf32>,
        %parallel_loop3A_599 = vector.shape_cast %parallel_loop3A_598 : vector<1x16xf32> to vector<16xf32>
        %parallel_loop3A_600 = arith.addf %parallel_loop3A_591, %parallel_loop3A_599 : vector<16xf32>
        %parallel_loop3A_601 = arith.constant 4 : i32
        %parallel_loop3A_602 = arith.muli %parallel_loop3A_601, %parallel_loop3A_490 : i32
        %parallel_loop3A_603 = arith.constant 3 : i32
        %parallel_loop3A_604 = arith.addi %parallel_loop3A_602, %parallel_loop3A_603 : i32
        %parallel_loop3A_605 = arith.index_cast %parallel_loop3A_604 : i32 to index
        %parallel_loop3A_606 = arith.constant 32 : index
        %parallel_loop3A_607 = tpu.vector_load %arg6[%parallel_loop3A_605, %parallel_loop3A_606] {strides = array<i32>} : memref<200x128xf32, #tpu.memory_space<vmem>>, vector<1x16xf32>,
        %parallel_loop3A_608 = vector.shape_cast %parallel_loop3A_607 : vector<1x16xf32> to vector<16xf32>
        %parallel_loop3A_609 = arith.addf %parallel_loop3A_600, %parallel_loop3A_608 : vector<16xf32>
        %parallel_loop3A_610 = arith.index_cast %parallel_loop3A_490 : i32 to index
        %parallel_loop3A_611 = arith.constant 32 : index
        %parallel_loop3A_612 = tpu.vector_load %arg9[%parallel_loop3A_610, %parallel_loop3A_611] {strides = array<i32>} : memref<50x128xf32, #tpu.memory_space<vmem>>, vector<1x16xf32>,
        %parallel_loop3A_613 = vector.shape_cast %parallel_loop3A_612 : vector<1x16xf32> to vector<16xf32>
        %parallel_loop3A_614 = vector.shape_cast %parallel_loop3A_609 : vector<16xf32> to vector<1x16xf32>
        tpu.vector_store %arg9[%parallel_loop3A_610, %parallel_loop3A_611], %parallel_loop3A_614 {strides = array<i32>} : memref<50x128xf32, #tpu.memory_space<vmem>>, vector<1x16xf32>,
        %parallel_loop3A_615 = arith.addf %parallel_loop3A_493, %parallel_loop3A_609 : vector<16xf32>
        %parallel_loop3A_616 = arith.constant 4 : i32
        %parallel_loop3A_617 = arith.muli %parallel_loop3A_616, %parallel_loop3A_490 : i32
        %parallel_loop3A_618 = arith.index_cast %parallel_loop3A_617 : i32 to index
        %parallel_loop3A_619 = arith.constant 48 : index
        %parallel_loop3A_620 = tpu.vector_load %arg6[%parallel_loop3A_618, %parallel_loop3A_619] {strides = array<i32>} : memref<200x128xf32, #tpu.memory_space<vmem>>, vector<1x16xf32>,
        %parallel_loop3A_621 = vector.shape_cast %parallel_loop3A_620 : vector<1x16xf32> to vector<16xf32>
        %parallel_loop3A_622 = arith.constant 4 : i32
        %parallel_loop3A_623 = arith.muli %parallel_loop3A_622, %parallel_loop3A_490 : i32
        %parallel_loop3A_624 = arith.constant 1 : i32
        %parallel_loop3A_625 = arith.addi %parallel_loop3A_623, %parallel_loop3A_624 : i32
        %parallel_loop3A_626 = arith.index_cast %parallel_loop3A_625 : i32 to index
        %parallel_loop3A_627 = arith.constant 48 : index
        %parallel_loop3A_628 = tpu.vector_load %arg6[%parallel_loop3A_626, %parallel_loop3A_627] {strides = array<i32>} : memref<200x128xf32, #tpu.memory_space<vmem>>, vector<1x16xf32>,
        %parallel_loop3A_629 = vector.shape_cast %parallel_loop3A_628 : vector<1x16xf32> to vector<16xf32>
        %parallel_loop3A_630 = arith.addf %parallel_loop3A_621, %parallel_loop3A_629 : vector<16xf32>
        %parallel_loop3A_631 = arith.constant 4 : i32
        %parallel_loop3A_632 = arith.muli %parallel_loop3A_631, %parallel_loop3A_490 : i32
        %parallel_loop3A_633 = arith.constant 2 : i32
        %parallel_loop3A_634 = arith.addi %parallel_loop3A_632, %parallel_loop3A_633 : i32
        %parallel_loop3A_635 = arith.index_cast %parallel_loop3A_634 : i32 to index
        %parallel_loop3A_636 = arith.constant 48 : index
        %parallel_loop3A_637 = tpu.vector_load %arg6[%parallel_loop3A_635, %parallel_loop3A_636] {strides = array<i32>} : memref<200x128xf32, #tpu.memory_space<vmem>>, vector<1x16xf32>,
        %parallel_loop3A_638 = vector.shape_cast %parallel_loop3A_637 : vector<1x16xf32> to vector<16xf32>
        %parallel_loop3A_639 = arith.addf %parallel_loop3A_630, %parallel_loop3A_638 : vector<16xf32>
        %parallel_loop3A_640 = arith.constant 4 : i32
        %parallel_loop3A_641 = arith.muli %parallel_loop3A_640, %parallel_loop3A_490 : i32
        %parallel_loop3A_642 = arith.constant 3 : i32
        %parallel_loop3A_643 = arith.addi %parallel_loop3A_641, %parallel_loop3A_642 : i32
        %parallel_loop3A_644 = arith.index_cast %parallel_loop3A_643 : i32 to index
        %parallel_loop3A_645 = arith.constant 48 : index
        %parallel_loop3A_646 = tpu.vector_load %arg6[%parallel_loop3A_644, %parallel_loop3A_645] {strides = array<i32>} : memref<200x128xf32, #tpu.memory_space<vmem>>, vector<1x16xf32>,
        %parallel_loop3A_647 = vector.shape_cast %parallel_loop3A_646 : vector<1x16xf32> to vector<16xf32>
        %parallel_loop3A_648 = arith.addf %parallel_loop3A_639, %parallel_loop3A_647 : vector<16xf32>
        %parallel_loop3A_649 = arith.index_cast %parallel_loop3A_490 : i32 to index
        %parallel_loop3A_650 = arith.constant 48 : index
        %parallel_loop3A_651 = tpu.vector_load %arg9[%parallel_loop3A_649, %parallel_loop3A_650] {strides = array<i32>} : memref<50x128xf32, #tpu.memory_space<vmem>>, vector<1x16xf32>,
        %parallel_loop3A_652 = vector.shape_cast %parallel_loop3A_651 : vector<1x16xf32> to vector<16xf32>
        %parallel_loop3A_653 = vector.shape_cast %parallel_loop3A_648 : vector<16xf32> to vector<1x16xf32>
        tpu.vector_store %arg9[%parallel_loop3A_649, %parallel_loop3A_650], %parallel_loop3A_653 {strides = array<i32>} : memref<50x128xf32, #tpu.memory_space<vmem>>, vector<1x16xf32>,
        %parallel_loop3A_654 = arith.addf %parallel_loop3A_494, %parallel_loop3A_648 : vector<16xf32>
        %parallel_loop3A_655 = arith.constant 4 : i32
        %parallel_loop3A_656 = arith.muli %parallel_loop3A_655, %parallel_loop3A_490 : i32
        %parallel_loop3A_657 = arith.index_cast %parallel_loop3A_656 : i32 to index
        %parallel_loop3A_658 = arith.constant 64 : index
        %parallel_loop3A_659 = tpu.vector_load %arg6[%parallel_loop3A_657, %parallel_loop3A_658] {strides = array<i32>} : memref<200x128xf32, #tpu.memory_space<vmem>>, vector<1x16xf32>,
        %parallel_loop3A_660 = vector.shape_cast %parallel_loop3A_659 : vector<1x16xf32> to vector<16xf32>
        %parallel_loop3A_661 = arith.constant 4 : i32
        %parallel_loop3A_662 = arith.muli %parallel_loop3A_661, %parallel_loop3A_490 : i32
        %parallel_loop3A_663 = arith.constant 1 : i32
        %parallel_loop3A_664 = arith.addi %parallel_loop3A_662, %parallel_loop3A_663 : i32
        %parallel_loop3A_665 = arith.index_cast %parallel_loop3A_664 : i32 to index
        %parallel_loop3A_666 = arith.constant 64 : index
        %parallel_loop3A_667 = tpu.vector_load %arg6[%parallel_loop3A_665, %parallel_loop3A_666] {strides = array<i32>} : memref<200x128xf32, #tpu.memory_space<vmem>>, vector<1x16xf32>,
        %parallel_loop3A_668 = vector.shape_cast %parallel_loop3A_667 : vector<1x16xf32> to vector<16xf32>
        %parallel_loop3A_669 = arith.addf %parallel_loop3A_660, %parallel_loop3A_668 : vector<16xf32>
        %parallel_loop3A_670 = arith.constant 4 : i32
        %parallel_loop3A_671 = arith.muli %parallel_loop3A_670, %parallel_loop3A_490 : i32
        %parallel_loop3A_672 = arith.constant 2 : i32
        %parallel_loop3A_673 = arith.addi %parallel_loop3A_671, %parallel_loop3A_672 : i32
        %parallel_loop3A_674 = arith.index_cast %parallel_loop3A_673 : i32 to index
        %parallel_loop3A_675 = arith.constant 64 : index
        %parallel_loop3A_676 = tpu.vector_load %arg6[%parallel_loop3A_674, %parallel_loop3A_675] {strides = array<i32>} : memref<200x128xf32, #tpu.memory_space<vmem>>, vector<1x16xf32>,
        %parallel_loop3A_677 = vector.shape_cast %parallel_loop3A_676 : vector<1x16xf32> to vector<16xf32>
        %parallel_loop3A_678 = arith.addf %parallel_loop3A_669, %parallel_loop3A_677 : vector<16xf32>
        %parallel_loop3A_679 = arith.constant 4 : i32
        %parallel_loop3A_680 = arith.muli %parallel_loop3A_679, %parallel_loop3A_490 : i32
        %parallel_loop3A_681 = arith.constant 3 : i32
        %parallel_loop3A_682 = arith.addi %parallel_loop3A_680, %parallel_loop3A_681 : i32
        %parallel_loop3A_683 = arith.index_cast %parallel_loop3A_682 : i32 to index
        %parallel_loop3A_684 = arith.constant 64 : index
        %parallel_loop3A_685 = tpu.vector_load %arg6[%parallel_loop3A_683, %parallel_loop3A_684] {strides = array<i32>} : memref<200x128xf32, #tpu.memory_space<vmem>>, vector<1x16xf32>,
        %parallel_loop3A_686 = vector.shape_cast %parallel_loop3A_685 : vector<1x16xf32> to vector<16xf32>
        %parallel_loop3A_687 = arith.addf %parallel_loop3A_678, %parallel_loop3A_686 : vector<16xf32>
        %parallel_loop3A_688 = arith.index_cast %parallel_loop3A_490 : i32 to index
        %parallel_loop3A_689 = arith.constant 64 : index
        %parallel_loop3A_690 = tpu.vector_load %arg9[%parallel_loop3A_688, %parallel_loop3A_689] {strides = array<i32>} : memref<50x128xf32, #tpu.memory_space<vmem>>, vector<1x16xf32>,
        %parallel_loop3A_691 = vector.shape_cast %parallel_loop3A_690 : vector<1x16xf32> to vector<16xf32>
        %parallel_loop3A_692 = vector.shape_cast %parallel_loop3A_687 : vector<16xf32> to vector<1x16xf32>
        tpu.vector_store %arg9[%parallel_loop3A_688, %parallel_loop3A_689], %parallel_loop3A_692 {strides = array<i32>} : memref<50x128xf32, #tpu.memory_space<vmem>>, vector<1x16xf32>,
        %parallel_loop3A_693 = arith.addf %parallel_loop3A_495, %parallel_loop3A_687 : vector<16xf32>
        %parallel_loop3A_694 = arith.constant 4 : i32
        %parallel_loop3A_695 = arith.muli %parallel_loop3A_694, %parallel_loop3A_490 : i32
        %parallel_loop3A_696 = arith.index_cast %parallel_loop3A_695 : i32 to index
        %parallel_loop3A_697 = arith.constant 80 : index
        %parallel_loop3A_698 = tpu.vector_load %arg6[%parallel_loop3A_696, %parallel_loop3A_697] {strides = array<i32>} : memref<200x128xf32, #tpu.memory_space<vmem>>, vector<1x16xf32>,
        %parallel_loop3A_699 = vector.shape_cast %parallel_loop3A_698 : vector<1x16xf32> to vector<16xf32>
        %parallel_loop3A_700 = arith.constant 4 : i32
        %parallel_loop3A_701 = arith.muli %parallel_loop3A_700, %parallel_loop3A_490 : i32
        %parallel_loop3A_702 = arith.constant 1 : i32
        %parallel_loop3A_703 = arith.addi %parallel_loop3A_701, %parallel_loop3A_702 : i32
        %parallel_loop3A_704 = arith.index_cast %parallel_loop3A_703 : i32 to index
        %parallel_loop3A_705 = arith.constant 80 : index
        %parallel_loop3A_706 = tpu.vector_load %arg6[%parallel_loop3A_704, %parallel_loop3A_705] {strides = array<i32>} : memref<200x128xf32, #tpu.memory_space<vmem>>, vector<1x16xf32>,
        %parallel_loop3A_707 = vector.shape_cast %parallel_loop3A_706 : vector<1x16xf32> to vector<16xf32>
        %parallel_loop3A_708 = arith.addf %parallel_loop3A_699, %parallel_loop3A_707 : vector<16xf32>
        %parallel_loop3A_709 = arith.constant 4 : i32
        %parallel_loop3A_710 = arith.muli %parallel_loop3A_709, %parallel_loop3A_490 : i32
        %parallel_loop3A_711 = arith.constant 2 : i32
        %parallel_loop3A_712 = arith.addi %parallel_loop3A_710, %parallel_loop3A_711 : i32
        %parallel_loop3A_713 = arith.index_cast %parallel_loop3A_712 : i32 to index
        %parallel_loop3A_714 = arith.constant 80 : index
        %parallel_loop3A_715 = tpu.vector_load %arg6[%parallel_loop3A_713, %parallel_loop3A_714] {strides = array<i32>} : memref<200x128xf32, #tpu.memory_space<vmem>>, vector<1x16xf32>,
        %parallel_loop3A_716 = vector.shape_cast %parallel_loop3A_715 : vector<1x16xf32> to vector<16xf32>
        %parallel_loop3A_717 = arith.addf %parallel_loop3A_708, %parallel_loop3A_716 : vector<16xf32>
        %parallel_loop3A_718 = arith.constant 4 : i32
        %parallel_loop3A_719 = arith.muli %parallel_loop3A_718, %parallel_loop3A_490 : i32
        %parallel_loop3A_720 = arith.constant 3 : i32
        %parallel_loop3A_721 = arith.addi %parallel_loop3A_719, %parallel_loop3A_720 : i32
        %parallel_loop3A_722 = arith.index_cast %parallel_loop3A_721 : i32 to index
        %parallel_loop3A_723 = arith.constant 80 : index
        %parallel_loop3A_724 = tpu.vector_load %arg6[%parallel_loop3A_722, %parallel_loop3A_723] {strides = array<i32>} : memref<200x128xf32, #tpu.memory_space<vmem>>, vector<1x16xf32>,
        %parallel_loop3A_725 = vector.shape_cast %parallel_loop3A_724 : vector<1x16xf32> to vector<16xf32>
        %parallel_loop3A_726 = arith.addf %parallel_loop3A_717, %parallel_loop3A_725 : vector<16xf32>
        %parallel_loop3A_727 = arith.index_cast %parallel_loop3A_490 : i32 to index
        %parallel_loop3A_728 = arith.constant 80 : index
        %parallel_loop3A_729 = tpu.vector_load %arg9[%parallel_loop3A_727, %parallel_loop3A_728] {strides = array<i32>} : memref<50x128xf32, #tpu.memory_space<vmem>>, vector<1x16xf32>,
        %parallel_loop3A_730 = vector.shape_cast %parallel_loop3A_729 : vector<1x16xf32> to vector<16xf32>
        %parallel_loop3A_731 = vector.shape_cast %parallel_loop3A_726 : vector<16xf32> to vector<1x16xf32>
        tpu.vector_store %arg9[%parallel_loop3A_727, %parallel_loop3A_728], %parallel_loop3A_731 {strides = array<i32>} : memref<50x128xf32, #tpu.memory_space<vmem>>, vector<1x16xf32>,
        %parallel_loop3A_732 = arith.addf %parallel_loop3A_496, %parallel_loop3A_726 : vector<16xf32>
        %parallel_loop3A_733 = arith.constant 4 : i32
        %parallel_loop3A_734 = arith.muli %parallel_loop3A_733, %parallel_loop3A_490 : i32
        %parallel_loop3A_735 = arith.index_cast %parallel_loop3A_734 : i32 to index
        %parallel_loop3A_736 = arith.constant 96 : index
        %parallel_loop3A_737 = tpu.vector_load %arg6[%parallel_loop3A_735, %parallel_loop3A_736] {strides = array<i32>} : memref<200x128xf32, #tpu.memory_space<vmem>>, vector<1x16xf32>,
        %parallel_loop3A_738 = vector.shape_cast %parallel_loop3A_737 : vector<1x16xf32> to vector<16xf32>
        %parallel_loop3A_739 = arith.constant 4 : i32
        %parallel_loop3A_740 = arith.muli %parallel_loop3A_739, %parallel_loop3A_490 : i32
        %parallel_loop3A_741 = arith.constant 1 : i32
        %parallel_loop3A_742 = arith.addi %parallel_loop3A_740, %parallel_loop3A_741 : i32
        %parallel_loop3A_743 = arith.index_cast %parallel_loop3A_742 : i32 to index
        %parallel_loop3A_744 = arith.constant 96 : index
        %parallel_loop3A_745 = tpu.vector_load %arg6[%parallel_loop3A_743, %parallel_loop3A_744] {strides = array<i32>} : memref<200x128xf32, #tpu.memory_space<vmem>>, vector<1x16xf32>,
        %parallel_loop3A_746 = vector.shape_cast %parallel_loop3A_745 : vector<1x16xf32> to vector<16xf32>
        %parallel_loop3A_747 = arith.addf %parallel_loop3A_738, %parallel_loop3A_746 : vector<16xf32>
        %parallel_loop3A_748 = arith.constant 4 : i32
        %parallel_loop3A_749 = arith.muli %parallel_loop3A_748, %parallel_loop3A_490 : i32
        %parallel_loop3A_750 = arith.constant 2 : i32
        %parallel_loop3A_751 = arith.addi %parallel_loop3A_749, %parallel_loop3A_750 : i32
        %parallel_loop3A_752 = arith.index_cast %parallel_loop3A_751 : i32 to index
        %parallel_loop3A_753 = arith.constant 96 : index
        %parallel_loop3A_754 = tpu.vector_load %arg6[%parallel_loop3A_752, %parallel_loop3A_753] {strides = array<i32>} : memref<200x128xf32, #tpu.memory_space<vmem>>, vector<1x16xf32>,
        %parallel_loop3A_755 = vector.shape_cast %parallel_loop3A_754 : vector<1x16xf32> to vector<16xf32>
        %parallel_loop3A_756 = arith.addf %parallel_loop3A_747, %parallel_loop3A_755 : vector<16xf32>
        %parallel_loop3A_757 = arith.constant 4 : i32
        %parallel_loop3A_758 = arith.muli %parallel_loop3A_757, %parallel_loop3A_490 : i32
        %parallel_loop3A_759 = arith.constant 3 : i32
        %parallel_loop3A_760 = arith.addi %parallel_loop3A_758, %parallel_loop3A_759 : i32
        %parallel_loop3A_761 = arith.index_cast %parallel_loop3A_760 : i32 to index
        %parallel_loop3A_762 = arith.constant 96 : index
        %parallel_loop3A_763 = tpu.vector_load %arg6[%parallel_loop3A_761, %parallel_loop3A_762] {strides = array<i32>} : memref<200x128xf32, #tpu.memory_space<vmem>>, vector<1x16xf32>,
        %parallel_loop3A_764 = vector.shape_cast %parallel_loop3A_763 : vector<1x16xf32> to vector<16xf32>
        %parallel_loop3A_765 = arith.addf %parallel_loop3A_756, %parallel_loop3A_764 : vector<16xf32>
        %parallel_loop3A_766 = arith.index_cast %parallel_loop3A_490 : i32 to index
        %parallel_loop3A_767 = arith.constant 96 : index
        %parallel_loop3A_768 = tpu.vector_load %arg9[%parallel_loop3A_766, %parallel_loop3A_767] {strides = array<i32>} : memref<50x128xf32, #tpu.memory_space<vmem>>, vector<1x16xf32>,
        %parallel_loop3A_769 = vector.shape_cast %parallel_loop3A_768 : vector<1x16xf32> to vector<16xf32>
        %parallel_loop3A_770 = vector.shape_cast %parallel_loop3A_765 : vector<16xf32> to vector<1x16xf32>
        tpu.vector_store %arg9[%parallel_loop3A_766, %parallel_loop3A_767], %parallel_loop3A_770 {strides = array<i32>} : memref<50x128xf32, #tpu.memory_space<vmem>>, vector<1x16xf32>,
        %parallel_loop3A_771 = arith.addf %parallel_loop3A_497, %parallel_loop3A_765 : vector<16xf32>
        %parallel_loop3A_772 = arith.constant 4 : i32
        %parallel_loop3A_773 = arith.muli %parallel_loop3A_772, %parallel_loop3A_490 : i32
        %parallel_loop3A_774 = arith.index_cast %parallel_loop3A_773 : i32 to index
        %parallel_loop3A_775 = arith.constant 112 : index
        %parallel_loop3A_776 = tpu.vector_load %arg6[%parallel_loop3A_774, %parallel_loop3A_775] {strides = array<i32>} : memref<200x128xf32, #tpu.memory_space<vmem>>, vector<1x16xf32>,
        %parallel_loop3A_777 = vector.shape_cast %parallel_loop3A_776 : vector<1x16xf32> to vector<16xf32>
        %parallel_loop3A_778 = arith.constant 4 : i32
        %parallel_loop3A_779 = arith.muli %parallel_loop3A_778, %parallel_loop3A_490 : i32
        %parallel_loop3A_780 = arith.constant 1 : i32
        %parallel_loop3A_781 = arith.addi %parallel_loop3A_779, %parallel_loop3A_780 : i32
        %parallel_loop3A_782 = arith.index_cast %parallel_loop3A_781 : i32 to index
        %parallel_loop3A_783 = arith.constant 112 : index
        %parallel_loop3A_784 = tpu.vector_load %arg6[%parallel_loop3A_782, %parallel_loop3A_783] {strides = array<i32>} : memref<200x128xf32, #tpu.memory_space<vmem>>, vector<1x16xf32>,
        %parallel_loop3A_785 = vector.shape_cast %parallel_loop3A_784 : vector<1x16xf32> to vector<16xf32>
        %parallel_loop3A_786 = arith.addf %parallel_loop3A_777, %parallel_loop3A_785 : vector<16xf32>
        %parallel_loop3A_787 = arith.constant 4 : i32
        %parallel_loop3A_788 = arith.muli %parallel_loop3A_787, %parallel_loop3A_490 : i32
        %parallel_loop3A_789 = arith.constant 2 : i32
        %parallel_loop3A_790 = arith.addi %parallel_loop3A_788, %parallel_loop3A_789 : i32
        %parallel_loop3A_791 = arith.index_cast %parallel_loop3A_790 : i32 to index
        %parallel_loop3A_792 = arith.constant 112 : index
        %parallel_loop3A_793 = tpu.vector_load %arg6[%parallel_loop3A_791, %parallel_loop3A_792] {strides = array<i32>} : memref<200x128xf32, #tpu.memory_space<vmem>>, vector<1x16xf32>,
        %parallel_loop3A_794 = vector.shape_cast %parallel_loop3A_793 : vector<1x16xf32> to vector<16xf32>
        %parallel_loop3A_795 = arith.addf %parallel_loop3A_786, %parallel_loop3A_794 : vector<16xf32>
        %parallel_loop3A_796 = arith.constant 4 : i32
        %parallel_loop3A_797 = arith.muli %parallel_loop3A_796, %parallel_loop3A_490 : i32
        %parallel_loop3A_798 = arith.constant 3 : i32
        %parallel_loop3A_799 = arith.addi %parallel_loop3A_797, %parallel_loop3A_798 : i32
        %parallel_loop3A_800 = arith.index_cast %parallel_loop3A_799 : i32 to index
        %parallel_loop3A_801 = arith.constant 112 : index
        %parallel_loop3A_802 = tpu.vector_load %arg6[%parallel_loop3A_800, %parallel_loop3A_801] {strides = array<i32>} : memref<200x128xf32, #tpu.memory_space<vmem>>, vector<1x16xf32>,
        %parallel_loop3A_803 = vector.shape_cast %parallel_loop3A_802 : vector<1x16xf32> to vector<16xf32>
        %parallel_loop3A_804 = arith.addf %parallel_loop3A_795, %parallel_loop3A_803 : vector<16xf32>
        %parallel_loop3A_805 = arith.index_cast %parallel_loop3A_490 : i32 to index
        %parallel_loop3A_806 = arith.constant 112 : index
        %parallel_loop3A_807 = tpu.vector_load %arg9[%parallel_loop3A_805, %parallel_loop3A_806] {strides = array<i32>} : memref<50x128xf32, #tpu.memory_space<vmem>>, vector<1x16xf32>,
        %parallel_loop3A_808 = vector.shape_cast %parallel_loop3A_807 : vector<1x16xf32> to vector<16xf32>
        %parallel_loop3A_809 = vector.shape_cast %parallel_loop3A_804 : vector<16xf32> to vector<1x16xf32>
        tpu.vector_store %arg9[%parallel_loop3A_805, %parallel_loop3A_806], %parallel_loop3A_809 {strides = array<i32>} : memref<50x128xf32, #tpu.memory_space<vmem>>, vector<1x16xf32>,
        %parallel_loop3A_810 = arith.addf %parallel_loop3A_498, %parallel_loop3A_804 : vector<16xf32>
        scf.yield %parallel_loop3A_537, %parallel_loop3A_576, %parallel_loop3A_615, %parallel_loop3A_654, %parallel_loop3A_693, %parallel_loop3A_732, %parallel_loop3A_771, %parallel_loop3A_810 : vector<16xf32>, vector<16xf32>, vector<16xf32>, vector<16xf32>, vector<16xf32>, vector<16xf32>, vector<16xf32>, vector<16xf32>
      } {sc.loop_unroll_factor = 4 : i64, sc.parallel_access}
      %mul3A_73 = arith.constant 2.000000e-02 : f32
      %mul3A_74 = vector.broadcast %mul3A_73 : f32 to vector<16xf32>
      %mul3A_75 = arith.mulf %parallel_loop3A_72#0, %mul3A_74 : vector<16xf32>
      %mul3A_76 = arith.constant 2.000000e-02 : f32
      %mul3A_77 = vector.broadcast %mul3A_76 : f32 to vector<16xf32>
      %mul3A_78 = arith.mulf %parallel_loop3A_72#1, %mul3A_77 : vector<16xf32>
      %mul3A_79 = arith.constant 2.000000e-02 : f32
      %mul3A_80 = vector.broadcast %mul3A_79 : f32 to vector<16xf32>
      %mul3A_81 = arith.mulf %parallel_loop3A_72#2, %mul3A_80 : vector<16xf32>
      %mul3A_82 = arith.constant 2.000000e-02 : f32
      %mul3A_83 = vector.broadcast %mul3A_82 : f32 to vector<16xf32>
      %mul3A_84 = arith.mulf %parallel_loop3A_72#3, %mul3A_83 : vector<16xf32>
      %mul3A_85 = arith.constant 2.000000e-02 : f32
      %mul3A_86 = vector.broadcast %mul3A_85 : f32 to vector<16xf32>
      %mul3A_87 = arith.mulf %parallel_loop3A_72#4, %mul3A_86 : vector<16xf32>
      %mul3A_88 = arith.constant 2.000000e-02 : f32
      %mul3A_89 = vector.broadcast %mul3A_88 : f32 to vector<16xf32>
      %mul3A_90 = arith.mulf %parallel_loop3A_72#5, %mul3A_89 : vector<16xf32>
      %mul3A_91 = arith.constant 2.000000e-02 : f32
      %mul3A_92 = vector.broadcast %mul3A_91 : f32 to vector<16xf32>
      %mul3A_93 = arith.mulf %parallel_loop3A_72#6, %mul3A_92 : vector<16xf32>
      %mul3A_94 = arith.constant 2.000000e-02 : f32
      %mul3A_95 = vector.broadcast %mul3A_94 : f32 to vector<16xf32>
      %mul3A_96 = arith.mulf %parallel_loop3A_72#7, %mul3A_95 : vector<16xf32>
      %broadcast_in_dim3A_97 = arith.constant -1.000000e+30 : f32
      %broadcast_in_dim3A_98 = vector.broadcast %broadcast_in_dim3A_97 : f32 to vector<16xf32>
      %broadcast_in_dim3A_99 = arith.constant -1.000000e+30 : f32
      %broadcast_in_dim3A_100 = vector.broadcast %broadcast_in_dim3A_99 : f32 to vector<16xf32>
      %broadcast_in_dim3A_101 = arith.constant -1.000000e+30 : f32
      %broadcast_in_dim3A_102 = vector.broadcast %broadcast_in_dim3A_101 : f32 to vector<16xf32>
      %broadcast_in_dim3A_103 = arith.constant -1.000000e+30 : f32
      %broadcast_in_dim3A_104 = vector.broadcast %broadcast_in_dim3A_103 : f32 to vector<16xf32>
      %parallel_loop3A_105 = arith.constant 0 : i32
      %parallel_loop3A_106 = arith.constant 50 : i32
      %parallel_loop3A_107 = arith.constant 1 : i32
      %parallel_loop3A_108:4 = scf.for %parallel_loop3A_490 = %parallel_loop3A_105 to %parallel_loop3A_106 step %parallel_loop3A_107 iter_args(%parallel_loop3A_491 = %broadcast_in_dim3A_98, %parallel_loop3A_492 = %broadcast_in_dim3A_100, %parallel_loop3A_493 = %broadcast_in_dim3A_102, %parallel_loop3A_494 = %broadcast_in_dim3A_104) -> (vector<16xf32>, vector<16xf32>, vector<16xf32>, vector<16xf32>)  : i32 {
        %parallel_loop3A_495 = arith.index_cast %parallel_loop3A_490 : i32 to index
        %parallel_loop3A_496 = arith.constant 0 : index
        %parallel_loop3A_497 = tpu.vector_load %arg9[%parallel_loop3A_495, %parallel_loop3A_496] {strides = array<i32>} : memref<50x128xf32, #tpu.memory_space<vmem>>, vector<1x16xf32>,
        %parallel_loop3A_498 = vector.shape_cast %parallel_loop3A_497 : vector<1x16xf32> to vector<16xf32>
        %parallel_loop3A_499 = arith.mulf %parallel_loop3A_498, %mul3A_75 : vector<16xf32>
        %parallel_loop3A_500 = arith.index_cast %parallel_loop3A_490 : i32 to index
        %parallel_loop3A_501 = arith.constant 16 : index
        %parallel_loop3A_502 = tpu.vector_load %arg9[%parallel_loop3A_500, %parallel_loop3A_501] {strides = array<i32>} : memref<50x128xf32, #tpu.memory_space<vmem>>, vector<1x16xf32>,
        %parallel_loop3A_503 = vector.shape_cast %parallel_loop3A_502 : vector<1x16xf32> to vector<16xf32>
        %parallel_loop3A_504 = arith.mulf %parallel_loop3A_503, %mul3A_78 : vector<16xf32>
        %parallel_loop3A_505 = arith.addf %parallel_loop3A_499, %parallel_loop3A_504 : vector<16xf32>
        %parallel_loop3A_506 = arith.index_cast %parallel_loop3A_490 : i32 to index
        %parallel_loop3A_507 = arith.constant 32 : index
        %parallel_loop3A_508 = tpu.vector_load %arg9[%parallel_loop3A_506, %parallel_loop3A_507] {strides = array<i32>} : memref<50x128xf32, #tpu.memory_space<vmem>>, vector<1x16xf32>,
        %parallel_loop3A_509 = vector.shape_cast %parallel_loop3A_508 : vector<1x16xf32> to vector<16xf32>
        %parallel_loop3A_510 = arith.mulf %parallel_loop3A_509, %mul3A_81 : vector<16xf32>
        %parallel_loop3A_511 = arith.addf %parallel_loop3A_505, %parallel_loop3A_510 : vector<16xf32>
        %parallel_loop3A_512 = arith.index_cast %parallel_loop3A_490 : i32 to index
        %parallel_loop3A_513 = arith.constant 48 : index
        %parallel_loop3A_514 = tpu.vector_load %arg9[%parallel_loop3A_512, %parallel_loop3A_513] {strides = array<i32>} : memref<50x128xf32, #tpu.memory_space<vmem>>, vector<1x16xf32>,
        %parallel_loop3A_515 = vector.shape_cast %parallel_loop3A_514 : vector<1x16xf32> to vector<16xf32>
        %parallel_loop3A_516 = arith.mulf %parallel_loop3A_515, %mul3A_84 : vector<16xf32>
        %parallel_loop3A_517 = arith.addf %parallel_loop3A_511, %parallel_loop3A_516 : vector<16xf32>
        %parallel_loop3A_518 = arith.index_cast %parallel_loop3A_490 : i32 to index
        %parallel_loop3A_519 = arith.constant 64 : index
        %parallel_loop3A_520 = tpu.vector_load %arg9[%parallel_loop3A_518, %parallel_loop3A_519] {strides = array<i32>} : memref<50x128xf32, #tpu.memory_space<vmem>>, vector<1x16xf32>,
        %parallel_loop3A_521 = vector.shape_cast %parallel_loop3A_520 : vector<1x16xf32> to vector<16xf32>
        %parallel_loop3A_522 = arith.mulf %parallel_loop3A_521, %mul3A_87 : vector<16xf32>
        %parallel_loop3A_523 = arith.addf %parallel_loop3A_517, %parallel_loop3A_522 : vector<16xf32>
        %parallel_loop3A_524 = arith.index_cast %parallel_loop3A_490 : i32 to index
        %parallel_loop3A_525 = arith.constant 80 : index
        %parallel_loop3A_526 = tpu.vector_load %arg9[%parallel_loop3A_524, %parallel_loop3A_525] {strides = array<i32>} : memref<50x128xf32, #tpu.memory_space<vmem>>, vector<1x16xf32>,
        %parallel_loop3A_527 = vector.shape_cast %parallel_loop3A_526 : vector<1x16xf32> to vector<16xf32>
        %parallel_loop3A_528 = arith.mulf %parallel_loop3A_527, %mul3A_90 : vector<16xf32>
        %parallel_loop3A_529 = arith.addf %parallel_loop3A_523, %parallel_loop3A_528 : vector<16xf32>
        %parallel_loop3A_530 = arith.index_cast %parallel_loop3A_490 : i32 to index
        %parallel_loop3A_531 = arith.constant 96 : index
        %parallel_loop3A_532 = tpu.vector_load %arg9[%parallel_loop3A_530, %parallel_loop3A_531] {strides = array<i32>} : memref<50x128xf32, #tpu.memory_space<vmem>>, vector<1x16xf32>,
        %parallel_loop3A_533 = vector.shape_cast %parallel_loop3A_532 : vector<1x16xf32> to vector<16xf32>
        %parallel_loop3A_534 = arith.mulf %parallel_loop3A_533, %mul3A_93 : vector<16xf32>
        %parallel_loop3A_535 = arith.addf %parallel_loop3A_529, %parallel_loop3A_534 : vector<16xf32>
        %parallel_loop3A_536 = arith.index_cast %parallel_loop3A_490 : i32 to index
        %parallel_loop3A_537 = arith.constant 112 : index
        %parallel_loop3A_538 = tpu.vector_load %arg9[%parallel_loop3A_536, %parallel_loop3A_537] {strides = array<i32>} : memref<50x128xf32, #tpu.memory_space<vmem>>, vector<1x16xf32>,
        %parallel_loop3A_539 = vector.shape_cast %parallel_loop3A_538 : vector<1x16xf32> to vector<16xf32>
        %parallel_loop3A_540 = arith.mulf %parallel_loop3A_539, %mul3A_96 : vector<16xf32>
        %parallel_loop3A_541 = arith.addf %parallel_loop3A_535, %parallel_loop3A_540 : vector<16xf32>
        %parallel_loop3A_542 = arith.constant 8 : i32
        %parallel_loop3A_543 = vector.broadcast %parallel_loop3A_542 : i32 to vector<16xi32>
        %parallel_loop3A_544 = arith.xori %iota3A, %parallel_loop3A_543 : vector<16xi32>
        %parallel_loop3A_545 = arith.constant 0 : i32
        %parallel_loop3A_546 = vector.broadcast %parallel_loop3A_545 : i32 to vector<16xi32>
        %parallel_loop3A_547 = arith.cmpi slt, %parallel_loop3A_544, %parallel_loop3A_546 : vector<16xi32>
        %parallel_loop3A_548 = arith.constant 16 : i32
        %parallel_loop3A_549 = vector.broadcast %parallel_loop3A_548 : i32 to vector<16xi32>
        %parallel_loop3A_550 = arith.addi %parallel_loop3A_544, %parallel_loop3A_549 : vector<16xi32>
        %parallel_loop3A_551 = arith.select %parallel_loop3A_547, %parallel_loop3A_550, %parallel_loop3A_544 : vector<16xi1>, vector<16xi32>
        %parallel_loop3A_552 = vector.shape_cast %parallel_loop3A_551 : vector<16xi32> to vector<16x1xi32>
        %parallel_loop3A_553 = vector.shape_cast %parallel_loop3A_552 : vector<16x1xi32> to vector<16xi32>
        %parallel_loop3A_554 = tpu.dynamic_gather %parallel_loop3A_541[%parallel_loop3A_553] in [0] : vector<16xf32>, vector<16xi32> -> vector<16xf32>
        %parallel_loop3A_555 = arith.addf %parallel_loop3A_541, %parallel_loop3A_554 : vector<16xf32>
        %parallel_loop3A_556 = arith.constant 4 : i32
        %parallel_loop3A_557 = vector.broadcast %parallel_loop3A_556 : i32 to vector<16xi32>
        %parallel_loop3A_558 = arith.xori %iota3A, %parallel_loop3A_557 : vector<16xi32>
        %parallel_loop3A_559 = arith.constant 0 : i32
        %parallel_loop3A_560 = vector.broadcast %parallel_loop3A_559 : i32 to vector<16xi32>
        %parallel_loop3A_561 = arith.cmpi slt, %parallel_loop3A_558, %parallel_loop3A_560 : vector<16xi32>
        %parallel_loop3A_562 = arith.constant 16 : i32
        %parallel_loop3A_563 = vector.broadcast %parallel_loop3A_562 : i32 to vector<16xi32>
        %parallel_loop3A_564 = arith.addi %parallel_loop3A_558, %parallel_loop3A_563 : vector<16xi32>
        %parallel_loop3A_565 = arith.select %parallel_loop3A_561, %parallel_loop3A_564, %parallel_loop3A_558 : vector<16xi1>, vector<16xi32>
        %parallel_loop3A_566 = vector.shape_cast %parallel_loop3A_565 : vector<16xi32> to vector<16x1xi32>
        %parallel_loop3A_567 = vector.shape_cast %parallel_loop3A_566 : vector<16x1xi32> to vector<16xi32>
        %parallel_loop3A_568 = tpu.dynamic_gather %parallel_loop3A_555[%parallel_loop3A_567] in [0] : vector<16xf32>, vector<16xi32> -> vector<16xf32>
        %parallel_loop3A_569 = arith.addf %parallel_loop3A_555, %parallel_loop3A_568 : vector<16xf32>
        %parallel_loop3A_570 = arith.constant 2 : i32
        %parallel_loop3A_571 = vector.broadcast %parallel_loop3A_570 : i32 to vector<16xi32>
        %parallel_loop3A_572 = arith.xori %iota3A, %parallel_loop3A_571 : vector<16xi32>
        %parallel_loop3A_573 = arith.constant 0 : i32
        %parallel_loop3A_574 = vector.broadcast %parallel_loop3A_573 : i32 to vector<16xi32>
        %parallel_loop3A_575 = arith.cmpi slt, %parallel_loop3A_572, %parallel_loop3A_574 : vector<16xi32>
        %parallel_loop3A_576 = arith.constant 16 : i32
        %parallel_loop3A_577 = vector.broadcast %parallel_loop3A_576 : i32 to vector<16xi32>
        %parallel_loop3A_578 = arith.addi %parallel_loop3A_572, %parallel_loop3A_577 : vector<16xi32>
        %parallel_loop3A_579 = arith.select %parallel_loop3A_575, %parallel_loop3A_578, %parallel_loop3A_572 : vector<16xi1>, vector<16xi32>
        %parallel_loop3A_580 = vector.shape_cast %parallel_loop3A_579 : vector<16xi32> to vector<16x1xi32>
        %parallel_loop3A_581 = vector.shape_cast %parallel_loop3A_580 : vector<16x1xi32> to vector<16xi32>
        %parallel_loop3A_582 = tpu.dynamic_gather %parallel_loop3A_569[%parallel_loop3A_581] in [0] : vector<16xf32>, vector<16xi32> -> vector<16xf32>
        %parallel_loop3A_583 = arith.addf %parallel_loop3A_569, %parallel_loop3A_582 : vector<16xf32>
        %parallel_loop3A_584 = arith.constant 1 : i32
        %parallel_loop3A_585 = vector.broadcast %parallel_loop3A_584 : i32 to vector<16xi32>
        %parallel_loop3A_586 = arith.xori %iota3A, %parallel_loop3A_585 : vector<16xi32>
        %parallel_loop3A_587 = arith.constant 0 : i32
        %parallel_loop3A_588 = vector.broadcast %parallel_loop3A_587 : i32 to vector<16xi32>
        %parallel_loop3A_589 = arith.cmpi slt, %parallel_loop3A_586, %parallel_loop3A_588 : vector<16xi32>
        %parallel_loop3A_590 = arith.constant 16 : i32
        %parallel_loop3A_591 = vector.broadcast %parallel_loop3A_590 : i32 to vector<16xi32>
        %parallel_loop3A_592 = arith.addi %parallel_loop3A_586, %parallel_loop3A_591 : vector<16xi32>
        %parallel_loop3A_593 = arith.select %parallel_loop3A_589, %parallel_loop3A_592, %parallel_loop3A_586 : vector<16xi1>, vector<16xi32>
        %parallel_loop3A_594 = vector.shape_cast %parallel_loop3A_593 : vector<16xi32> to vector<16x1xi32>
        %parallel_loop3A_595 = vector.shape_cast %parallel_loop3A_594 : vector<16x1xi32> to vector<16xi32>
        %parallel_loop3A_596 = tpu.dynamic_gather %parallel_loop3A_583[%parallel_loop3A_595] in [0] : vector<16xf32>, vector<16xi32> -> vector<16xf32>
        %parallel_loop3A_597 = arith.addf %parallel_loop3A_583, %parallel_loop3A_596 : vector<16xf32>
        %parallel_loop3A_598 = arith.constant 16 : i32
        %parallel_loop3A_599 = arith.constant 0 : i32
        %parallel_loop3A_600 = arith.cmpi eq, %parallel_loop3A_598, %parallel_loop3A_599 : i32
        %parallel_loop3A_601 = arith.constant 1 : i32
        %parallel_loop3A_602 = arith.select %parallel_loop3A_600, %parallel_loop3A_601, %parallel_loop3A_598 : i32
        %parallel_loop3A_603 = arith.remsi %parallel_loop3A_490, %parallel_loop3A_602 : i32
        %parallel_loop3A_604 = arith.constant 0 : i32
        %parallel_loop3A_605 = arith.cmpi ne, %parallel_loop3A_603, %parallel_loop3A_604 : i32
        %parallel_loop3A_606 = arith.constant 0 : i32
        %parallel_loop3A_607 = arith.cmpi slt, %parallel_loop3A_603, %parallel_loop3A_606 : i32
        %parallel_loop3A_608 = arith.constant 0 : i32
        %parallel_loop3A_609 = arith.cmpi slt, %parallel_loop3A_602, %parallel_loop3A_608 : i32
        %parallel_loop3A_610 = arith.xori %parallel_loop3A_607, %parallel_loop3A_609 : i1
        %parallel_loop3A_611 = arith.andi %parallel_loop3A_610, %parallel_loop3A_605 : i1
        %parallel_loop3A_612 = arith.addi %parallel_loop3A_603, %parallel_loop3A_602 : i32
        %parallel_loop3A_613 = arith.select %parallel_loop3A_611, %parallel_loop3A_612, %parallel_loop3A_603 : i32
        %parallel_loop3A_614 = vector.broadcast %parallel_loop3A_613 : i32 to vector<16xi32>
        %parallel_loop3A_615 = arith.cmpi eq, %iota3A, %parallel_loop3A_614 : vector<16xi32>
        %parallel_loop3A_616 = arith.constant 16 : i32
        %parallel_loop3A_617 = arith.divsi %parallel_loop3A_490, %parallel_loop3A_616 : i32
        %parallel_loop3A_618 = arith.constant 0 : i32
        %parallel_loop3A_619 = arith.cmpi sgt, %parallel_loop3A_490, %parallel_loop3A_618 : i32
        %parallel_loop3A_620 = arith.extui %parallel_loop3A_619 : i1 to i32
        %parallel_loop3A_621 = arith.constant 0 : i32
        %parallel_loop3A_622 = arith.cmpi slt, %parallel_loop3A_490, %parallel_loop3A_621 : i32
        %parallel_loop3A_623 = arith.extui %parallel_loop3A_622 : i1 to i32
        %parallel_loop3A_624 = arith.subi %parallel_loop3A_620, %parallel_loop3A_623 : i32
        %parallel_loop3A_625 = arith.constant 0 : i32
        %parallel_loop3A_626 = arith.cmpi sgt, %parallel_loop3A_616, %parallel_loop3A_625 : i32
        %parallel_loop3A_627 = arith.extui %parallel_loop3A_626 : i1 to i32
        %parallel_loop3A_628 = arith.constant 0 : i32
        %parallel_loop3A_629 = arith.cmpi slt, %parallel_loop3A_616, %parallel_loop3A_628 : i32
        %parallel_loop3A_630 = arith.extui %parallel_loop3A_629 : i1 to i32
        %parallel_loop3A_631 = arith.subi %parallel_loop3A_627, %parallel_loop3A_630 : i32
        %parallel_loop3A_632 = arith.cmpi ne, %parallel_loop3A_624, %parallel_loop3A_631 : i32
        %parallel_loop3A_633 = arith.remsi %parallel_loop3A_490, %parallel_loop3A_616 : i32
        %parallel_loop3A_634 = arith.constant 0 : i32
        %parallel_loop3A_635 = arith.cmpi ne, %parallel_loop3A_633, %parallel_loop3A_634 : i32
        %parallel_loop3A_636 = arith.andi %parallel_loop3A_632, %parallel_loop3A_635 : i1
        %parallel_loop3A_637 = arith.constant 1 : i32
        %parallel_loop3A_638 = arith.subi %parallel_loop3A_617, %parallel_loop3A_637 : i32
        %parallel_loop3A_639 = arith.select %parallel_loop3A_636, %parallel_loop3A_638, %parallel_loop3A_617 : i32
        %parallel_loop3A_640 = arith.select %parallel_loop3A_615, %parallel_loop3A_597, %parallel_loop3A_491 : vector<16xi1>, vector<16xf32>
        %parallel_loop3A_641 = arith.constant 0 : i32
        %parallel_loop3A_642 = arith.cmpi eq, %parallel_loop3A_639, %parallel_loop3A_641 : i32
        %parallel_loop3A_643 = arith.select %parallel_loop3A_642, %parallel_loop3A_640, %parallel_loop3A_491 : vector<16xf32>
        %parallel_loop3A_644 = arith.select %parallel_loop3A_615, %parallel_loop3A_597, %parallel_loop3A_492 : vector<16xi1>, vector<16xf32>
        %parallel_loop3A_645 = arith.constant 1 : i32
        %parallel_loop3A_646 = arith.cmpi eq, %parallel_loop3A_639, %parallel_loop3A_645 : i32
        %parallel_loop3A_647 = arith.select %parallel_loop3A_646, %parallel_loop3A_644, %parallel_loop3A_492 : vector<16xf32>
        %parallel_loop3A_648 = arith.select %parallel_loop3A_615, %parallel_loop3A_597, %parallel_loop3A_493 : vector<16xi1>, vector<16xf32>
        %parallel_loop3A_649 = arith.constant 2 : i32
        %parallel_loop3A_650 = arith.cmpi eq, %parallel_loop3A_639, %parallel_loop3A_649 : i32
        %parallel_loop3A_651 = arith.select %parallel_loop3A_650, %parallel_loop3A_648, %parallel_loop3A_493 : vector<16xf32>
        %parallel_loop3A_652 = arith.select %parallel_loop3A_615, %parallel_loop3A_597, %parallel_loop3A_494 : vector<16xi1>, vector<16xf32>
        %parallel_loop3A_653 = arith.constant 3 : i32
        %parallel_loop3A_654 = arith.cmpi eq, %parallel_loop3A_639, %parallel_loop3A_653 : i32
        %parallel_loop3A_655 = arith.select %parallel_loop3A_654, %parallel_loop3A_652, %parallel_loop3A_494 : vector<16xf32>
        scf.yield %parallel_loop3A_643, %parallel_loop3A_647, %parallel_loop3A_651, %parallel_loop3A_655 : vector<16xf32>, vector<16xf32>, vector<16xf32>, vector<16xf32>
      } {sc.loop_unroll_factor = 2 : i64, sc.parallel_access}
      %max3A = arith.maximumf %parallel_loop3A_108#0, %parallel_loop3A_108#1 : vector<16xf32>
      %max3A_109 = arith.maximumf %max3A, %parallel_loop3A_108#2 : vector<16xf32>
      %max3A_110 = arith.maximumf %max3A_109, %parallel_loop3A_108#3 : vector<16xf32>
      %xor3A = arith.constant 8 : i32
      %xor3A_111 = vector.broadcast %xor3A : i32 to vector<16xi32>
      %xor3A_112 = arith.xori %iota3A, %xor3A_111 : vector<16xi32>
      %lt3A = arith.constant 0 : i32
      %lt3A_113 = vector.broadcast %lt3A : i32 to vector<16xi32>
      %lt3A_114 = arith.cmpi slt, %xor3A_112, %lt3A_113 : vector<16xi32>
      %add3A_115 = arith.constant 16 : i32
      %add3A_116 = vector.broadcast %add3A_115 : i32 to vector<16xi32>
      %add3A_117 = arith.addi %xor3A_112, %add3A_116 : vector<16xi32>
      %select_n3A = arith.select %lt3A_114, %add3A_117, %xor3A_112 : vector<16xi1>, vector<16xi32>
      %broadcast_in_dim3A_118 = vector.shape_cast %select_n3A : vector<16xi32> to vector<16x1xi32>
      %gather3A = vector.shape_cast %broadcast_in_dim3A_118 : vector<16x1xi32> to vector<16xi32>
      %gather3A_119 = tpu.dynamic_gather %max3A_110[%gather3A] in [0] : vector<16xf32>, vector<16xi32> -> vector<16xf32>
      %max3A_120 = arith.maximumf %max3A_110, %gather3A_119 : vector<16xf32>
      %xor3A_121 = arith.constant 4 : i32
      %xor3A_122 = vector.broadcast %xor3A_121 : i32 to vector<16xi32>
      %xor3A_123 = arith.xori %iota3A, %xor3A_122 : vector<16xi32>
      %lt3A_124 = arith.constant 0 : i32
      %lt3A_125 = vector.broadcast %lt3A_124 : i32 to vector<16xi32>
      %lt3A_126 = arith.cmpi slt, %xor3A_123, %lt3A_125 : vector<16xi32>
      %add3A_127 = arith.constant 16 : i32
      %add3A_128 = vector.broadcast %add3A_127 : i32 to vector<16xi32>
      %add3A_129 = arith.addi %xor3A_123, %add3A_128 : vector<16xi32>
      %select_n3A_130 = arith.select %lt3A_126, %add3A_129, %xor3A_123 : vector<16xi1>, vector<16xi32>
      %broadcast_in_dim3A_131 = vector.shape_cast %select_n3A_130 : vector<16xi32> to vector<16x1xi32>
      %gather3A_132 = vector.shape_cast %broadcast_in_dim3A_131 : vector<16x1xi32> to vector<16xi32>
      %gather3A_133 = tpu.dynamic_gather %max3A_120[%gather3A_132] in [0] : vector<16xf32>, vector<16xi32> -> vector<16xf32>
      %max3A_134 = arith.maximumf %max3A_120, %gather3A_133 : vector<16xf32>
      %xor3A_135 = arith.constant 2 : i32
      %xor3A_136 = vector.broadcast %xor3A_135 : i32 to vector<16xi32>
      %xor3A_137 = arith.xori %iota3A, %xor3A_136 : vector<16xi32>
      %lt3A_138 = arith.constant 0 : i32
      %lt3A_139 = vector.broadcast %lt3A_138 : i32 to vector<16xi32>
      %lt3A_140 = arith.cmpi slt, %xor3A_137, %lt3A_139 : vector<16xi32>
      %add3A_141 = arith.constant 16 : i32
      %add3A_142 = vector.broadcast %add3A_141 : i32 to vector<16xi32>
      %add3A_143 = arith.addi %xor3A_137, %add3A_142 : vector<16xi32>
      %select_n3A_144 = arith.select %lt3A_140, %add3A_143, %xor3A_137 : vector<16xi1>, vector<16xi32>
      %broadcast_in_dim3A_145 = vector.shape_cast %select_n3A_144 : vector<16xi32> to vector<16x1xi32>
      %gather3A_146 = vector.shape_cast %broadcast_in_dim3A_145 : vector<16x1xi32> to vector<16xi32>
      %gather3A_147 = tpu.dynamic_gather %max3A_134[%gather3A_146] in [0] : vector<16xf32>, vector<16xi32> -> vector<16xf32>
      %max3A_148 = arith.maximumf %max3A_134, %gather3A_147 : vector<16xf32>
      %xor3A_149 = arith.constant 1 : i32
      %xor3A_150 = vector.broadcast %xor3A_149 : i32 to vector<16xi32>
      %xor3A_151 = arith.xori %iota3A, %xor3A_150 : vector<16xi32>
      %lt3A_152 = arith.constant 0 : i32
      %lt3A_153 = vector.broadcast %lt3A_152 : i32 to vector<16xi32>
      %lt3A_154 = arith.cmpi slt, %xor3A_151, %lt3A_153 : vector<16xi32>
      %add3A_155 = arith.constant 16 : i32
      %add3A_156 = vector.broadcast %add3A_155 : i32 to vector<16xi32>
      %add3A_157 = arith.addi %xor3A_151, %add3A_156 : vector<16xi32>
      %select_n3A_158 = arith.select %lt3A_154, %add3A_157, %xor3A_151 : vector<16xi1>, vector<16xi32>
      %broadcast_in_dim3A_159 = vector.shape_cast %select_n3A_158 : vector<16xi32> to vector<16x1xi32>
      %gather3A_160 = vector.shape_cast %broadcast_in_dim3A_159 : vector<16x1xi32> to vector<16xi32>
      %gather3A_161 = tpu.dynamic_gather %max3A_148[%gather3A_160] in [0] : vector<16xf32>, vector<16xi32> -> vector<16xf32>
      %max3A_162 = arith.maximumf %max3A_148, %gather3A_161 : vector<16xf32>
      %sub3A = arith.subf %parallel_loop3A_108#0, %max3A_162 : vector<16xf32>
      %exp3A = math.exp %sub3A : vector<16xf32>
      %sub3A_163 = arith.subf %parallel_loop3A_108#1, %max3A_162 : vector<16xf32>
      %exp3A_164 = math.exp %sub3A_163 : vector<16xf32>
      %sub3A_165 = arith.subf %parallel_loop3A_108#2, %max3A_162 : vector<16xf32>
      %exp3A_166 = math.exp %sub3A_165 : vector<16xf32>
      %sub3A_167 = arith.subf %parallel_loop3A_108#3, %max3A_162 : vector<16xf32>
      %exp3A_168 = math.exp %sub3A_167 : vector<16xf32>
      %add3A_169 = arith.addf %exp3A, %exp3A_164 : vector<16xf32>
      %add3A_170 = arith.addf %add3A_169, %exp3A_166 : vector<16xf32>
      %add3A_171 = arith.addf %add3A_170, %exp3A_168 : vector<16xf32>
      %xor3A_172 = arith.constant 8 : i32
      %xor3A_173 = vector.broadcast %xor3A_172 : i32 to vector<16xi32>
      %xor3A_174 = arith.xori %iota3A, %xor3A_173 : vector<16xi32>
      %lt3A_175 = arith.constant 0 : i32
      %lt3A_176 = vector.broadcast %lt3A_175 : i32 to vector<16xi32>
      %lt3A_177 = arith.cmpi slt, %xor3A_174, %lt3A_176 : vector<16xi32>
      %add3A_178 = arith.constant 16 : i32
      %add3A_179 = vector.broadcast %add3A_178 : i32 to vector<16xi32>
      %add3A_180 = arith.addi %xor3A_174, %add3A_179 : vector<16xi32>
      %select_n3A_181 = arith.select %lt3A_177, %add3A_180, %xor3A_174 : vector<16xi1>, vector<16xi32>
      %broadcast_in_dim3A_182 = vector.shape_cast %select_n3A_181 : vector<16xi32> to vector<16x1xi32>
      %gather3A_183 = vector.shape_cast %broadcast_in_dim3A_182 : vector<16x1xi32> to vector<16xi32>
      %gather3A_184 = tpu.dynamic_gather %add3A_171[%gather3A_183] in [0] : vector<16xf32>, vector<16xi32> -> vector<16xf32>
      %add3A_185 = arith.addf %add3A_171, %gather3A_184 : vector<16xf32>
      %xor3A_186 = arith.constant 4 : i32
      %xor3A_187 = vector.broadcast %xor3A_186 : i32 to vector<16xi32>
      %xor3A_188 = arith.xori %iota3A, %xor3A_187 : vector<16xi32>
      %lt3A_189 = arith.constant 0 : i32
      %lt3A_190 = vector.broadcast %lt3A_189 : i32 to vector<16xi32>
      %lt3A_191 = arith.cmpi slt, %xor3A_188, %lt3A_190 : vector<16xi32>
      %add3A_192 = arith.constant 16 : i32
      %add3A_193 = vector.broadcast %add3A_192 : i32 to vector<16xi32>
      %add3A_194 = arith.addi %xor3A_188, %add3A_193 : vector<16xi32>
      %select_n3A_195 = arith.select %lt3A_191, %add3A_194, %xor3A_188 : vector<16xi1>, vector<16xi32>
      %broadcast_in_dim3A_196 = vector.shape_cast %select_n3A_195 : vector<16xi32> to vector<16x1xi32>
      %gather3A_197 = vector.shape_cast %broadcast_in_dim3A_196 : vector<16x1xi32> to vector<16xi32>
      %gather3A_198 = tpu.dynamic_gather %add3A_185[%gather3A_197] in [0] : vector<16xf32>, vector<16xi32> -> vector<16xf32>
      %add3A_199 = arith.addf %add3A_185, %gather3A_198 : vector<16xf32>
      %xor3A_200 = arith.constant 2 : i32
      %xor3A_201 = vector.broadcast %xor3A_200 : i32 to vector<16xi32>
      %xor3A_202 = arith.xori %iota3A, %xor3A_201 : vector<16xi32>
      %lt3A_203 = arith.constant 0 : i32
      %lt3A_204 = vector.broadcast %lt3A_203 : i32 to vector<16xi32>
      %lt3A_205 = arith.cmpi slt, %xor3A_202, %lt3A_204 : vector<16xi32>
      %add3A_206 = arith.constant 16 : i32
      %add3A_207 = vector.broadcast %add3A_206 : i32 to vector<16xi32>
      %add3A_208 = arith.addi %xor3A_202, %add3A_207 : vector<16xi32>
      %select_n3A_209 = arith.select %lt3A_205, %add3A_208, %xor3A_202 : vector<16xi1>, vector<16xi32>
      %broadcast_in_dim3A_210 = vector.shape_cast %select_n3A_209 : vector<16xi32> to vector<16x1xi32>
      %gather3A_211 = vector.shape_cast %broadcast_in_dim3A_210 : vector<16x1xi32> to vector<16xi32>
      %gather3A_212 = tpu.dynamic_gather %add3A_199[%gather3A_211] in [0] : vector<16xf32>, vector<16xi32> -> vector<16xf32>
      %add3A_213 = arith.addf %add3A_199, %gather3A_212 : vector<16xf32>
      %xor3A_214 = arith.constant 1 : i32
      %xor3A_215 = vector.broadcast %xor3A_214 : i32 to vector<16xi32>
      %xor3A_216 = arith.xori %iota3A, %xor3A_215 : vector<16xi32>
      %lt3A_217 = arith.constant 0 : i32
      %lt3A_218 = vector.broadcast %lt3A_217 : i32 to vector<16xi32>
      %lt3A_219 = arith.cmpi slt, %xor3A_216, %lt3A_218 : vector<16xi32>
      %add3A_220 = arith.constant 16 : i32
      %add3A_221 = vector.broadcast %add3A_220 : i32 to vector<16xi32>
      %add3A_222 = arith.addi %xor3A_216, %add3A_221 : vector<16xi32>
      %select_n3A_223 = arith.select %lt3A_219, %add3A_222, %xor3A_216 : vector<16xi1>, vector<16xi32>
      %broadcast_in_dim3A_224 = vector.shape_cast %select_n3A_223 : vector<16xi32> to vector<16x1xi32>
      %gather3A_225 = vector.shape_cast %broadcast_in_dim3A_224 : vector<16x1xi32> to vector<16xi32>
      %gather3A_226 = tpu.dynamic_gather %add3A_213[%gather3A_225] in [0] : vector<16xf32>, vector<16xi32> -> vector<16xf32>
      %add3A_227 = arith.addf %add3A_213, %gather3A_226 : vector<16xf32>
      %div3A = arith.constant 1.000000e+00 : f32
      %div3A_228 = vector.broadcast %div3A : f32 to vector<16xf32>
      %div3A_229 = arith.divf %div3A_228, %add3A_227 : vector<16xf32>
      %mul3A_230 = arith.mulf %exp3A, %div3A_229 : vector<16xf32>
      %swap3A = arith.constant 0 : index
      %swap3A_231 = tpu.vector_load %arg10[%swap3A] {strides = array<i32>} : memref<80xf32, #tpu.memory_space<vmem>>, vector<16xf32>,
      %swap3A_232 = vector.shape_cast %swap3A_231 : vector<16xf32> to vector<16xf32>
      %swap3A_233 = vector.shape_cast %mul3A_230 : vector<16xf32> to vector<16xf32>
      tpu.vector_store %arg10[%swap3A], %swap3A_233 {strides = array<i32>} : memref<80xf32, #tpu.memory_space<vmem>>, vector<16xf32>,
      %mul3A_234 = arith.mulf %exp3A_164, %div3A_229 : vector<16xf32>
      %swap3A_235 = arith.constant 16 : index
      %swap3A_236 = tpu.vector_load %arg10[%swap3A_235] {strides = array<i32>} : memref<80xf32, #tpu.memory_space<vmem>>, vector<16xf32>,
      %swap3A_237 = vector.shape_cast %swap3A_236 : vector<16xf32> to vector<16xf32>
      %swap3A_238 = vector.shape_cast %mul3A_234 : vector<16xf32> to vector<16xf32>
      tpu.vector_store %arg10[%swap3A_235], %swap3A_238 {strides = array<i32>} : memref<80xf32, #tpu.memory_space<vmem>>, vector<16xf32>,
      %mul3A_239 = arith.mulf %exp3A_166, %div3A_229 : vector<16xf32>
      %swap3A_240 = arith.constant 32 : index
      %swap3A_241 = tpu.vector_load %arg10[%swap3A_240] {strides = array<i32>} : memref<80xf32, #tpu.memory_space<vmem>>, vector<16xf32>,
      %swap3A_242 = vector.shape_cast %swap3A_241 : vector<16xf32> to vector<16xf32>
      %swap3A_243 = vector.shape_cast %mul3A_239 : vector<16xf32> to vector<16xf32>
      tpu.vector_store %arg10[%swap3A_240], %swap3A_243 {strides = array<i32>} : memref<80xf32, #tpu.memory_space<vmem>>, vector<16xf32>,
      %mul3A_244 = arith.mulf %exp3A_168, %div3A_229 : vector<16xf32>
      %swap3A_245 = arith.constant 48 : index
      %swap3A_246 = tpu.vector_load %arg10[%swap3A_245] {strides = array<i32>} : memref<80xf32, #tpu.memory_space<vmem>>, vector<16xf32>,
      %swap3A_247 = vector.shape_cast %swap3A_246 : vector<16xf32> to vector<16xf32>
      %swap3A_248 = vector.shape_cast %mul3A_244 : vector<16xf32> to vector<16xf32>
      tpu.vector_store %arg10[%swap3A_245], %swap3A_248 {strides = array<i32>} : memref<80xf32, #tpu.memory_space<vmem>>, vector<16xf32>,
      %dma_wait3A_249 = arith.constant 0 : i32
      %dma_wait3A_250 = arith.constant 0 : i32
      %dma_wait3A_251 = tpu.memref_slice %arg3[%dma_wait3A_249, %dma_wait3A_250] : memref<400000x128xf32, #tpu.memory_space<hbm>> -> memref<200x128xf32, #tpu.memory_space<hbm>>
      %dma_wait3A_252 = arith.constant 0 : i32
      %dma_wait3A_253 = arith.constant 0 : i32
      %dma_wait3A_254 = tpu.memref_slice %arg3[%dma_wait3A_252, %dma_wait3A_253] : memref<400000x128xf32, #tpu.memory_space<hbm>> -> memref<200x128xf32, #tpu.memory_space<hbm>>
      tpu.wait_dma2 semaphore(%arg13 : memref<!tpu.dma_semaphore, #tpu.memory_space<semaphore_mem>>) src(%dma_wait3A_254 : memref<200x128xf32, #tpu.memory_space<hbm>>) dst(%arg7 : memref<200x128xf32, #tpu.memory_space<vmem>>)
      %mul3A_255 = arith.constant 3 : i32
      %mul3A_256 = arith.muli %min3A_38, %mul3A_255 : i32
      %mul3A_257 = arith.constant 200 : i32
      %mul3A_258 = arith.muli %mul3A_256, %mul3A_257 : i32
      %add3A_259 = arith.constant 0 : i32
      %add3A_260 = arith.addi %mul3A_258, %add3A_259 : i32
      %dma_start3A_261 = tpu.memref_slice %arg5[%add3A_260] : memref<19200xi32, #tpu.memory_space<vmem>> -> memref<200xi32, #tpu.memory_space<vmem>>
      %dma_start3A_262 = arith.constant 0 : i32
      %dma_start3A_263 = arith.constant 0 : i32
      %dma_start3A_264 = tpu.memref_slice %arg3[%dma_start3A_262, %dma_start3A_263] : memref<400000x128xf32, #tpu.memory_space<hbm>> -> memref<400000x128xf32, #tpu.memory_space<hbm>>
      tpu.enqueue_indirect_dma source(%dma_start3A_264 : memref<400000x128xf32, #tpu.memory_space<hbm>>) target(%arg6 : memref<200x128xf32, #tpu.memory_space<vmem>>) offsets(%dma_start3A_261 : memref<200xi32, #tpu.memory_space<vmem>>) semaphore(%arg12 : memref<!tpu.dma_semaphore, #tpu.memory_space<semaphore_mem>>)
      %parallel_loop3A_265 = arith.constant 0 : i32
      %parallel_loop3A_266 = arith.constant 50 : i32
      %parallel_loop3A_267 = arith.constant 1 : i32
      %parallel_loop3A_268:8 = scf.for %parallel_loop3A_490 = %parallel_loop3A_265 to %parallel_loop3A_266 step %parallel_loop3A_267 iter_args(%parallel_loop3A_491 = %mul3A_75, %parallel_loop3A_492 = %mul3A_78, %parallel_loop3A_493 = %mul3A_81, %parallel_loop3A_494 = %mul3A_84, %parallel_loop3A_495 = %mul3A_87, %parallel_loop3A_496 = %mul3A_90, %parallel_loop3A_497 = %mul3A_93, %parallel_loop3A_498 = %mul3A_96) -> (vector<16xf32>, vector<16xf32>, vector<16xf32>, vector<16xf32>, vector<16xf32>, vector<16xf32>, vector<16xf32>, vector<16xf32>)  : i32 {
        %parallel_loop3A_499 = arith.index_cast %parallel_loop3A_490 : i32 to index
        %parallel_loop3A_500 = tpu.vector_load %arg10[%parallel_loop3A_499] {strides = array<i32>} : memref<80xf32, #tpu.memory_space<vmem>>, vector<16xf32>,
        %parallel_loop3A_501 = vector.shape_cast %parallel_loop3A_500 : vector<16xf32> to vector<16xf32>
        %parallel_loop3A_502 = arith.constant 0 : i32
        %parallel_loop3A_503 = vector.broadcast %parallel_loop3A_502 : i32 to vector<16xi32>
        %parallel_loop3A_504 = arith.cmpi slt, %mul3A_9, %parallel_loop3A_503 : vector<16xi32>
        %parallel_loop3A_505 = arith.constant 16 : i32
        %parallel_loop3A_506 = vector.broadcast %parallel_loop3A_505 : i32 to vector<16xi32>
        %parallel_loop3A_507 = arith.addi %mul3A_9, %parallel_loop3A_506 : vector<16xi32>
        %parallel_loop3A_508 = arith.select %parallel_loop3A_504, %parallel_loop3A_507, %mul3A_9 : vector<16xi1>, vector<16xi32>
        %parallel_loop3A_509 = vector.shape_cast %parallel_loop3A_508 : vector<16xi32> to vector<16x1xi32>
        %parallel_loop3A_510 = vector.shape_cast %parallel_loop3A_509 : vector<16x1xi32> to vector<16xi32>
        %parallel_loop3A_511 = tpu.dynamic_gather %parallel_loop3A_501[%parallel_loop3A_510] in [0] : vector<16xf32>, vector<16xi32> -> vector<16xf32>
        %parallel_loop3A_512 = arith.constant 4 : i32
        %parallel_loop3A_513 = arith.muli %parallel_loop3A_512, %parallel_loop3A_490 : i32
        %parallel_loop3A_514 = arith.index_cast %parallel_loop3A_513 : i32 to index
        %parallel_loop3A_515 = arith.constant 0 : index
        %parallel_loop3A_516 = tpu.vector_load %arg7[%parallel_loop3A_514, %parallel_loop3A_515] {strides = array<i32>} : memref<200x128xf32, #tpu.memory_space<vmem>>, vector<1x16xf32>,
        %parallel_loop3A_517 = vector.shape_cast %parallel_loop3A_516 : vector<1x16xf32> to vector<16xf32>
        %parallel_loop3A_518 = arith.constant 4 : i32
        %parallel_loop3A_519 = arith.muli %parallel_loop3A_518, %parallel_loop3A_490 : i32
        %parallel_loop3A_520 = arith.constant 1 : i32
        %parallel_loop3A_521 = arith.addi %parallel_loop3A_519, %parallel_loop3A_520 : i32
        %parallel_loop3A_522 = arith.index_cast %parallel_loop3A_521 : i32 to index
        %parallel_loop3A_523 = arith.constant 0 : index
        %parallel_loop3A_524 = tpu.vector_load %arg7[%parallel_loop3A_522, %parallel_loop3A_523] {strides = array<i32>} : memref<200x128xf32, #tpu.memory_space<vmem>>, vector<1x16xf32>,
        %parallel_loop3A_525 = vector.shape_cast %parallel_loop3A_524 : vector<1x16xf32> to vector<16xf32>
        %parallel_loop3A_526 = arith.addf %parallel_loop3A_517, %parallel_loop3A_525 : vector<16xf32>
        %parallel_loop3A_527 = arith.constant 4 : i32
        %parallel_loop3A_528 = arith.muli %parallel_loop3A_527, %parallel_loop3A_490 : i32
        %parallel_loop3A_529 = arith.constant 2 : i32
        %parallel_loop3A_530 = arith.addi %parallel_loop3A_528, %parallel_loop3A_529 : i32
        %parallel_loop3A_531 = arith.index_cast %parallel_loop3A_530 : i32 to index
        %parallel_loop3A_532 = arith.constant 0 : index
        %parallel_loop3A_533 = tpu.vector_load %arg7[%parallel_loop3A_531, %parallel_loop3A_532] {strides = array<i32>} : memref<200x128xf32, #tpu.memory_space<vmem>>, vector<1x16xf32>,
        %parallel_loop3A_534 = vector.shape_cast %parallel_loop3A_533 : vector<1x16xf32> to vector<16xf32>
        %parallel_loop3A_535 = arith.addf %parallel_loop3A_526, %parallel_loop3A_534 : vector<16xf32>
        %parallel_loop3A_536 = arith.constant 4 : i32
        %parallel_loop3A_537 = arith.muli %parallel_loop3A_536, %parallel_loop3A_490 : i32
        %parallel_loop3A_538 = arith.constant 3 : i32
        %parallel_loop3A_539 = arith.addi %parallel_loop3A_537, %parallel_loop3A_538 : i32
        %parallel_loop3A_540 = arith.index_cast %parallel_loop3A_539 : i32 to index
        %parallel_loop3A_541 = arith.constant 0 : index
        %parallel_loop3A_542 = tpu.vector_load %arg7[%parallel_loop3A_540, %parallel_loop3A_541] {strides = array<i32>} : memref<200x128xf32, #tpu.memory_space<vmem>>, vector<1x16xf32>,
        %parallel_loop3A_543 = vector.shape_cast %parallel_loop3A_542 : vector<1x16xf32> to vector<16xf32>
        %parallel_loop3A_544 = arith.addf %parallel_loop3A_535, %parallel_loop3A_543 : vector<16xf32>
        %parallel_loop3A_545 = arith.index_cast %parallel_loop3A_490 : i32 to index
        %parallel_loop3A_546 = arith.constant 0 : index
        %parallel_loop3A_547 = tpu.vector_load %arg9[%parallel_loop3A_545, %parallel_loop3A_546] {strides = array<i32>} : memref<50x128xf32, #tpu.memory_space<vmem>>, vector<1x16xf32>,
        %parallel_loop3A_548 = vector.shape_cast %parallel_loop3A_547 : vector<1x16xf32> to vector<16xf32>
        %parallel_loop3A_549 = vector.shape_cast %parallel_loop3A_544 : vector<16xf32> to vector<1x16xf32>
        tpu.vector_store %arg9[%parallel_loop3A_545, %parallel_loop3A_546], %parallel_loop3A_549 {strides = array<i32>} : memref<50x128xf32, #tpu.memory_space<vmem>>, vector<1x16xf32>,
        %parallel_loop3A_550 = arith.mulf %parallel_loop3A_544, %parallel_loop3A_511 : vector<16xf32>
        %parallel_loop3A_551 = arith.addf %parallel_loop3A_491, %parallel_loop3A_550 : vector<16xf32>
        %parallel_loop3A_552 = arith.constant 4 : i32
        %parallel_loop3A_553 = arith.muli %parallel_loop3A_552, %parallel_loop3A_490 : i32
        %parallel_loop3A_554 = arith.index_cast %parallel_loop3A_553 : i32 to index
        %parallel_loop3A_555 = arith.constant 16 : index
        %parallel_loop3A_556 = tpu.vector_load %arg7[%parallel_loop3A_554, %parallel_loop3A_555] {strides = array<i32>} : memref<200x128xf32, #tpu.memory_space<vmem>>, vector<1x16xf32>,
        %parallel_loop3A_557 = vector.shape_cast %parallel_loop3A_556 : vector<1x16xf32> to vector<16xf32>
        %parallel_loop3A_558 = arith.constant 4 : i32
        %parallel_loop3A_559 = arith.muli %parallel_loop3A_558, %parallel_loop3A_490 : i32
        %parallel_loop3A_560 = arith.constant 1 : i32
        %parallel_loop3A_561 = arith.addi %parallel_loop3A_559, %parallel_loop3A_560 : i32
        %parallel_loop3A_562 = arith.index_cast %parallel_loop3A_561 : i32 to index
        %parallel_loop3A_563 = arith.constant 16 : index
        %parallel_loop3A_564 = tpu.vector_load %arg7[%parallel_loop3A_562, %parallel_loop3A_563] {strides = array<i32>} : memref<200x128xf32, #tpu.memory_space<vmem>>, vector<1x16xf32>,
        %parallel_loop3A_565 = vector.shape_cast %parallel_loop3A_564 : vector<1x16xf32> to vector<16xf32>
        %parallel_loop3A_566 = arith.addf %parallel_loop3A_557, %parallel_loop3A_565 : vector<16xf32>
        %parallel_loop3A_567 = arith.constant 4 : i32
        %parallel_loop3A_568 = arith.muli %parallel_loop3A_567, %parallel_loop3A_490 : i32
        %parallel_loop3A_569 = arith.constant 2 : i32
        %parallel_loop3A_570 = arith.addi %parallel_loop3A_568, %parallel_loop3A_569 : i32
        %parallel_loop3A_571 = arith.index_cast %parallel_loop3A_570 : i32 to index
        %parallel_loop3A_572 = arith.constant 16 : index
        %parallel_loop3A_573 = tpu.vector_load %arg7[%parallel_loop3A_571, %parallel_loop3A_572] {strides = array<i32>} : memref<200x128xf32, #tpu.memory_space<vmem>>, vector<1x16xf32>,
        %parallel_loop3A_574 = vector.shape_cast %parallel_loop3A_573 : vector<1x16xf32> to vector<16xf32>
        %parallel_loop3A_575 = arith.addf %parallel_loop3A_566, %parallel_loop3A_574 : vector<16xf32>
        %parallel_loop3A_576 = arith.constant 4 : i32
        %parallel_loop3A_577 = arith.muli %parallel_loop3A_576, %parallel_loop3A_490 : i32
        %parallel_loop3A_578 = arith.constant 3 : i32
        %parallel_loop3A_579 = arith.addi %parallel_loop3A_577, %parallel_loop3A_578 : i32
        %parallel_loop3A_580 = arith.index_cast %parallel_loop3A_579 : i32 to index
        %parallel_loop3A_581 = arith.constant 16 : index
        %parallel_loop3A_582 = tpu.vector_load %arg7[%parallel_loop3A_580, %parallel_loop3A_581] {strides = array<i32>} : memref<200x128xf32, #tpu.memory_space<vmem>>, vector<1x16xf32>,
        %parallel_loop3A_583 = vector.shape_cast %parallel_loop3A_582 : vector<1x16xf32> to vector<16xf32>
        %parallel_loop3A_584 = arith.addf %parallel_loop3A_575, %parallel_loop3A_583 : vector<16xf32>
        %parallel_loop3A_585 = arith.index_cast %parallel_loop3A_490 : i32 to index
        %parallel_loop3A_586 = arith.constant 16 : index
        %parallel_loop3A_587 = tpu.vector_load %arg9[%parallel_loop3A_585, %parallel_loop3A_586] {strides = array<i32>} : memref<50x128xf32, #tpu.memory_space<vmem>>, vector<1x16xf32>,
        %parallel_loop3A_588 = vector.shape_cast %parallel_loop3A_587 : vector<1x16xf32> to vector<16xf32>
        %parallel_loop3A_589 = vector.shape_cast %parallel_loop3A_584 : vector<16xf32> to vector<1x16xf32>
        tpu.vector_store %arg9[%parallel_loop3A_585, %parallel_loop3A_586], %parallel_loop3A_589 {strides = array<i32>} : memref<50x128xf32, #tpu.memory_space<vmem>>, vector<1x16xf32>,
        %parallel_loop3A_590 = arith.mulf %parallel_loop3A_584, %parallel_loop3A_511 : vector<16xf32>
        %parallel_loop3A_591 = arith.addf %parallel_loop3A_492, %parallel_loop3A_590 : vector<16xf32>
        %parallel_loop3A_592 = arith.constant 4 : i32
        %parallel_loop3A_593 = arith.muli %parallel_loop3A_592, %parallel_loop3A_490 : i32
        %parallel_loop3A_594 = arith.index_cast %parallel_loop3A_593 : i32 to index
        %parallel_loop3A_595 = arith.constant 32 : index
        %parallel_loop3A_596 = tpu.vector_load %arg7[%parallel_loop3A_594, %parallel_loop3A_595] {strides = array<i32>} : memref<200x128xf32, #tpu.memory_space<vmem>>, vector<1x16xf32>,
        %parallel_loop3A_597 = vector.shape_cast %parallel_loop3A_596 : vector<1x16xf32> to vector<16xf32>
        %parallel_loop3A_598 = arith.constant 4 : i32
        %parallel_loop3A_599 = arith.muli %parallel_loop3A_598, %parallel_loop3A_490 : i32
        %parallel_loop3A_600 = arith.constant 1 : i32
        %parallel_loop3A_601 = arith.addi %parallel_loop3A_599, %parallel_loop3A_600 : i32
        %parallel_loop3A_602 = arith.index_cast %parallel_loop3A_601 : i32 to index
        %parallel_loop3A_603 = arith.constant 32 : index
        %parallel_loop3A_604 = tpu.vector_load %arg7[%parallel_loop3A_602, %parallel_loop3A_603] {strides = array<i32>} : memref<200x128xf32, #tpu.memory_space<vmem>>, vector<1x16xf32>,
        %parallel_loop3A_605 = vector.shape_cast %parallel_loop3A_604 : vector<1x16xf32> to vector<16xf32>
        %parallel_loop3A_606 = arith.addf %parallel_loop3A_597, %parallel_loop3A_605 : vector<16xf32>
        %parallel_loop3A_607 = arith.constant 4 : i32
        %parallel_loop3A_608 = arith.muli %parallel_loop3A_607, %parallel_loop3A_490 : i32
        %parallel_loop3A_609 = arith.constant 2 : i32
        %parallel_loop3A_610 = arith.addi %parallel_loop3A_608, %parallel_loop3A_609 : i32
        %parallel_loop3A_611 = arith.index_cast %parallel_loop3A_610 : i32 to index
        %parallel_loop3A_612 = arith.constant 32 : index
        %parallel_loop3A_613 = tpu.vector_load %arg7[%parallel_loop3A_611, %parallel_loop3A_612] {strides = array<i32>} : memref<200x128xf32, #tpu.memory_space<vmem>>, vector<1x16xf32>,
        %parallel_loop3A_614 = vector.shape_cast %parallel_loop3A_613 : vector<1x16xf32> to vector<16xf32>
        %parallel_loop3A_615 = arith.addf %parallel_loop3A_606, %parallel_loop3A_614 : vector<16xf32>
        %parallel_loop3A_616 = arith.constant 4 : i32
        %parallel_loop3A_617 = arith.muli %parallel_loop3A_616, %parallel_loop3A_490 : i32
        %parallel_loop3A_618 = arith.constant 3 : i32
        %parallel_loop3A_619 = arith.addi %parallel_loop3A_617, %parallel_loop3A_618 : i32
        %parallel_loop3A_620 = arith.index_cast %parallel_loop3A_619 : i32 to index
        %parallel_loop3A_621 = arith.constant 32 : index
        %parallel_loop3A_622 = tpu.vector_load %arg7[%parallel_loop3A_620, %parallel_loop3A_621] {strides = array<i32>} : memref<200x128xf32, #tpu.memory_space<vmem>>, vector<1x16xf32>,
        %parallel_loop3A_623 = vector.shape_cast %parallel_loop3A_622 : vector<1x16xf32> to vector<16xf32>
        %parallel_loop3A_624 = arith.addf %parallel_loop3A_615, %parallel_loop3A_623 : vector<16xf32>
        %parallel_loop3A_625 = arith.index_cast %parallel_loop3A_490 : i32 to index
        %parallel_loop3A_626 = arith.constant 32 : index
        %parallel_loop3A_627 = tpu.vector_load %arg9[%parallel_loop3A_625, %parallel_loop3A_626] {strides = array<i32>} : memref<50x128xf32, #tpu.memory_space<vmem>>, vector<1x16xf32>,
        %parallel_loop3A_628 = vector.shape_cast %parallel_loop3A_627 : vector<1x16xf32> to vector<16xf32>
        %parallel_loop3A_629 = vector.shape_cast %parallel_loop3A_624 : vector<16xf32> to vector<1x16xf32>
        tpu.vector_store %arg9[%parallel_loop3A_625, %parallel_loop3A_626], %parallel_loop3A_629 {strides = array<i32>} : memref<50x128xf32, #tpu.memory_space<vmem>>, vector<1x16xf32>,
        %parallel_loop3A_630 = arith.mulf %parallel_loop3A_624, %parallel_loop3A_511 : vector<16xf32>
        %parallel_loop3A_631 = arith.addf %parallel_loop3A_493, %parallel_loop3A_630 : vector<16xf32>
        %parallel_loop3A_632 = arith.constant 4 : i32
        %parallel_loop3A_633 = arith.muli %parallel_loop3A_632, %parallel_loop3A_490 : i32
        %parallel_loop3A_634 = arith.index_cast %parallel_loop3A_633 : i32 to index
        %parallel_loop3A_635 = arith.constant 48 : index
        %parallel_loop3A_636 = tpu.vector_load %arg7[%parallel_loop3A_634, %parallel_loop3A_635] {strides = array<i32>} : memref<200x128xf32, #tpu.memory_space<vmem>>, vector<1x16xf32>,
        %parallel_loop3A_637 = vector.shape_cast %parallel_loop3A_636 : vector<1x16xf32> to vector<16xf32>
        %parallel_loop3A_638 = arith.constant 4 : i32
        %parallel_loop3A_639 = arith.muli %parallel_loop3A_638, %parallel_loop3A_490 : i32
        %parallel_loop3A_640 = arith.constant 1 : i32
        %parallel_loop3A_641 = arith.addi %parallel_loop3A_639, %parallel_loop3A_640 : i32
        %parallel_loop3A_642 = arith.index_cast %parallel_loop3A_641 : i32 to index
        %parallel_loop3A_643 = arith.constant 48 : index
        %parallel_loop3A_644 = tpu.vector_load %arg7[%parallel_loop3A_642, %parallel_loop3A_643] {strides = array<i32>} : memref<200x128xf32, #tpu.memory_space<vmem>>, vector<1x16xf32>,
        %parallel_loop3A_645 = vector.shape_cast %parallel_loop3A_644 : vector<1x16xf32> to vector<16xf32>
        %parallel_loop3A_646 = arith.addf %parallel_loop3A_637, %parallel_loop3A_645 : vector<16xf32>
        %parallel_loop3A_647 = arith.constant 4 : i32
        %parallel_loop3A_648 = arith.muli %parallel_loop3A_647, %parallel_loop3A_490 : i32
        %parallel_loop3A_649 = arith.constant 2 : i32
        %parallel_loop3A_650 = arith.addi %parallel_loop3A_648, %parallel_loop3A_649 : i32
        %parallel_loop3A_651 = arith.index_cast %parallel_loop3A_650 : i32 to index
        %parallel_loop3A_652 = arith.constant 48 : index
        %parallel_loop3A_653 = tpu.vector_load %arg7[%parallel_loop3A_651, %parallel_loop3A_652] {strides = array<i32>} : memref<200x128xf32, #tpu.memory_space<vmem>>, vector<1x16xf32>,
        %parallel_loop3A_654 = vector.shape_cast %parallel_loop3A_653 : vector<1x16xf32> to vector<16xf32>
        %parallel_loop3A_655 = arith.addf %parallel_loop3A_646, %parallel_loop3A_654 : vector<16xf32>
        %parallel_loop3A_656 = arith.constant 4 : i32
        %parallel_loop3A_657 = arith.muli %parallel_loop3A_656, %parallel_loop3A_490 : i32
        %parallel_loop3A_658 = arith.constant 3 : i32
        %parallel_loop3A_659 = arith.addi %parallel_loop3A_657, %parallel_loop3A_658 : i32
        %parallel_loop3A_660 = arith.index_cast %parallel_loop3A_659 : i32 to index
        %parallel_loop3A_661 = arith.constant 48 : index
        %parallel_loop3A_662 = tpu.vector_load %arg7[%parallel_loop3A_660, %parallel_loop3A_661] {strides = array<i32>} : memref<200x128xf32, #tpu.memory_space<vmem>>, vector<1x16xf32>,
        %parallel_loop3A_663 = vector.shape_cast %parallel_loop3A_662 : vector<1x16xf32> to vector<16xf32>
        %parallel_loop3A_664 = arith.addf %parallel_loop3A_655, %parallel_loop3A_663 : vector<16xf32>
        %parallel_loop3A_665 = arith.index_cast %parallel_loop3A_490 : i32 to index
        %parallel_loop3A_666 = arith.constant 48 : index
        %parallel_loop3A_667 = tpu.vector_load %arg9[%parallel_loop3A_665, %parallel_loop3A_666] {strides = array<i32>} : memref<50x128xf32, #tpu.memory_space<vmem>>, vector<1x16xf32>,
        %parallel_loop3A_668 = vector.shape_cast %parallel_loop3A_667 : vector<1x16xf32> to vector<16xf32>
        %parallel_loop3A_669 = vector.shape_cast %parallel_loop3A_664 : vector<16xf32> to vector<1x16xf32>
        tpu.vector_store %arg9[%parallel_loop3A_665, %parallel_loop3A_666], %parallel_loop3A_669 {strides = array<i32>} : memref<50x128xf32, #tpu.memory_space<vmem>>, vector<1x16xf32>,
        %parallel_loop3A_670 = arith.mulf %parallel_loop3A_664, %parallel_loop3A_511 : vector<16xf32>
        %parallel_loop3A_671 = arith.addf %parallel_loop3A_494, %parallel_loop3A_670 : vector<16xf32>
        %parallel_loop3A_672 = arith.constant 4 : i32
        %parallel_loop3A_673 = arith.muli %parallel_loop3A_672, %parallel_loop3A_490 : i32
        %parallel_loop3A_674 = arith.index_cast %parallel_loop3A_673 : i32 to index
        %parallel_loop3A_675 = arith.constant 64 : index
        %parallel_loop3A_676 = tpu.vector_load %arg7[%parallel_loop3A_674, %parallel_loop3A_675] {strides = array<i32>} : memref<200x128xf32, #tpu.memory_space<vmem>>, vector<1x16xf32>,
        %parallel_loop3A_677 = vector.shape_cast %parallel_loop3A_676 : vector<1x16xf32> to vector<16xf32>
        %parallel_loop3A_678 = arith.constant 4 : i32
        %parallel_loop3A_679 = arith.muli %parallel_loop3A_678, %parallel_loop3A_490 : i32
        %parallel_loop3A_680 = arith.constant 1 : i32
        %parallel_loop3A_681 = arith.addi %parallel_loop3A_679, %parallel_loop3A_680 : i32
        %parallel_loop3A_682 = arith.index_cast %parallel_loop3A_681 : i32 to index
        %parallel_loop3A_683 = arith.constant 64 : index
        %parallel_loop3A_684 = tpu.vector_load %arg7[%parallel_loop3A_682, %parallel_loop3A_683] {strides = array<i32>} : memref<200x128xf32, #tpu.memory_space<vmem>>, vector<1x16xf32>,
        %parallel_loop3A_685 = vector.shape_cast %parallel_loop3A_684 : vector<1x16xf32> to vector<16xf32>
        %parallel_loop3A_686 = arith.addf %parallel_loop3A_677, %parallel_loop3A_685 : vector<16xf32>
        %parallel_loop3A_687 = arith.constant 4 : i32
        %parallel_loop3A_688 = arith.muli %parallel_loop3A_687, %parallel_loop3A_490 : i32
        %parallel_loop3A_689 = arith.constant 2 : i32
        %parallel_loop3A_690 = arith.addi %parallel_loop3A_688, %parallel_loop3A_689 : i32
        %parallel_loop3A_691 = arith.index_cast %parallel_loop3A_690 : i32 to index
        %parallel_loop3A_692 = arith.constant 64 : index
        %parallel_loop3A_693 = tpu.vector_load %arg7[%parallel_loop3A_691, %parallel_loop3A_692] {strides = array<i32>} : memref<200x128xf32, #tpu.memory_space<vmem>>, vector<1x16xf32>,
        %parallel_loop3A_694 = vector.shape_cast %parallel_loop3A_693 : vector<1x16xf32> to vector<16xf32>
        %parallel_loop3A_695 = arith.addf %parallel_loop3A_686, %parallel_loop3A_694 : vector<16xf32>
        %parallel_loop3A_696 = arith.constant 4 : i32
        %parallel_loop3A_697 = arith.muli %parallel_loop3A_696, %parallel_loop3A_490 : i32
        %parallel_loop3A_698 = arith.constant 3 : i32
        %parallel_loop3A_699 = arith.addi %parallel_loop3A_697, %parallel_loop3A_698 : i32
        %parallel_loop3A_700 = arith.index_cast %parallel_loop3A_699 : i32 to index
        %parallel_loop3A_701 = arith.constant 64 : index
        %parallel_loop3A_702 = tpu.vector_load %arg7[%parallel_loop3A_700, %parallel_loop3A_701] {strides = array<i32>} : memref<200x128xf32, #tpu.memory_space<vmem>>, vector<1x16xf32>,
        %parallel_loop3A_703 = vector.shape_cast %parallel_loop3A_702 : vector<1x16xf32> to vector<16xf32>
        %parallel_loop3A_704 = arith.addf %parallel_loop3A_695, %parallel_loop3A_703 : vector<16xf32>
        %parallel_loop3A_705 = arith.index_cast %parallel_loop3A_490 : i32 to index
        %parallel_loop3A_706 = arith.constant 64 : index
        %parallel_loop3A_707 = tpu.vector_load %arg9[%parallel_loop3A_705, %parallel_loop3A_706] {strides = array<i32>} : memref<50x128xf32, #tpu.memory_space<vmem>>, vector<1x16xf32>,
        %parallel_loop3A_708 = vector.shape_cast %parallel_loop3A_707 : vector<1x16xf32> to vector<16xf32>
        %parallel_loop3A_709 = vector.shape_cast %parallel_loop3A_704 : vector<16xf32> to vector<1x16xf32>
        tpu.vector_store %arg9[%parallel_loop3A_705, %parallel_loop3A_706], %parallel_loop3A_709 {strides = array<i32>} : memref<50x128xf32, #tpu.memory_space<vmem>>, vector<1x16xf32>,
        %parallel_loop3A_710 = arith.mulf %parallel_loop3A_704, %parallel_loop3A_511 : vector<16xf32>
        %parallel_loop3A_711 = arith.addf %parallel_loop3A_495, %parallel_loop3A_710 : vector<16xf32>
        %parallel_loop3A_712 = arith.constant 4 : i32
        %parallel_loop3A_713 = arith.muli %parallel_loop3A_712, %parallel_loop3A_490 : i32
        %parallel_loop3A_714 = arith.index_cast %parallel_loop3A_713 : i32 to index
        %parallel_loop3A_715 = arith.constant 80 : index
        %parallel_loop3A_716 = tpu.vector_load %arg7[%parallel_loop3A_714, %parallel_loop3A_715] {strides = array<i32>} : memref<200x128xf32, #tpu.memory_space<vmem>>, vector<1x16xf32>,
        %parallel_loop3A_717 = vector.shape_cast %parallel_loop3A_716 : vector<1x16xf32> to vector<16xf32>
        %parallel_loop3A_718 = arith.constant 4 : i32
        %parallel_loop3A_719 = arith.muli %parallel_loop3A_718, %parallel_loop3A_490 : i32
        %parallel_loop3A_720 = arith.constant 1 : i32
        %parallel_loop3A_721 = arith.addi %parallel_loop3A_719, %parallel_loop3A_720 : i32
        %parallel_loop3A_722 = arith.index_cast %parallel_loop3A_721 : i32 to index
        %parallel_loop3A_723 = arith.constant 80 : index
        %parallel_loop3A_724 = tpu.vector_load %arg7[%parallel_loop3A_722, %parallel_loop3A_723] {strides = array<i32>} : memref<200x128xf32, #tpu.memory_space<vmem>>, vector<1x16xf32>,
        %parallel_loop3A_725 = vector.shape_cast %parallel_loop3A_724 : vector<1x16xf32> to vector<16xf32>
        %parallel_loop3A_726 = arith.addf %parallel_loop3A_717, %parallel_loop3A_725 : vector<16xf32>
        %parallel_loop3A_727 = arith.constant 4 : i32
        %parallel_loop3A_728 = arith.muli %parallel_loop3A_727, %parallel_loop3A_490 : i32
        %parallel_loop3A_729 = arith.constant 2 : i32
        %parallel_loop3A_730 = arith.addi %parallel_loop3A_728, %parallel_loop3A_729 : i32
        %parallel_loop3A_731 = arith.index_cast %parallel_loop3A_730 : i32 to index
        %parallel_loop3A_732 = arith.constant 80 : index
        %parallel_loop3A_733 = tpu.vector_load %arg7[%parallel_loop3A_731, %parallel_loop3A_732] {strides = array<i32>} : memref<200x128xf32, #tpu.memory_space<vmem>>, vector<1x16xf32>,
        %parallel_loop3A_734 = vector.shape_cast %parallel_loop3A_733 : vector<1x16xf32> to vector<16xf32>
        %parallel_loop3A_735 = arith.addf %parallel_loop3A_726, %parallel_loop3A_734 : vector<16xf32>
        %parallel_loop3A_736 = arith.constant 4 : i32
        %parallel_loop3A_737 = arith.muli %parallel_loop3A_736, %parallel_loop3A_490 : i32
        %parallel_loop3A_738 = arith.constant 3 : i32
        %parallel_loop3A_739 = arith.addi %parallel_loop3A_737, %parallel_loop3A_738 : i32
        %parallel_loop3A_740 = arith.index_cast %parallel_loop3A_739 : i32 to index
        %parallel_loop3A_741 = arith.constant 80 : index
        %parallel_loop3A_742 = tpu.vector_load %arg7[%parallel_loop3A_740, %parallel_loop3A_741] {strides = array<i32>} : memref<200x128xf32, #tpu.memory_space<vmem>>, vector<1x16xf32>,
        %parallel_loop3A_743 = vector.shape_cast %parallel_loop3A_742 : vector<1x16xf32> to vector<16xf32>
        %parallel_loop3A_744 = arith.addf %parallel_loop3A_735, %parallel_loop3A_743 : vector<16xf32>
        %parallel_loop3A_745 = arith.index_cast %parallel_loop3A_490 : i32 to index
        %parallel_loop3A_746 = arith.constant 80 : index
        %parallel_loop3A_747 = tpu.vector_load %arg9[%parallel_loop3A_745, %parallel_loop3A_746] {strides = array<i32>} : memref<50x128xf32, #tpu.memory_space<vmem>>, vector<1x16xf32>,
        %parallel_loop3A_748 = vector.shape_cast %parallel_loop3A_747 : vector<1x16xf32> to vector<16xf32>
        %parallel_loop3A_749 = vector.shape_cast %parallel_loop3A_744 : vector<16xf32> to vector<1x16xf32>
        tpu.vector_store %arg9[%parallel_loop3A_745, %parallel_loop3A_746], %parallel_loop3A_749 {strides = array<i32>} : memref<50x128xf32, #tpu.memory_space<vmem>>, vector<1x16xf32>,
        %parallel_loop3A_750 = arith.mulf %parallel_loop3A_744, %parallel_loop3A_511 : vector<16xf32>
        %parallel_loop3A_751 = arith.addf %parallel_loop3A_496, %parallel_loop3A_750 : vector<16xf32>
        %parallel_loop3A_752 = arith.constant 4 : i32
        %parallel_loop3A_753 = arith.muli %parallel_loop3A_752, %parallel_loop3A_490 : i32
        %parallel_loop3A_754 = arith.index_cast %parallel_loop3A_753 : i32 to index
        %parallel_loop3A_755 = arith.constant 96 : index
        %parallel_loop3A_756 = tpu.vector_load %arg7[%parallel_loop3A_754, %parallel_loop3A_755] {strides = array<i32>} : memref<200x128xf32, #tpu.memory_space<vmem>>, vector<1x16xf32>,
        %parallel_loop3A_757 = vector.shape_cast %parallel_loop3A_756 : vector<1x16xf32> to vector<16xf32>
        %parallel_loop3A_758 = arith.constant 4 : i32
        %parallel_loop3A_759 = arith.muli %parallel_loop3A_758, %parallel_loop3A_490 : i32
        %parallel_loop3A_760 = arith.constant 1 : i32
        %parallel_loop3A_761 = arith.addi %parallel_loop3A_759, %parallel_loop3A_760 : i32
        %parallel_loop3A_762 = arith.index_cast %parallel_loop3A_761 : i32 to index
        %parallel_loop3A_763 = arith.constant 96 : index
        %parallel_loop3A_764 = tpu.vector_load %arg7[%parallel_loop3A_762, %parallel_loop3A_763] {strides = array<i32>} : memref<200x128xf32, #tpu.memory_space<vmem>>, vector<1x16xf32>,
        %parallel_loop3A_765 = vector.shape_cast %parallel_loop3A_764 : vector<1x16xf32> to vector<16xf32>
        %parallel_loop3A_766 = arith.addf %parallel_loop3A_757, %parallel_loop3A_765 : vector<16xf32>
        %parallel_loop3A_767 = arith.constant 4 : i32
        %parallel_loop3A_768 = arith.muli %parallel_loop3A_767, %parallel_loop3A_490 : i32
        %parallel_loop3A_769 = arith.constant 2 : i32
        %parallel_loop3A_770 = arith.addi %parallel_loop3A_768, %parallel_loop3A_769 : i32
        %parallel_loop3A_771 = arith.index_cast %parallel_loop3A_770 : i32 to index
        %parallel_loop3A_772 = arith.constant 96 : index
        %parallel_loop3A_773 = tpu.vector_load %arg7[%parallel_loop3A_771, %parallel_loop3A_772] {strides = array<i32>} : memref<200x128xf32, #tpu.memory_space<vmem>>, vector<1x16xf32>,
        %parallel_loop3A_774 = vector.shape_cast %parallel_loop3A_773 : vector<1x16xf32> to vector<16xf32>
        %parallel_loop3A_775 = arith.addf %parallel_loop3A_766, %parallel_loop3A_774 : vector<16xf32>
        %parallel_loop3A_776 = arith.constant 4 : i32
        %parallel_loop3A_777 = arith.muli %parallel_loop3A_776, %parallel_loop3A_490 : i32
        %parallel_loop3A_778 = arith.constant 3 : i32
        %parallel_loop3A_779 = arith.addi %parallel_loop3A_777, %parallel_loop3A_778 : i32
        %parallel_loop3A_780 = arith.index_cast %parallel_loop3A_779 : i32 to index
        %parallel_loop3A_781 = arith.constant 96 : index
        %parallel_loop3A_782 = tpu.vector_load %arg7[%parallel_loop3A_780, %parallel_loop3A_781] {strides = array<i32>} : memref<200x128xf32, #tpu.memory_space<vmem>>, vector<1x16xf32>,
        %parallel_loop3A_783 = vector.shape_cast %parallel_loop3A_782 : vector<1x16xf32> to vector<16xf32>
        %parallel_loop3A_784 = arith.addf %parallel_loop3A_775, %parallel_loop3A_783 : vector<16xf32>
        %parallel_loop3A_785 = arith.index_cast %parallel_loop3A_490 : i32 to index
        %parallel_loop3A_786 = arith.constant 96 : index
        %parallel_loop3A_787 = tpu.vector_load %arg9[%parallel_loop3A_785, %parallel_loop3A_786] {strides = array<i32>} : memref<50x128xf32, #tpu.memory_space<vmem>>, vector<1x16xf32>,
        %parallel_loop3A_788 = vector.shape_cast %parallel_loop3A_787 : vector<1x16xf32> to vector<16xf32>
        %parallel_loop3A_789 = vector.shape_cast %parallel_loop3A_784 : vector<16xf32> to vector<1x16xf32>
        tpu.vector_store %arg9[%parallel_loop3A_785, %parallel_loop3A_786], %parallel_loop3A_789 {strides = array<i32>} : memref<50x128xf32, #tpu.memory_space<vmem>>, vector<1x16xf32>,
        %parallel_loop3A_790 = arith.mulf %parallel_loop3A_784, %parallel_loop3A_511 : vector<16xf32>
        %parallel_loop3A_791 = arith.addf %parallel_loop3A_497, %parallel_loop3A_790 : vector<16xf32>
        %parallel_loop3A_792 = arith.constant 4 : i32
        %parallel_loop3A_793 = arith.muli %parallel_loop3A_792, %parallel_loop3A_490 : i32
        %parallel_loop3A_794 = arith.index_cast %parallel_loop3A_793 : i32 to index
        %parallel_loop3A_795 = arith.constant 112 : index
        %parallel_loop3A_796 = tpu.vector_load %arg7[%parallel_loop3A_794, %parallel_loop3A_795] {strides = array<i32>} : memref<200x128xf32, #tpu.memory_space<vmem>>, vector<1x16xf32>,
        %parallel_loop3A_797 = vector.shape_cast %parallel_loop3A_796 : vector<1x16xf32> to vector<16xf32>
        %parallel_loop3A_798 = arith.constant 4 : i32
        %parallel_loop3A_799 = arith.muli %parallel_loop3A_798, %parallel_loop3A_490 : i32
        %parallel_loop3A_800 = arith.constant 1 : i32
        %parallel_loop3A_801 = arith.addi %parallel_loop3A_799, %parallel_loop3A_800 : i32
        %parallel_loop3A_802 = arith.index_cast %parallel_loop3A_801 : i32 to index
        %parallel_loop3A_803 = arith.constant 112 : index
        %parallel_loop3A_804 = tpu.vector_load %arg7[%parallel_loop3A_802, %parallel_loop3A_803] {strides = array<i32>} : memref<200x128xf32, #tpu.memory_space<vmem>>, vector<1x16xf32>,
        %parallel_loop3A_805 = vector.shape_cast %parallel_loop3A_804 : vector<1x16xf32> to vector<16xf32>
        %parallel_loop3A_806 = arith.addf %parallel_loop3A_797, %parallel_loop3A_805 : vector<16xf32>
        %parallel_loop3A_807 = arith.constant 4 : i32
        %parallel_loop3A_808 = arith.muli %parallel_loop3A_807, %parallel_loop3A_490 : i32
        %parallel_loop3A_809 = arith.constant 2 : i32
        %parallel_loop3A_810 = arith.addi %parallel_loop3A_808, %parallel_loop3A_809 : i32
        %parallel_loop3A_811 = arith.index_cast %parallel_loop3A_810 : i32 to index
        %parallel_loop3A_812 = arith.constant 112 : index
        %parallel_loop3A_813 = tpu.vector_load %arg7[%parallel_loop3A_811, %parallel_loop3A_812] {strides = array<i32>} : memref<200x128xf32, #tpu.memory_space<vmem>>, vector<1x16xf32>,
        %parallel_loop3A_814 = vector.shape_cast %parallel_loop3A_813 : vector<1x16xf32> to vector<16xf32>
        %parallel_loop3A_815 = arith.addf %parallel_loop3A_806, %parallel_loop3A_814 : vector<16xf32>
        %parallel_loop3A_816 = arith.constant 4 : i32
        %parallel_loop3A_817 = arith.muli %parallel_loop3A_816, %parallel_loop3A_490 : i32
        %parallel_loop3A_818 = arith.constant 3 : i32
        %parallel_loop3A_819 = arith.addi %parallel_loop3A_817, %parallel_loop3A_818 : i32
        %parallel_loop3A_820 = arith.index_cast %parallel_loop3A_819 : i32 to index
        %parallel_loop3A_821 = arith.constant 112 : index
        %parallel_loop3A_822 = tpu.vector_load %arg7[%parallel_loop3A_820, %parallel_loop3A_821] {strides = array<i32>} : memref<200x128xf32, #tpu.memory_space<vmem>>, vector<1x16xf32>,
        %parallel_loop3A_823 = vector.shape_cast %parallel_loop3A_822 : vector<1x16xf32> to vector<16xf32>
        %parallel_loop3A_824 = arith.addf %parallel_loop3A_815, %parallel_loop3A_823 : vector<16xf32>
        %parallel_loop3A_825 = arith.index_cast %parallel_loop3A_490 : i32 to index
        %parallel_loop3A_826 = arith.constant 112 : index
        %parallel_loop3A_827 = tpu.vector_load %arg9[%parallel_loop3A_825, %parallel_loop3A_826] {strides = array<i32>} : memref<50x128xf32, #tpu.memory_space<vmem>>, vector<1x16xf32>,
        %parallel_loop3A_828 = vector.shape_cast %parallel_loop3A_827 : vector<1x16xf32> to vector<16xf32>
        %parallel_loop3A_829 = vector.shape_cast %parallel_loop3A_824 : vector<16xf32> to vector<1x16xf32>
        tpu.vector_store %arg9[%parallel_loop3A_825, %parallel_loop3A_826], %parallel_loop3A_829 {strides = array<i32>} : memref<50x128xf32, #tpu.memory_space<vmem>>, vector<1x16xf32>,
        %parallel_loop3A_830 = arith.mulf %parallel_loop3A_824, %parallel_loop3A_511 : vector<16xf32>
        %parallel_loop3A_831 = arith.addf %parallel_loop3A_498, %parallel_loop3A_830 : vector<16xf32>
        scf.yield %parallel_loop3A_551, %parallel_loop3A_591, %parallel_loop3A_631, %parallel_loop3A_671, %parallel_loop3A_711, %parallel_loop3A_751, %parallel_loop3A_791, %parallel_loop3A_831 : vector<16xf32>, vector<16xf32>, vector<16xf32>, vector<16xf32>, vector<16xf32>, vector<16xf32>, vector<16xf32>, vector<16xf32>
      } {sc.loop_unroll_factor = 4 : i64, sc.parallel_access}
      %broadcast_in_dim3A_269 = arith.constant -1.000000e+30 : f32
      %broadcast_in_dim3A_270 = vector.broadcast %broadcast_in_dim3A_269 : f32 to vector<16xf32>
      %broadcast_in_dim3A_271 = arith.constant -1.000000e+30 : f32
      %broadcast_in_dim3A_272 = vector.broadcast %broadcast_in_dim3A_271 : f32 to vector<16xf32>
      %broadcast_in_dim3A_273 = arith.constant -1.000000e+30 : f32
      %broadcast_in_dim3A_274 = vector.broadcast %broadcast_in_dim3A_273 : f32 to vector<16xf32>
      %broadcast_in_dim3A_275 = arith.constant -1.000000e+30 : f32
      %broadcast_in_dim3A_276 = vector.broadcast %broadcast_in_dim3A_275 : f32 to vector<16xf32>
      %parallel_loop3A_277 = arith.constant 0 : i32
      %parallel_loop3A_278 = arith.constant 50 : i32
      %parallel_loop3A_279 = arith.constant 1 : i32
      %parallel_loop3A_280:4 = scf.for %parallel_loop3A_490 = %parallel_loop3A_277 to %parallel_loop3A_278 step %parallel_loop3A_279 iter_args(%parallel_loop3A_491 = %broadcast_in_dim3A_270, %parallel_loop3A_492 = %broadcast_in_dim3A_272, %parallel_loop3A_493 = %broadcast_in_dim3A_274, %parallel_loop3A_494 = %broadcast_in_dim3A_276) -> (vector<16xf32>, vector<16xf32>, vector<16xf32>, vector<16xf32>)  : i32 {
        %parallel_loop3A_495 = arith.index_cast %parallel_loop3A_490 : i32 to index
        %parallel_loop3A_496 = arith.constant 0 : index
        %parallel_loop3A_497 = tpu.vector_load %arg9[%parallel_loop3A_495, %parallel_loop3A_496] {strides = array<i32>} : memref<50x128xf32, #tpu.memory_space<vmem>>, vector<1x16xf32>,
        %parallel_loop3A_498 = vector.shape_cast %parallel_loop3A_497 : vector<1x16xf32> to vector<16xf32>
        %parallel_loop3A_499 = arith.mulf %parallel_loop3A_498, %parallel_loop3A_268#0 : vector<16xf32>
        %parallel_loop3A_500 = arith.index_cast %parallel_loop3A_490 : i32 to index
        %parallel_loop3A_501 = arith.constant 16 : index
        %parallel_loop3A_502 = tpu.vector_load %arg9[%parallel_loop3A_500, %parallel_loop3A_501] {strides = array<i32>} : memref<50x128xf32, #tpu.memory_space<vmem>>, vector<1x16xf32>,
        %parallel_loop3A_503 = vector.shape_cast %parallel_loop3A_502 : vector<1x16xf32> to vector<16xf32>
        %parallel_loop3A_504 = arith.mulf %parallel_loop3A_503, %parallel_loop3A_268#1 : vector<16xf32>
        %parallel_loop3A_505 = arith.addf %parallel_loop3A_499, %parallel_loop3A_504 : vector<16xf32>
        %parallel_loop3A_506 = arith.index_cast %parallel_loop3A_490 : i32 to index
        %parallel_loop3A_507 = arith.constant 32 : index
        %parallel_loop3A_508 = tpu.vector_load %arg9[%parallel_loop3A_506, %parallel_loop3A_507] {strides = array<i32>} : memref<50x128xf32, #tpu.memory_space<vmem>>, vector<1x16xf32>,
        %parallel_loop3A_509 = vector.shape_cast %parallel_loop3A_508 : vector<1x16xf32> to vector<16xf32>
        %parallel_loop3A_510 = arith.mulf %parallel_loop3A_509, %parallel_loop3A_268#2 : vector<16xf32>
        %parallel_loop3A_511 = arith.addf %parallel_loop3A_505, %parallel_loop3A_510 : vector<16xf32>
        %parallel_loop3A_512 = arith.index_cast %parallel_loop3A_490 : i32 to index
        %parallel_loop3A_513 = arith.constant 48 : index
        %parallel_loop3A_514 = tpu.vector_load %arg9[%parallel_loop3A_512, %parallel_loop3A_513] {strides = array<i32>} : memref<50x128xf32, #tpu.memory_space<vmem>>, vector<1x16xf32>,
        %parallel_loop3A_515 = vector.shape_cast %parallel_loop3A_514 : vector<1x16xf32> to vector<16xf32>
        %parallel_loop3A_516 = arith.mulf %parallel_loop3A_515, %parallel_loop3A_268#3 : vector<16xf32>
        %parallel_loop3A_517 = arith.addf %parallel_loop3A_511, %parallel_loop3A_516 : vector<16xf32>
        %parallel_loop3A_518 = arith.index_cast %parallel_loop3A_490 : i32 to index
        %parallel_loop3A_519 = arith.constant 64 : index
        %parallel_loop3A_520 = tpu.vector_load %arg9[%parallel_loop3A_518, %parallel_loop3A_519] {strides = array<i32>} : memref<50x128xf32, #tpu.memory_space<vmem>>, vector<1x16xf32>,
        %parallel_loop3A_521 = vector.shape_cast %parallel_loop3A_520 : vector<1x16xf32> to vector<16xf32>
        %parallel_loop3A_522 = arith.mulf %parallel_loop3A_521, %parallel_loop3A_268#4 : vector<16xf32>
        %parallel_loop3A_523 = arith.addf %parallel_loop3A_517, %parallel_loop3A_522 : vector<16xf32>
        %parallel_loop3A_524 = arith.index_cast %parallel_loop3A_490 : i32 to index
        %parallel_loop3A_525 = arith.constant 80 : index
        %parallel_loop3A_526 = tpu.vector_load %arg9[%parallel_loop3A_524, %parallel_loop3A_525] {strides = array<i32>} : memref<50x128xf32, #tpu.memory_space<vmem>>, vector<1x16xf32>,
        %parallel_loop3A_527 = vector.shape_cast %parallel_loop3A_526 : vector<1x16xf32> to vector<16xf32>
        %parallel_loop3A_528 = arith.mulf %parallel_loop3A_527, %parallel_loop3A_268#5 : vector<16xf32>
        %parallel_loop3A_529 = arith.addf %parallel_loop3A_523, %parallel_loop3A_528 : vector<16xf32>
        %parallel_loop3A_530 = arith.index_cast %parallel_loop3A_490 : i32 to index
        %parallel_loop3A_531 = arith.constant 96 : index
        %parallel_loop3A_532 = tpu.vector_load %arg9[%parallel_loop3A_530, %parallel_loop3A_531] {strides = array<i32>} : memref<50x128xf32, #tpu.memory_space<vmem>>, vector<1x16xf32>,
        %parallel_loop3A_533 = vector.shape_cast %parallel_loop3A_532 : vector<1x16xf32> to vector<16xf32>
        %parallel_loop3A_534 = arith.mulf %parallel_loop3A_533, %parallel_loop3A_268#6 : vector<16xf32>
        %parallel_loop3A_535 = arith.addf %parallel_loop3A_529, %parallel_loop3A_534 : vector<16xf32>
        %parallel_loop3A_536 = arith.index_cast %parallel_loop3A_490 : i32 to index
        %parallel_loop3A_537 = arith.constant 112 : index
        %parallel_loop3A_538 = tpu.vector_load %arg9[%parallel_loop3A_536, %parallel_loop3A_537] {strides = array<i32>} : memref<50x128xf32, #tpu.memory_space<vmem>>, vector<1x16xf32>,
        %parallel_loop3A_539 = vector.shape_cast %parallel_loop3A_538 : vector<1x16xf32> to vector<16xf32>
        %parallel_loop3A_540 = arith.mulf %parallel_loop3A_539, %parallel_loop3A_268#7 : vector<16xf32>
        %parallel_loop3A_541 = arith.addf %parallel_loop3A_535, %parallel_loop3A_540 : vector<16xf32>
        %parallel_loop3A_542 = arith.constant 8 : i32
        %parallel_loop3A_543 = vector.broadcast %parallel_loop3A_542 : i32 to vector<16xi32>
        %parallel_loop3A_544 = arith.xori %iota3A, %parallel_loop3A_543 : vector<16xi32>
        %parallel_loop3A_545 = arith.constant 0 : i32
        %parallel_loop3A_546 = vector.broadcast %parallel_loop3A_545 : i32 to vector<16xi32>
        %parallel_loop3A_547 = arith.cmpi slt, %parallel_loop3A_544, %parallel_loop3A_546 : vector<16xi32>
        %parallel_loop3A_548 = arith.constant 16 : i32
        %parallel_loop3A_549 = vector.broadcast %parallel_loop3A_548 : i32 to vector<16xi32>
        %parallel_loop3A_550 = arith.addi %parallel_loop3A_544, %parallel_loop3A_549 : vector<16xi32>
        %parallel_loop3A_551 = arith.select %parallel_loop3A_547, %parallel_loop3A_550, %parallel_loop3A_544 : vector<16xi1>, vector<16xi32>
        %parallel_loop3A_552 = vector.shape_cast %parallel_loop3A_551 : vector<16xi32> to vector<16x1xi32>
        %parallel_loop3A_553 = vector.shape_cast %parallel_loop3A_552 : vector<16x1xi32> to vector<16xi32>
        %parallel_loop3A_554 = tpu.dynamic_gather %parallel_loop3A_541[%parallel_loop3A_553] in [0] : vector<16xf32>, vector<16xi32> -> vector<16xf32>
        %parallel_loop3A_555 = arith.addf %parallel_loop3A_541, %parallel_loop3A_554 : vector<16xf32>
        %parallel_loop3A_556 = arith.constant 4 : i32
        %parallel_loop3A_557 = vector.broadcast %parallel_loop3A_556 : i32 to vector<16xi32>
        %parallel_loop3A_558 = arith.xori %iota3A, %parallel_loop3A_557 : vector<16xi32>
        %parallel_loop3A_559 = arith.constant 0 : i32
        %parallel_loop3A_560 = vector.broadcast %parallel_loop3A_559 : i32 to vector<16xi32>
        %parallel_loop3A_561 = arith.cmpi slt, %parallel_loop3A_558, %parallel_loop3A_560 : vector<16xi32>
        %parallel_loop3A_562 = arith.constant 16 : i32
        %parallel_loop3A_563 = vector.broadcast %parallel_loop3A_562 : i32 to vector<16xi32>
        %parallel_loop3A_564 = arith.addi %parallel_loop3A_558, %parallel_loop3A_563 : vector<16xi32>
        %parallel_loop3A_565 = arith.select %parallel_loop3A_561, %parallel_loop3A_564, %parallel_loop3A_558 : vector<16xi1>, vector<16xi32>
        %parallel_loop3A_566 = vector.shape_cast %parallel_loop3A_565 : vector<16xi32> to vector<16x1xi32>
        %parallel_loop3A_567 = vector.shape_cast %parallel_loop3A_566 : vector<16x1xi32> to vector<16xi32>
        %parallel_loop3A_568 = tpu.dynamic_gather %parallel_loop3A_555[%parallel_loop3A_567] in [0] : vector<16xf32>, vector<16xi32> -> vector<16xf32>
        %parallel_loop3A_569 = arith.addf %parallel_loop3A_555, %parallel_loop3A_568 : vector<16xf32>
        %parallel_loop3A_570 = arith.constant 2 : i32
        %parallel_loop3A_571 = vector.broadcast %parallel_loop3A_570 : i32 to vector<16xi32>
        %parallel_loop3A_572 = arith.xori %iota3A, %parallel_loop3A_571 : vector<16xi32>
        %parallel_loop3A_573 = arith.constant 0 : i32
        %parallel_loop3A_574 = vector.broadcast %parallel_loop3A_573 : i32 to vector<16xi32>
        %parallel_loop3A_575 = arith.cmpi slt, %parallel_loop3A_572, %parallel_loop3A_574 : vector<16xi32>
        %parallel_loop3A_576 = arith.constant 16 : i32
        %parallel_loop3A_577 = vector.broadcast %parallel_loop3A_576 : i32 to vector<16xi32>
        %parallel_loop3A_578 = arith.addi %parallel_loop3A_572, %parallel_loop3A_577 : vector<16xi32>
        %parallel_loop3A_579 = arith.select %parallel_loop3A_575, %parallel_loop3A_578, %parallel_loop3A_572 : vector<16xi1>, vector<16xi32>
        %parallel_loop3A_580 = vector.shape_cast %parallel_loop3A_579 : vector<16xi32> to vector<16x1xi32>
        %parallel_loop3A_581 = vector.shape_cast %parallel_loop3A_580 : vector<16x1xi32> to vector<16xi32>
        %parallel_loop3A_582 = tpu.dynamic_gather %parallel_loop3A_569[%parallel_loop3A_581] in [0] : vector<16xf32>, vector<16xi32> -> vector<16xf32>
        %parallel_loop3A_583 = arith.addf %parallel_loop3A_569, %parallel_loop3A_582 : vector<16xf32>
        %parallel_loop3A_584 = arith.constant 1 : i32
        %parallel_loop3A_585 = vector.broadcast %parallel_loop3A_584 : i32 to vector<16xi32>
        %parallel_loop3A_586 = arith.xori %iota3A, %parallel_loop3A_585 : vector<16xi32>
        %parallel_loop3A_587 = arith.constant 0 : i32
        %parallel_loop3A_588 = vector.broadcast %parallel_loop3A_587 : i32 to vector<16xi32>
        %parallel_loop3A_589 = arith.cmpi slt, %parallel_loop3A_586, %parallel_loop3A_588 : vector<16xi32>
        %parallel_loop3A_590 = arith.constant 16 : i32
        %parallel_loop3A_591 = vector.broadcast %parallel_loop3A_590 : i32 to vector<16xi32>
        %parallel_loop3A_592 = arith.addi %parallel_loop3A_586, %parallel_loop3A_591 : vector<16xi32>
        %parallel_loop3A_593 = arith.select %parallel_loop3A_589, %parallel_loop3A_592, %parallel_loop3A_586 : vector<16xi1>, vector<16xi32>
        %parallel_loop3A_594 = vector.shape_cast %parallel_loop3A_593 : vector<16xi32> to vector<16x1xi32>
        %parallel_loop3A_595 = vector.shape_cast %parallel_loop3A_594 : vector<16x1xi32> to vector<16xi32>
        %parallel_loop3A_596 = tpu.dynamic_gather %parallel_loop3A_583[%parallel_loop3A_595] in [0] : vector<16xf32>, vector<16xi32> -> vector<16xf32>
        %parallel_loop3A_597 = arith.addf %parallel_loop3A_583, %parallel_loop3A_596 : vector<16xf32>
        %parallel_loop3A_598 = arith.constant 16 : i32
        %parallel_loop3A_599 = arith.constant 0 : i32
        %parallel_loop3A_600 = arith.cmpi eq, %parallel_loop3A_598, %parallel_loop3A_599 : i32
        %parallel_loop3A_601 = arith.constant 1 : i32
        %parallel_loop3A_602 = arith.select %parallel_loop3A_600, %parallel_loop3A_601, %parallel_loop3A_598 : i32
        %parallel_loop3A_603 = arith.remsi %parallel_loop3A_490, %parallel_loop3A_602 : i32
        %parallel_loop3A_604 = arith.constant 0 : i32
        %parallel_loop3A_605 = arith.cmpi ne, %parallel_loop3A_603, %parallel_loop3A_604 : i32
        %parallel_loop3A_606 = arith.constant 0 : i32
        %parallel_loop3A_607 = arith.cmpi slt, %parallel_loop3A_603, %parallel_loop3A_606 : i32
        %parallel_loop3A_608 = arith.constant 0 : i32
        %parallel_loop3A_609 = arith.cmpi slt, %parallel_loop3A_602, %parallel_loop3A_608 : i32
        %parallel_loop3A_610 = arith.xori %parallel_loop3A_607, %parallel_loop3A_609 : i1
        %parallel_loop3A_611 = arith.andi %parallel_loop3A_610, %parallel_loop3A_605 : i1
        %parallel_loop3A_612 = arith.addi %parallel_loop3A_603, %parallel_loop3A_602 : i32
        %parallel_loop3A_613 = arith.select %parallel_loop3A_611, %parallel_loop3A_612, %parallel_loop3A_603 : i32
        %parallel_loop3A_614 = vector.broadcast %parallel_loop3A_613 : i32 to vector<16xi32>
        %parallel_loop3A_615 = arith.cmpi eq, %iota3A, %parallel_loop3A_614 : vector<16xi32>
        %parallel_loop3A_616 = arith.constant 16 : i32
        %parallel_loop3A_617 = arith.divsi %parallel_loop3A_490, %parallel_loop3A_616 : i32
        %parallel_loop3A_618 = arith.constant 0 : i32
        %parallel_loop3A_619 = arith.cmpi sgt, %parallel_loop3A_490, %parallel_loop3A_618 : i32
        %parallel_loop3A_620 = arith.extui %parallel_loop3A_619 : i1 to i32
        %parallel_loop3A_621 = arith.constant 0 : i32
        %parallel_loop3A_622 = arith.cmpi slt, %parallel_loop3A_490, %parallel_loop3A_621 : i32
        %parallel_loop3A_623 = arith.extui %parallel_loop3A_622 : i1 to i32
        %parallel_loop3A_624 = arith.subi %parallel_loop3A_620, %parallel_loop3A_623 : i32
        %parallel_loop3A_625 = arith.constant 0 : i32
        %parallel_loop3A_626 = arith.cmpi sgt, %parallel_loop3A_616, %parallel_loop3A_625 : i32
        %parallel_loop3A_627 = arith.extui %parallel_loop3A_626 : i1 to i32
        %parallel_loop3A_628 = arith.constant 0 : i32
        %parallel_loop3A_629 = arith.cmpi slt, %parallel_loop3A_616, %parallel_loop3A_628 : i32
        %parallel_loop3A_630 = arith.extui %parallel_loop3A_629 : i1 to i32
        %parallel_loop3A_631 = arith.subi %parallel_loop3A_627, %parallel_loop3A_630 : i32
        %parallel_loop3A_632 = arith.cmpi ne, %parallel_loop3A_624, %parallel_loop3A_631 : i32
        %parallel_loop3A_633 = arith.remsi %parallel_loop3A_490, %parallel_loop3A_616 : i32
        %parallel_loop3A_634 = arith.constant 0 : i32
        %parallel_loop3A_635 = arith.cmpi ne, %parallel_loop3A_633, %parallel_loop3A_634 : i32
        %parallel_loop3A_636 = arith.andi %parallel_loop3A_632, %parallel_loop3A_635 : i1
        %parallel_loop3A_637 = arith.constant 1 : i32
        %parallel_loop3A_638 = arith.subi %parallel_loop3A_617, %parallel_loop3A_637 : i32
        %parallel_loop3A_639 = arith.select %parallel_loop3A_636, %parallel_loop3A_638, %parallel_loop3A_617 : i32
        %parallel_loop3A_640 = arith.select %parallel_loop3A_615, %parallel_loop3A_597, %parallel_loop3A_491 : vector<16xi1>, vector<16xf32>
        %parallel_loop3A_641 = arith.constant 0 : i32
        %parallel_loop3A_642 = arith.cmpi eq, %parallel_loop3A_639, %parallel_loop3A_641 : i32
        %parallel_loop3A_643 = arith.select %parallel_loop3A_642, %parallel_loop3A_640, %parallel_loop3A_491 : vector<16xf32>
        %parallel_loop3A_644 = arith.select %parallel_loop3A_615, %parallel_loop3A_597, %parallel_loop3A_492 : vector<16xi1>, vector<16xf32>
        %parallel_loop3A_645 = arith.constant 1 : i32
        %parallel_loop3A_646 = arith.cmpi eq, %parallel_loop3A_639, %parallel_loop3A_645 : i32
        %parallel_loop3A_647 = arith.select %parallel_loop3A_646, %parallel_loop3A_644, %parallel_loop3A_492 : vector<16xf32>
        %parallel_loop3A_648 = arith.select %parallel_loop3A_615, %parallel_loop3A_597, %parallel_loop3A_493 : vector<16xi1>, vector<16xf32>
        %parallel_loop3A_649 = arith.constant 2 : i32
        %parallel_loop3A_650 = arith.cmpi eq, %parallel_loop3A_639, %parallel_loop3A_649 : i32
        %parallel_loop3A_651 = arith.select %parallel_loop3A_650, %parallel_loop3A_648, %parallel_loop3A_493 : vector<16xf32>
        %parallel_loop3A_652 = arith.select %parallel_loop3A_615, %parallel_loop3A_597, %parallel_loop3A_494 : vector<16xi1>, vector<16xf32>
        %parallel_loop3A_653 = arith.constant 3 : i32
        %parallel_loop3A_654 = arith.cmpi eq, %parallel_loop3A_639, %parallel_loop3A_653 : i32
        %parallel_loop3A_655 = arith.select %parallel_loop3A_654, %parallel_loop3A_652, %parallel_loop3A_494 : vector<16xf32>
        scf.yield %parallel_loop3A_643, %parallel_loop3A_647, %parallel_loop3A_651, %parallel_loop3A_655 : vector<16xf32>, vector<16xf32>, vector<16xf32>, vector<16xf32>
      } {sc.loop_unroll_factor = 2 : i64, sc.parallel_access}
      %max3A_281 = arith.maximumf %parallel_loop3A_280#0, %parallel_loop3A_280#1 : vector<16xf32>
      %max3A_282 = arith.maximumf %max3A_281, %parallel_loop3A_280#2 : vector<16xf32>
      %max3A_283 = arith.maximumf %max3A_282, %parallel_loop3A_280#3 : vector<16xf32>
      %xor3A_284 = arith.constant 8 : i32
      %xor3A_285 = vector.broadcast %xor3A_284 : i32 to vector<16xi32>
      %xor3A_286 = arith.xori %iota3A, %xor3A_285 : vector<16xi32>
      %lt3A_287 = arith.constant 0 : i32
      %lt3A_288 = vector.broadcast %lt3A_287 : i32 to vector<16xi32>
      %lt3A_289 = arith.cmpi slt, %xor3A_286, %lt3A_288 : vector<16xi32>
      %add3A_290 = arith.constant 16 : i32
      %add3A_291 = vector.broadcast %add3A_290 : i32 to vector<16xi32>
      %add3A_292 = arith.addi %xor3A_286, %add3A_291 : vector<16xi32>
      %select_n3A_293 = arith.select %lt3A_289, %add3A_292, %xor3A_286 : vector<16xi1>, vector<16xi32>
      %broadcast_in_dim3A_294 = vector.shape_cast %select_n3A_293 : vector<16xi32> to vector<16x1xi32>
      %gather3A_295 = vector.shape_cast %broadcast_in_dim3A_294 : vector<16x1xi32> to vector<16xi32>
      %gather3A_296 = tpu.dynamic_gather %max3A_283[%gather3A_295] in [0] : vector<16xf32>, vector<16xi32> -> vector<16xf32>
      %max3A_297 = arith.maximumf %max3A_283, %gather3A_296 : vector<16xf32>
      %xor3A_298 = arith.constant 4 : i32
      %xor3A_299 = vector.broadcast %xor3A_298 : i32 to vector<16xi32>
      %xor3A_300 = arith.xori %iota3A, %xor3A_299 : vector<16xi32>
      %lt3A_301 = arith.constant 0 : i32
      %lt3A_302 = vector.broadcast %lt3A_301 : i32 to vector<16xi32>
      %lt3A_303 = arith.cmpi slt, %xor3A_300, %lt3A_302 : vector<16xi32>
      %add3A_304 = arith.constant 16 : i32
      %add3A_305 = vector.broadcast %add3A_304 : i32 to vector<16xi32>
      %add3A_306 = arith.addi %xor3A_300, %add3A_305 : vector<16xi32>
      %select_n3A_307 = arith.select %lt3A_303, %add3A_306, %xor3A_300 : vector<16xi1>, vector<16xi32>
      %broadcast_in_dim3A_308 = vector.shape_cast %select_n3A_307 : vector<16xi32> to vector<16x1xi32>
      %gather3A_309 = vector.shape_cast %broadcast_in_dim3A_308 : vector<16x1xi32> to vector<16xi32>
      %gather3A_310 = tpu.dynamic_gather %max3A_297[%gather3A_309] in [0] : vector<16xf32>, vector<16xi32> -> vector<16xf32>
      %max3A_311 = arith.maximumf %max3A_297, %gather3A_310 : vector<16xf32>
      %xor3A_312 = arith.constant 2 : i32
      %xor3A_313 = vector.broadcast %xor3A_312 : i32 to vector<16xi32>
      %xor3A_314 = arith.xori %iota3A, %xor3A_313 : vector<16xi32>
      %lt3A_315 = arith.constant 0 : i32
      %lt3A_316 = vector.broadcast %lt3A_315 : i32 to vector<16xi32>
      %lt3A_317 = arith.cmpi slt, %xor3A_314, %lt3A_316 : vector<16xi32>
      %add3A_318 = arith.constant 16 : i32
      %add3A_319 = vector.broadcast %add3A_318 : i32 to vector<16xi32>
      %add3A_320 = arith.addi %xor3A_314, %add3A_319 : vector<16xi32>
      %select_n3A_321 = arith.select %lt3A_317, %add3A_320, %xor3A_314 : vector<16xi1>, vector<16xi32>
      %broadcast_in_dim3A_322 = vector.shape_cast %select_n3A_321 : vector<16xi32> to vector<16x1xi32>
      %gather3A_323 = vector.shape_cast %broadcast_in_dim3A_322 : vector<16x1xi32> to vector<16xi32>
      %gather3A_324 = tpu.dynamic_gather %max3A_311[%gather3A_323] in [0] : vector<16xf32>, vector<16xi32> -> vector<16xf32>
      %max3A_325 = arith.maximumf %max3A_311, %gather3A_324 : vector<16xf32>
      %xor3A_326 = arith.constant 1 : i32
      %xor3A_327 = vector.broadcast %xor3A_326 : i32 to vector<16xi32>
      %xor3A_328 = arith.xori %iota3A, %xor3A_327 : vector<16xi32>
      %lt3A_329 = arith.constant 0 : i32
      %lt3A_330 = vector.broadcast %lt3A_329 : i32 to vector<16xi32>
      %lt3A_331 = arith.cmpi slt, %xor3A_328, %lt3A_330 : vector<16xi32>
      %add3A_332 = arith.constant 16 : i32
      %add3A_333 = vector.broadcast %add3A_332 : i32 to vector<16xi32>
      %add3A_334 = arith.addi %xor3A_328, %add3A_333 : vector<16xi32>
      %select_n3A_335 = arith.select %lt3A_331, %add3A_334, %xor3A_328 : vector<16xi1>, vector<16xi32>
      %broadcast_in_dim3A_336 = vector.shape_cast %select_n3A_335 : vector<16xi32> to vector<16x1xi32>
      %gather3A_337 = vector.shape_cast %broadcast_in_dim3A_336 : vector<16x1xi32> to vector<16xi32>
      %gather3A_338 = tpu.dynamic_gather %max3A_325[%gather3A_337] in [0] : vector<16xf32>, vector<16xi32> -> vector<16xf32>
      %max3A_339 = arith.maximumf %max3A_325, %gather3A_338 : vector<16xf32>
      %sub3A_340 = arith.subf %parallel_loop3A_280#0, %max3A_339 : vector<16xf32>
      %exp3A_341 = math.exp %sub3A_340 : vector<16xf32>
      %sub3A_342 = arith.subf %parallel_loop3A_280#1, %max3A_339 : vector<16xf32>
      %exp3A_343 = math.exp %sub3A_342 : vector<16xf32>
      %sub3A_344 = arith.subf %parallel_loop3A_280#2, %max3A_339 : vector<16xf32>
      %exp3A_345 = math.exp %sub3A_344 : vector<16xf32>
      %sub3A_346 = arith.subf %parallel_loop3A_280#3, %max3A_339 : vector<16xf32>
      %exp3A_347 = math.exp %sub3A_346 : vector<16xf32>
      %add3A_348 = arith.addf %exp3A_341, %exp3A_343 : vector<16xf32>
      %add3A_349 = arith.addf %add3A_348, %exp3A_345 : vector<16xf32>
      %add3A_350 = arith.addf %add3A_349, %exp3A_347 : vector<16xf32>
      %xor3A_351 = arith.constant 8 : i32
      %xor3A_352 = vector.broadcast %xor3A_351 : i32 to vector<16xi32>
      %xor3A_353 = arith.xori %iota3A, %xor3A_352 : vector<16xi32>
      %lt3A_354 = arith.constant 0 : i32
      %lt3A_355 = vector.broadcast %lt3A_354 : i32 to vector<16xi32>
      %lt3A_356 = arith.cmpi slt, %xor3A_353, %lt3A_355 : vector<16xi32>
      %add3A_357 = arith.constant 16 : i32
      %add3A_358 = vector.broadcast %add3A_357 : i32 to vector<16xi32>
      %add3A_359 = arith.addi %xor3A_353, %add3A_358 : vector<16xi32>
      %select_n3A_360 = arith.select %lt3A_356, %add3A_359, %xor3A_353 : vector<16xi1>, vector<16xi32>
      %broadcast_in_dim3A_361 = vector.shape_cast %select_n3A_360 : vector<16xi32> to vector<16x1xi32>
      %gather3A_362 = vector.shape_cast %broadcast_in_dim3A_361 : vector<16x1xi32> to vector<16xi32>
      %gather3A_363 = tpu.dynamic_gather %add3A_350[%gather3A_362] in [0] : vector<16xf32>, vector<16xi32> -> vector<16xf32>
      %add3A_364 = arith.addf %add3A_350, %gather3A_363 : vector<16xf32>
      %xor3A_365 = arith.constant 4 : i32
      %xor3A_366 = vector.broadcast %xor3A_365 : i32 to vector<16xi32>
      %xor3A_367 = arith.xori %iota3A, %xor3A_366 : vector<16xi32>
      %lt3A_368 = arith.constant 0 : i32
      %lt3A_369 = vector.broadcast %lt3A_368 : i32 to vector<16xi32>
      %lt3A_370 = arith.cmpi slt, %xor3A_367, %lt3A_369 : vector<16xi32>
      %add3A_371 = arith.constant 16 : i32
      %add3A_372 = vector.broadcast %add3A_371 : i32 to vector<16xi32>
      %add3A_373 = arith.addi %xor3A_367, %add3A_372 : vector<16xi32>
      %select_n3A_374 = arith.select %lt3A_370, %add3A_373, %xor3A_367 : vector<16xi1>, vector<16xi32>
      %broadcast_in_dim3A_375 = vector.shape_cast %select_n3A_374 : vector<16xi32> to vector<16x1xi32>
      %gather3A_376 = vector.shape_cast %broadcast_in_dim3A_375 : vector<16x1xi32> to vector<16xi32>
      %gather3A_377 = tpu.dynamic_gather %add3A_364[%gather3A_376] in [0] : vector<16xf32>, vector<16xi32> -> vector<16xf32>
      %add3A_378 = arith.addf %add3A_364, %gather3A_377 : vector<16xf32>
      %xor3A_379 = arith.constant 2 : i32
      %xor3A_380 = vector.broadcast %xor3A_379 : i32 to vector<16xi32>
      %xor3A_381 = arith.xori %iota3A, %xor3A_380 : vector<16xi32>
      %lt3A_382 = arith.constant 0 : i32
      %lt3A_383 = vector.broadcast %lt3A_382 : i32 to vector<16xi32>
      %lt3A_384 = arith.cmpi slt, %xor3A_381, %lt3A_383 : vector<16xi32>
      %add3A_385 = arith.constant 16 : i32
      %add3A_386 = vector.broadcast %add3A_385 : i32 to vector<16xi32>
      %add3A_387 = arith.addi %xor3A_381, %add3A_386 : vector<16xi32>
      %select_n3A_388 = arith.select %lt3A_384, %add3A_387, %xor3A_381 : vector<16xi1>, vector<16xi32>
      %broadcast_in_dim3A_389 = vector.shape_cast %select_n3A_388 : vector<16xi32> to vector<16x1xi32>
      %gather3A_390 = vector.shape_cast %broadcast_in_dim3A_389 : vector<16x1xi32> to vector<16xi32>
      %gather3A_391 = tpu.dynamic_gather %add3A_378[%gather3A_390] in [0] : vector<16xf32>, vector<16xi32> -> vector<16xf32>
      %add3A_392 = arith.addf %add3A_378, %gather3A_391 : vector<16xf32>
      %xor3A_393 = arith.constant 1 : i32
      %xor3A_394 = vector.broadcast %xor3A_393 : i32 to vector<16xi32>
      %xor3A_395 = arith.xori %iota3A, %xor3A_394 : vector<16xi32>
      %lt3A_396 = arith.constant 0 : i32
      %lt3A_397 = vector.broadcast %lt3A_396 : i32 to vector<16xi32>
      %lt3A_398 = arith.cmpi slt, %xor3A_395, %lt3A_397 : vector<16xi32>
      %add3A_399 = arith.constant 16 : i32
      %add3A_400 = vector.broadcast %add3A_399 : i32 to vector<16xi32>
      %add3A_401 = arith.addi %xor3A_395, %add3A_400 : vector<16xi32>
      %select_n3A_402 = arith.select %lt3A_398, %add3A_401, %xor3A_395 : vector<16xi1>, vector<16xi32>
      %broadcast_in_dim3A_403 = vector.shape_cast %select_n3A_402 : vector<16xi32> to vector<16x1xi32>
      %gather3A_404 = vector.shape_cast %broadcast_in_dim3A_403 : vector<16x1xi32> to vector<16xi32>
      %gather3A_405 = tpu.dynamic_gather %add3A_392[%gather3A_404] in [0] : vector<16xf32>, vector<16xi32> -> vector<16xf32>
      %add3A_406 = arith.addf %add3A_392, %gather3A_405 : vector<16xf32>
      %div3A_407 = arith.constant 1.000000e+00 : f32
      %div3A_408 = vector.broadcast %div3A_407 : f32 to vector<16xf32>
      %div3A_409 = arith.divf %div3A_408, %add3A_406 : vector<16xf32>
      %mul3A_410 = arith.mulf %exp3A_341, %div3A_409 : vector<16xf32>
      %swap3A_411 = arith.constant 0 : index
      %swap3A_412 = tpu.vector_load %arg10[%swap3A_411] {strides = array<i32>} : memref<80xf32, #tpu.memory_space<vmem>>, vector<16xf32>,
      %swap3A_413 = vector.shape_cast %swap3A_412 : vector<16xf32> to vector<16xf32>
      %swap3A_414 = vector.shape_cast %mul3A_410 : vector<16xf32> to vector<16xf32>
      tpu.vector_store %arg10[%swap3A_411], %swap3A_414 {strides = array<i32>} : memref<80xf32, #tpu.memory_space<vmem>>, vector<16xf32>,
      %mul3A_415 = arith.mulf %exp3A_343, %div3A_409 : vector<16xf32>
      %swap3A_416 = arith.constant 16 : index
      %swap3A_417 = tpu.vector_load %arg10[%swap3A_416] {strides = array<i32>} : memref<80xf32, #tpu.memory_space<vmem>>, vector<16xf32>,
      %swap3A_418 = vector.shape_cast %swap3A_417 : vector<16xf32> to vector<16xf32>
      %swap3A_419 = vector.shape_cast %mul3A_415 : vector<16xf32> to vector<16xf32>
      tpu.vector_store %arg10[%swap3A_416], %swap3A_419 {strides = array<i32>} : memref<80xf32, #tpu.memory_space<vmem>>, vector<16xf32>,
      %mul3A_420 = arith.mulf %exp3A_345, %div3A_409 : vector<16xf32>
      %swap3A_421 = arith.constant 32 : index
      %swap3A_422 = tpu.vector_load %arg10[%swap3A_421] {strides = array<i32>} : memref<80xf32, #tpu.memory_space<vmem>>, vector<16xf32>,
      %swap3A_423 = vector.shape_cast %swap3A_422 : vector<16xf32> to vector<16xf32>
      %swap3A_424 = vector.shape_cast %mul3A_420 : vector<16xf32> to vector<16xf32>
      tpu.vector_store %arg10[%swap3A_421], %swap3A_424 {strides = array<i32>} : memref<80xf32, #tpu.memory_space<vmem>>, vector<16xf32>,
      %mul3A_425 = arith.mulf %exp3A_347, %div3A_409 : vector<16xf32>
      %swap3A_426 = arith.constant 48 : index
      %swap3A_427 = tpu.vector_load %arg10[%swap3A_426] {strides = array<i32>} : memref<80xf32, #tpu.memory_space<vmem>>, vector<16xf32>,
      %swap3A_428 = vector.shape_cast %swap3A_427 : vector<16xf32> to vector<16xf32>
      %swap3A_429 = vector.shape_cast %mul3A_425 : vector<16xf32> to vector<16xf32>
      tpu.vector_store %arg10[%swap3A_426], %swap3A_429 {strides = array<i32>} : memref<80xf32, #tpu.memory_space<vmem>>, vector<16xf32>,
      %dma_wait3A_430 = arith.constant 0 : i32
      %dma_wait3A_431 = arith.constant 0 : i32
      %dma_wait3A_432 = tpu.memref_slice %arg3[%dma_wait3A_430, %dma_wait3A_431] : memref<400000x128xf32, #tpu.memory_space<hbm>> -> memref<200x128xf32, #tpu.memory_space<hbm>>
      %dma_wait3A_433 = arith.constant 0 : i32
      %dma_wait3A_434 = arith.constant 0 : i32
      %dma_wait3A_435 = tpu.memref_slice %arg3[%dma_wait3A_433, %dma_wait3A_434] : memref<400000x128xf32, #tpu.memory_space<hbm>> -> memref<200x128xf32, #tpu.memory_space<hbm>>
      tpu.wait_dma2 semaphore(%arg14 : memref<!tpu.dma_semaphore, #tpu.memory_space<semaphore_mem>>) src(%dma_wait3A_435 : memref<200x128xf32, #tpu.memory_space<hbm>>) dst(%arg8 : memref<200x128xf32, #tpu.memory_space<vmem>>)
      %mul3A_436 = arith.constant 3 : i32
      %mul3A_437 = arith.muli %min3A_38, %mul3A_436 : i32
      %mul3A_438 = arith.constant 200 : i32
      %mul3A_439 = arith.muli %mul3A_437, %mul3A_438 : i32
      %add3A_440 = arith.constant 200 : i32
      %add3A_441 = arith.addi %mul3A_439, %add3A_440 : i32
      %dma_start3A_442 = tpu.memref_slice %arg5[%add3A_441] : memref<19200xi32, #tpu.memory_space<vmem>> -> memref<200xi32, #tpu.memory_space<vmem>>
      %dma_start3A_443 = arith.constant 0 : i32
      %dma_start3A_444 = arith.constant 0 : i32
      %dma_start3A_445 = tpu.memref_slice %arg3[%dma_start3A_443, %dma_start3A_444] : memref<400000x128xf32, #tpu.memory_space<hbm>> -> memref<400000x128xf32, #tpu.memory_space<hbm>>
      tpu.enqueue_indirect_dma source(%dma_start3A_445 : memref<400000x128xf32, #tpu.memory_space<hbm>>) target(%arg7 : memref<200x128xf32, #tpu.memory_space<vmem>>) offsets(%dma_start3A_442 : memref<200xi32, #tpu.memory_space<vmem>>) semaphore(%arg13 : memref<!tpu.dma_semaphore, #tpu.memory_space<semaphore_mem>>)
      %parallel_loop3A_446 = arith.constant 0 : i32
      %parallel_loop3A_447 = arith.constant 50 : i32
      %parallel_loop3A_448 = arith.constant 1 : i32
      %parallel_loop3A_449:8 = scf.for %parallel_loop3A_490 = %parallel_loop3A_446 to %parallel_loop3A_447 step %parallel_loop3A_448 iter_args(%parallel_loop3A_491 = %parallel_loop3A_268#0, %parallel_loop3A_492 = %parallel_loop3A_268#1, %parallel_loop3A_493 = %parallel_loop3A_268#2, %parallel_loop3A_494 = %parallel_loop3A_268#3, %parallel_loop3A_495 = %parallel_loop3A_268#4, %parallel_loop3A_496 = %parallel_loop3A_268#5, %parallel_loop3A_497 = %parallel_loop3A_268#6, %parallel_loop3A_498 = %parallel_loop3A_268#7) -> (vector<16xf32>, vector<16xf32>, vector<16xf32>, vector<16xf32>, vector<16xf32>, vector<16xf32>, vector<16xf32>, vector<16xf32>)  : i32 {
        %parallel_loop3A_499 = arith.index_cast %parallel_loop3A_490 : i32 to index
        %parallel_loop3A_500 = tpu.vector_load %arg10[%parallel_loop3A_499] {strides = array<i32>} : memref<80xf32, #tpu.memory_space<vmem>>, vector<16xf32>,
        %parallel_loop3A_501 = vector.shape_cast %parallel_loop3A_500 : vector<16xf32> to vector<16xf32>
        %parallel_loop3A_502 = arith.constant 0 : i32
        %parallel_loop3A_503 = vector.broadcast %parallel_loop3A_502 : i32 to vector<16xi32>
        %parallel_loop3A_504 = arith.cmpi slt, %mul3A_9, %parallel_loop3A_503 : vector<16xi32>
        %parallel_loop3A_505 = arith.constant 16 : i32
        %parallel_loop3A_506 = vector.broadcast %parallel_loop3A_505 : i32 to vector<16xi32>
        %parallel_loop3A_507 = arith.addi %mul3A_9, %parallel_loop3A_506 : vector<16xi32>
        %parallel_loop3A_508 = arith.select %parallel_loop3A_504, %parallel_loop3A_507, %mul3A_9 : vector<16xi1>, vector<16xi32>
        %parallel_loop3A_509 = vector.shape_cast %parallel_loop3A_508 : vector<16xi32> to vector<16x1xi32>
        %parallel_loop3A_510 = vector.shape_cast %parallel_loop3A_509 : vector<16x1xi32> to vector<16xi32>
        %parallel_loop3A_511 = tpu.dynamic_gather %parallel_loop3A_501[%parallel_loop3A_510] in [0] : vector<16xf32>, vector<16xi32> -> vector<16xf32>
        %parallel_loop3A_512 = arith.constant 4 : i32
        %parallel_loop3A_513 = arith.muli %parallel_loop3A_512, %parallel_loop3A_490 : i32
        %parallel_loop3A_514 = arith.index_cast %parallel_loop3A_513 : i32 to index
        %parallel_loop3A_515 = arith.constant 0 : index
        %parallel_loop3A_516 = tpu.vector_load %arg8[%parallel_loop3A_514, %parallel_loop3A_515] {strides = array<i32>} : memref<200x128xf32, #tpu.memory_space<vmem>>, vector<1x16xf32>,
        %parallel_loop3A_517 = vector.shape_cast %parallel_loop3A_516 : vector<1x16xf32> to vector<16xf32>
        %parallel_loop3A_518 = arith.constant 4 : i32
        %parallel_loop3A_519 = arith.muli %parallel_loop3A_518, %parallel_loop3A_490 : i32
        %parallel_loop3A_520 = arith.constant 1 : i32
        %parallel_loop3A_521 = arith.addi %parallel_loop3A_519, %parallel_loop3A_520 : i32
        %parallel_loop3A_522 = arith.index_cast %parallel_loop3A_521 : i32 to index
        %parallel_loop3A_523 = arith.constant 0 : index
        %parallel_loop3A_524 = tpu.vector_load %arg8[%parallel_loop3A_522, %parallel_loop3A_523] {strides = array<i32>} : memref<200x128xf32, #tpu.memory_space<vmem>>, vector<1x16xf32>,
        %parallel_loop3A_525 = vector.shape_cast %parallel_loop3A_524 : vector<1x16xf32> to vector<16xf32>
        %parallel_loop3A_526 = arith.addf %parallel_loop3A_517, %parallel_loop3A_525 : vector<16xf32>
        %parallel_loop3A_527 = arith.constant 4 : i32
        %parallel_loop3A_528 = arith.muli %parallel_loop3A_527, %parallel_loop3A_490 : i32
        %parallel_loop3A_529 = arith.constant 2 : i32
        %parallel_loop3A_530 = arith.addi %parallel_loop3A_528, %parallel_loop3A_529 : i32
        %parallel_loop3A_531 = arith.index_cast %parallel_loop3A_530 : i32 to index
        %parallel_loop3A_532 = arith.constant 0 : index
        %parallel_loop3A_533 = tpu.vector_load %arg8[%parallel_loop3A_531, %parallel_loop3A_532] {strides = array<i32>} : memref<200x128xf32, #tpu.memory_space<vmem>>, vector<1x16xf32>,
        %parallel_loop3A_534 = vector.shape_cast %parallel_loop3A_533 : vector<1x16xf32> to vector<16xf32>
        %parallel_loop3A_535 = arith.addf %parallel_loop3A_526, %parallel_loop3A_534 : vector<16xf32>
        %parallel_loop3A_536 = arith.constant 4 : i32
        %parallel_loop3A_537 = arith.muli %parallel_loop3A_536, %parallel_loop3A_490 : i32
        %parallel_loop3A_538 = arith.constant 3 : i32
        %parallel_loop3A_539 = arith.addi %parallel_loop3A_537, %parallel_loop3A_538 : i32
        %parallel_loop3A_540 = arith.index_cast %parallel_loop3A_539 : i32 to index
        %parallel_loop3A_541 = arith.constant 0 : index
        %parallel_loop3A_542 = tpu.vector_load %arg8[%parallel_loop3A_540, %parallel_loop3A_541] {strides = array<i32>} : memref<200x128xf32, #tpu.memory_space<vmem>>, vector<1x16xf32>,
        %parallel_loop3A_543 = vector.shape_cast %parallel_loop3A_542 : vector<1x16xf32> to vector<16xf32>
        %parallel_loop3A_544 = arith.addf %parallel_loop3A_535, %parallel_loop3A_543 : vector<16xf32>
        %parallel_loop3A_545 = arith.mulf %parallel_loop3A_544, %parallel_loop3A_511 : vector<16xf32>
        %parallel_loop3A_546 = arith.addf %parallel_loop3A_491, %parallel_loop3A_545 : vector<16xf32>
        %parallel_loop3A_547 = arith.constant 4 : i32
        %parallel_loop3A_548 = arith.muli %parallel_loop3A_547, %parallel_loop3A_490 : i32
        %parallel_loop3A_549 = arith.index_cast %parallel_loop3A_548 : i32 to index
        %parallel_loop3A_550 = arith.constant 16 : index
        %parallel_loop3A_551 = tpu.vector_load %arg8[%parallel_loop3A_549, %parallel_loop3A_550] {strides = array<i32>} : memref<200x128xf32, #tpu.memory_space<vmem>>, vector<1x16xf32>,
        %parallel_loop3A_552 = vector.shape_cast %parallel_loop3A_551 : vector<1x16xf32> to vector<16xf32>
        %parallel_loop3A_553 = arith.constant 4 : i32
        %parallel_loop3A_554 = arith.muli %parallel_loop3A_553, %parallel_loop3A_490 : i32
        %parallel_loop3A_555 = arith.constant 1 : i32
        %parallel_loop3A_556 = arith.addi %parallel_loop3A_554, %parallel_loop3A_555 : i32
        %parallel_loop3A_557 = arith.index_cast %parallel_loop3A_556 : i32 to index
        %parallel_loop3A_558 = arith.constant 16 : index
        %parallel_loop3A_559 = tpu.vector_load %arg8[%parallel_loop3A_557, %parallel_loop3A_558] {strides = array<i32>} : memref<200x128xf32, #tpu.memory_space<vmem>>, vector<1x16xf32>,
        %parallel_loop3A_560 = vector.shape_cast %parallel_loop3A_559 : vector<1x16xf32> to vector<16xf32>
        %parallel_loop3A_561 = arith.addf %parallel_loop3A_552, %parallel_loop3A_560 : vector<16xf32>
        %parallel_loop3A_562 = arith.constant 4 : i32
        %parallel_loop3A_563 = arith.muli %parallel_loop3A_562, %parallel_loop3A_490 : i32
        %parallel_loop3A_564 = arith.constant 2 : i32
        %parallel_loop3A_565 = arith.addi %parallel_loop3A_563, %parallel_loop3A_564 : i32
        %parallel_loop3A_566 = arith.index_cast %parallel_loop3A_565 : i32 to index
        %parallel_loop3A_567 = arith.constant 16 : index
        %parallel_loop3A_568 = tpu.vector_load %arg8[%parallel_loop3A_566, %parallel_loop3A_567] {strides = array<i32>} : memref<200x128xf32, #tpu.memory_space<vmem>>, vector<1x16xf32>,
        %parallel_loop3A_569 = vector.shape_cast %parallel_loop3A_568 : vector<1x16xf32> to vector<16xf32>
        %parallel_loop3A_570 = arith.addf %parallel_loop3A_561, %parallel_loop3A_569 : vector<16xf32>
        %parallel_loop3A_571 = arith.constant 4 : i32
        %parallel_loop3A_572 = arith.muli %parallel_loop3A_571, %parallel_loop3A_490 : i32
        %parallel_loop3A_573 = arith.constant 3 : i32
        %parallel_loop3A_574 = arith.addi %parallel_loop3A_572, %parallel_loop3A_573 : i32
        %parallel_loop3A_575 = arith.index_cast %parallel_loop3A_574 : i32 to index
        %parallel_loop3A_576 = arith.constant 16 : index
        %parallel_loop3A_577 = tpu.vector_load %arg8[%parallel_loop3A_575, %parallel_loop3A_576] {strides = array<i32>} : memref<200x128xf32, #tpu.memory_space<vmem>>, vector<1x16xf32>,
        %parallel_loop3A_578 = vector.shape_cast %parallel_loop3A_577 : vector<1x16xf32> to vector<16xf32>
        %parallel_loop3A_579 = arith.addf %parallel_loop3A_570, %parallel_loop3A_578 : vector<16xf32>
        %parallel_loop3A_580 = arith.mulf %parallel_loop3A_579, %parallel_loop3A_511 : vector<16xf32>
        %parallel_loop3A_581 = arith.addf %parallel_loop3A_492, %parallel_loop3A_580 : vector<16xf32>
        %parallel_loop3A_582 = arith.constant 4 : i32
        %parallel_loop3A_583 = arith.muli %parallel_loop3A_582, %parallel_loop3A_490 : i32
        %parallel_loop3A_584 = arith.index_cast %parallel_loop3A_583 : i32 to index
        %parallel_loop3A_585 = arith.constant 32 : index
        %parallel_loop3A_586 = tpu.vector_load %arg8[%parallel_loop3A_584, %parallel_loop3A_585] {strides = array<i32>} : memref<200x128xf32, #tpu.memory_space<vmem>>, vector<1x16xf32>,
        %parallel_loop3A_587 = vector.shape_cast %parallel_loop3A_586 : vector<1x16xf32> to vector<16xf32>
        %parallel_loop3A_588 = arith.constant 4 : i32
        %parallel_loop3A_589 = arith.muli %parallel_loop3A_588, %parallel_loop3A_490 : i32
        %parallel_loop3A_590 = arith.constant 1 : i32
        %parallel_loop3A_591 = arith.addi %parallel_loop3A_589, %parallel_loop3A_590 : i32
        %parallel_loop3A_592 = arith.index_cast %parallel_loop3A_591 : i32 to index
        %parallel_loop3A_593 = arith.constant 32 : index
        %parallel_loop3A_594 = tpu.vector_load %arg8[%parallel_loop3A_592, %parallel_loop3A_593] {strides = array<i32>} : memref<200x128xf32, #tpu.memory_space<vmem>>, vector<1x16xf32>,
        %parallel_loop3A_595 = vector.shape_cast %parallel_loop3A_594 : vector<1x16xf32> to vector<16xf32>
        %parallel_loop3A_596 = arith.addf %parallel_loop3A_587, %parallel_loop3A_595 : vector<16xf32>
        %parallel_loop3A_597 = arith.constant 4 : i32
        %parallel_loop3A_598 = arith.muli %parallel_loop3A_597, %parallel_loop3A_490 : i32
        %parallel_loop3A_599 = arith.constant 2 : i32
        %parallel_loop3A_600 = arith.addi %parallel_loop3A_598, %parallel_loop3A_599 : i32
        %parallel_loop3A_601 = arith.index_cast %parallel_loop3A_600 : i32 to index
        %parallel_loop3A_602 = arith.constant 32 : index
        %parallel_loop3A_603 = tpu.vector_load %arg8[%parallel_loop3A_601, %parallel_loop3A_602] {strides = array<i32>} : memref<200x128xf32, #tpu.memory_space<vmem>>, vector<1x16xf32>,
        %parallel_loop3A_604 = vector.shape_cast %parallel_loop3A_603 : vector<1x16xf32> to vector<16xf32>
        %parallel_loop3A_605 = arith.addf %parallel_loop3A_596, %parallel_loop3A_604 : vector<16xf32>
        %parallel_loop3A_606 = arith.constant 4 : i32
        %parallel_loop3A_607 = arith.muli %parallel_loop3A_606, %parallel_loop3A_490 : i32
        %parallel_loop3A_608 = arith.constant 3 : i32
        %parallel_loop3A_609 = arith.addi %parallel_loop3A_607, %parallel_loop3A_608 : i32
        %parallel_loop3A_610 = arith.index_cast %parallel_loop3A_609 : i32 to index
        %parallel_loop3A_611 = arith.constant 32 : index
        %parallel_loop3A_612 = tpu.vector_load %arg8[%parallel_loop3A_610, %parallel_loop3A_611] {strides = array<i32>} : memref<200x128xf32, #tpu.memory_space<vmem>>, vector<1x16xf32>,
        %parallel_loop3A_613 = vector.shape_cast %parallel_loop3A_612 : vector<1x16xf32> to vector<16xf32>
        %parallel_loop3A_614 = arith.addf %parallel_loop3A_605, %parallel_loop3A_613 : vector<16xf32>
        %parallel_loop3A_615 = arith.mulf %parallel_loop3A_614, %parallel_loop3A_511 : vector<16xf32>
        %parallel_loop3A_616 = arith.addf %parallel_loop3A_493, %parallel_loop3A_615 : vector<16xf32>
        %parallel_loop3A_617 = arith.constant 4 : i32
        %parallel_loop3A_618 = arith.muli %parallel_loop3A_617, %parallel_loop3A_490 : i32
        %parallel_loop3A_619 = arith.index_cast %parallel_loop3A_618 : i32 to index
        %parallel_loop3A_620 = arith.constant 48 : index
        %parallel_loop3A_621 = tpu.vector_load %arg8[%parallel_loop3A_619, %parallel_loop3A_620] {strides = array<i32>} : memref<200x128xf32, #tpu.memory_space<vmem>>, vector<1x16xf32>,
        %parallel_loop3A_622 = vector.shape_cast %parallel_loop3A_621 : vector<1x16xf32> to vector<16xf32>
        %parallel_loop3A_623 = arith.constant 4 : i32
        %parallel_loop3A_624 = arith.muli %parallel_loop3A_623, %parallel_loop3A_490 : i32
        %parallel_loop3A_625 = arith.constant 1 : i32
        %parallel_loop3A_626 = arith.addi %parallel_loop3A_624, %parallel_loop3A_625 : i32
        %parallel_loop3A_627 = arith.index_cast %parallel_loop3A_626 : i32 to index
        %parallel_loop3A_628 = arith.constant 48 : index
        %parallel_loop3A_629 = tpu.vector_load %arg8[%parallel_loop3A_627, %parallel_loop3A_628] {strides = array<i32>} : memref<200x128xf32, #tpu.memory_space<vmem>>, vector<1x16xf32>,
        %parallel_loop3A_630 = vector.shape_cast %parallel_loop3A_629 : vector<1x16xf32> to vector<16xf32>
        %parallel_loop3A_631 = arith.addf %parallel_loop3A_622, %parallel_loop3A_630 : vector<16xf32>
        %parallel_loop3A_632 = arith.constant 4 : i32
        %parallel_loop3A_633 = arith.muli %parallel_loop3A_632, %parallel_loop3A_490 : i32
        %parallel_loop3A_634 = arith.constant 2 : i32
        %parallel_loop3A_635 = arith.addi %parallel_loop3A_633, %parallel_loop3A_634 : i32
        %parallel_loop3A_636 = arith.index_cast %parallel_loop3A_635 : i32 to index
        %parallel_loop3A_637 = arith.constant 48 : index
        %parallel_loop3A_638 = tpu.vector_load %arg8[%parallel_loop3A_636, %parallel_loop3A_637] {strides = array<i32>} : memref<200x128xf32, #tpu.memory_space<vmem>>, vector<1x16xf32>,
        %parallel_loop3A_639 = vector.shape_cast %parallel_loop3A_638 : vector<1x16xf32> to vector<16xf32>
        %parallel_loop3A_640 = arith.addf %parallel_loop3A_631, %parallel_loop3A_639 : vector<16xf32>
        %parallel_loop3A_641 = arith.constant 4 : i32
        %parallel_loop3A_642 = arith.muli %parallel_loop3A_641, %parallel_loop3A_490 : i32
        %parallel_loop3A_643 = arith.constant 3 : i32
        %parallel_loop3A_644 = arith.addi %parallel_loop3A_642, %parallel_loop3A_643 : i32
        %parallel_loop3A_645 = arith.index_cast %parallel_loop3A_644 : i32 to index
        %parallel_loop3A_646 = arith.constant 48 : index
        %parallel_loop3A_647 = tpu.vector_load %arg8[%parallel_loop3A_645, %parallel_loop3A_646] {strides = array<i32>} : memref<200x128xf32, #tpu.memory_space<vmem>>, vector<1x16xf32>,
        %parallel_loop3A_648 = vector.shape_cast %parallel_loop3A_647 : vector<1x16xf32> to vector<16xf32>
        %parallel_loop3A_649 = arith.addf %parallel_loop3A_640, %parallel_loop3A_648 : vector<16xf32>
        %parallel_loop3A_650 = arith.mulf %parallel_loop3A_649, %parallel_loop3A_511 : vector<16xf32>
        %parallel_loop3A_651 = arith.addf %parallel_loop3A_494, %parallel_loop3A_650 : vector<16xf32>
        %parallel_loop3A_652 = arith.constant 4 : i32
        %parallel_loop3A_653 = arith.muli %parallel_loop3A_652, %parallel_loop3A_490 : i32
        %parallel_loop3A_654 = arith.index_cast %parallel_loop3A_653 : i32 to index
        %parallel_loop3A_655 = arith.constant 64 : index
        %parallel_loop3A_656 = tpu.vector_load %arg8[%parallel_loop3A_654, %parallel_loop3A_655] {strides = array<i32>} : memref<200x128xf32, #tpu.memory_space<vmem>>, vector<1x16xf32>,
        %parallel_loop3A_657 = vector.shape_cast %parallel_loop3A_656 : vector<1x16xf32> to vector<16xf32>
        %parallel_loop3A_658 = arith.constant 4 : i32
        %parallel_loop3A_659 = arith.muli %parallel_loop3A_658, %parallel_loop3A_490 : i32
        %parallel_loop3A_660 = arith.constant 1 : i32
        %parallel_loop3A_661 = arith.addi %parallel_loop3A_659, %parallel_loop3A_660 : i32
        %parallel_loop3A_662 = arith.index_cast %parallel_loop3A_661 : i32 to index
        %parallel_loop3A_663 = arith.constant 64 : index
        %parallel_loop3A_664 = tpu.vector_load %arg8[%parallel_loop3A_662, %parallel_loop3A_663] {strides = array<i32>} : memref<200x128xf32, #tpu.memory_space<vmem>>, vector<1x16xf32>,
        %parallel_loop3A_665 = vector.shape_cast %parallel_loop3A_664 : vector<1x16xf32> to vector<16xf32>
        %parallel_loop3A_666 = arith.addf %parallel_loop3A_657, %parallel_loop3A_665 : vector<16xf32>
        %parallel_loop3A_667 = arith.constant 4 : i32
        %parallel_loop3A_668 = arith.muli %parallel_loop3A_667, %parallel_loop3A_490 : i32
        %parallel_loop3A_669 = arith.constant 2 : i32
        %parallel_loop3A_670 = arith.addi %parallel_loop3A_668, %parallel_loop3A_669 : i32
        %parallel_loop3A_671 = arith.index_cast %parallel_loop3A_670 : i32 to index
        %parallel_loop3A_672 = arith.constant 64 : index
        %parallel_loop3A_673 = tpu.vector_load %arg8[%parallel_loop3A_671, %parallel_loop3A_672] {strides = array<i32>} : memref<200x128xf32, #tpu.memory_space<vmem>>, vector<1x16xf32>,
        %parallel_loop3A_674 = vector.shape_cast %parallel_loop3A_673 : vector<1x16xf32> to vector<16xf32>
        %parallel_loop3A_675 = arith.addf %parallel_loop3A_666, %parallel_loop3A_674 : vector<16xf32>
        %parallel_loop3A_676 = arith.constant 4 : i32
        %parallel_loop3A_677 = arith.muli %parallel_loop3A_676, %parallel_loop3A_490 : i32
        %parallel_loop3A_678 = arith.constant 3 : i32
        %parallel_loop3A_679 = arith.addi %parallel_loop3A_677, %parallel_loop3A_678 : i32
        %parallel_loop3A_680 = arith.index_cast %parallel_loop3A_679 : i32 to index
        %parallel_loop3A_681 = arith.constant 64 : index
        %parallel_loop3A_682 = tpu.vector_load %arg8[%parallel_loop3A_680, %parallel_loop3A_681] {strides = array<i32>} : memref<200x128xf32, #tpu.memory_space<vmem>>, vector<1x16xf32>,
        %parallel_loop3A_683 = vector.shape_cast %parallel_loop3A_682 : vector<1x16xf32> to vector<16xf32>
        %parallel_loop3A_684 = arith.addf %parallel_loop3A_675, %parallel_loop3A_683 : vector<16xf32>
        %parallel_loop3A_685 = arith.mulf %parallel_loop3A_684, %parallel_loop3A_511 : vector<16xf32>
        %parallel_loop3A_686 = arith.addf %parallel_loop3A_495, %parallel_loop3A_685 : vector<16xf32>
        %parallel_loop3A_687 = arith.constant 4 : i32
        %parallel_loop3A_688 = arith.muli %parallel_loop3A_687, %parallel_loop3A_490 : i32
        %parallel_loop3A_689 = arith.index_cast %parallel_loop3A_688 : i32 to index
        %parallel_loop3A_690 = arith.constant 80 : index
        %parallel_loop3A_691 = tpu.vector_load %arg8[%parallel_loop3A_689, %parallel_loop3A_690] {strides = array<i32>} : memref<200x128xf32, #tpu.memory_space<vmem>>, vector<1x16xf32>,
        %parallel_loop3A_692 = vector.shape_cast %parallel_loop3A_691 : vector<1x16xf32> to vector<16xf32>
        %parallel_loop3A_693 = arith.constant 4 : i32
        %parallel_loop3A_694 = arith.muli %parallel_loop3A_693, %parallel_loop3A_490 : i32
        %parallel_loop3A_695 = arith.constant 1 : i32
        %parallel_loop3A_696 = arith.addi %parallel_loop3A_694, %parallel_loop3A_695 : i32
        %parallel_loop3A_697 = arith.index_cast %parallel_loop3A_696 : i32 to index
        %parallel_loop3A_698 = arith.constant 80 : index
        %parallel_loop3A_699 = tpu.vector_load %arg8[%parallel_loop3A_697, %parallel_loop3A_698] {strides = array<i32>} : memref<200x128xf32, #tpu.memory_space<vmem>>, vector<1x16xf32>,
        %parallel_loop3A_700 = vector.shape_cast %parallel_loop3A_699 : vector<1x16xf32> to vector<16xf32>
        %parallel_loop3A_701 = arith.addf %parallel_loop3A_692, %parallel_loop3A_700 : vector<16xf32>
        %parallel_loop3A_702 = arith.constant 4 : i32
        %parallel_loop3A_703 = arith.muli %parallel_loop3A_702, %parallel_loop3A_490 : i32
        %parallel_loop3A_704 = arith.constant 2 : i32
        %parallel_loop3A_705 = arith.addi %parallel_loop3A_703, %parallel_loop3A_704 : i32
        %parallel_loop3A_706 = arith.index_cast %parallel_loop3A_705 : i32 to index
        %parallel_loop3A_707 = arith.constant 80 : index
        %parallel_loop3A_708 = tpu.vector_load %arg8[%parallel_loop3A_706, %parallel_loop3A_707] {strides = array<i32>} : memref<200x128xf32, #tpu.memory_space<vmem>>, vector<1x16xf32>,
        %parallel_loop3A_709 = vector.shape_cast %parallel_loop3A_708 : vector<1x16xf32> to vector<16xf32>
        %parallel_loop3A_710 = arith.addf %parallel_loop3A_701, %parallel_loop3A_709 : vector<16xf32>
        %parallel_loop3A_711 = arith.constant 4 : i32
        %parallel_loop3A_712 = arith.muli %parallel_loop3A_711, %parallel_loop3A_490 : i32
        %parallel_loop3A_713 = arith.constant 3 : i32
        %parallel_loop3A_714 = arith.addi %parallel_loop3A_712, %parallel_loop3A_713 : i32
        %parallel_loop3A_715 = arith.index_cast %parallel_loop3A_714 : i32 to index
        %parallel_loop3A_716 = arith.constant 80 : index
        %parallel_loop3A_717 = tpu.vector_load %arg8[%parallel_loop3A_715, %parallel_loop3A_716] {strides = array<i32>} : memref<200x128xf32, #tpu.memory_space<vmem>>, vector<1x16xf32>,
        %parallel_loop3A_718 = vector.shape_cast %parallel_loop3A_717 : vector<1x16xf32> to vector<16xf32>
        %parallel_loop3A_719 = arith.addf %parallel_loop3A_710, %parallel_loop3A_718 : vector<16xf32>
        %parallel_loop3A_720 = arith.mulf %parallel_loop3A_719, %parallel_loop3A_511 : vector<16xf32>
        %parallel_loop3A_721 = arith.addf %parallel_loop3A_496, %parallel_loop3A_720 : vector<16xf32>
        %parallel_loop3A_722 = arith.constant 4 : i32
        %parallel_loop3A_723 = arith.muli %parallel_loop3A_722, %parallel_loop3A_490 : i32
        %parallel_loop3A_724 = arith.index_cast %parallel_loop3A_723 : i32 to index
        %parallel_loop3A_725 = arith.constant 96 : index
        %parallel_loop3A_726 = tpu.vector_load %arg8[%parallel_loop3A_724, %parallel_loop3A_725] {strides = array<i32>} : memref<200x128xf32, #tpu.memory_space<vmem>>, vector<1x16xf32>,
        %parallel_loop3A_727 = vector.shape_cast %parallel_loop3A_726 : vector<1x16xf32> to vector<16xf32>
        %parallel_loop3A_728 = arith.constant 4 : i32
        %parallel_loop3A_729 = arith.muli %parallel_loop3A_728, %parallel_loop3A_490 : i32
        %parallel_loop3A_730 = arith.constant 1 : i32
        %parallel_loop3A_731 = arith.addi %parallel_loop3A_729, %parallel_loop3A_730 : i32
        %parallel_loop3A_732 = arith.index_cast %parallel_loop3A_731 : i32 to index
        %parallel_loop3A_733 = arith.constant 96 : index
        %parallel_loop3A_734 = tpu.vector_load %arg8[%parallel_loop3A_732, %parallel_loop3A_733] {strides = array<i32>} : memref<200x128xf32, #tpu.memory_space<vmem>>, vector<1x16xf32>,
        %parallel_loop3A_735 = vector.shape_cast %parallel_loop3A_734 : vector<1x16xf32> to vector<16xf32>
        %parallel_loop3A_736 = arith.addf %parallel_loop3A_727, %parallel_loop3A_735 : vector<16xf32>
        %parallel_loop3A_737 = arith.constant 4 : i32
        %parallel_loop3A_738 = arith.muli %parallel_loop3A_737, %parallel_loop3A_490 : i32
        %parallel_loop3A_739 = arith.constant 2 : i32
        %parallel_loop3A_740 = arith.addi %parallel_loop3A_738, %parallel_loop3A_739 : i32
        %parallel_loop3A_741 = arith.index_cast %parallel_loop3A_740 : i32 to index
        %parallel_loop3A_742 = arith.constant 96 : index
        %parallel_loop3A_743 = tpu.vector_load %arg8[%parallel_loop3A_741, %parallel_loop3A_742] {strides = array<i32>} : memref<200x128xf32, #tpu.memory_space<vmem>>, vector<1x16xf32>,
        %parallel_loop3A_744 = vector.shape_cast %parallel_loop3A_743 : vector<1x16xf32> to vector<16xf32>
        %parallel_loop3A_745 = arith.addf %parallel_loop3A_736, %parallel_loop3A_744 : vector<16xf32>
        %parallel_loop3A_746 = arith.constant 4 : i32
        %parallel_loop3A_747 = arith.muli %parallel_loop3A_746, %parallel_loop3A_490 : i32
        %parallel_loop3A_748 = arith.constant 3 : i32
        %parallel_loop3A_749 = arith.addi %parallel_loop3A_747, %parallel_loop3A_748 : i32
        %parallel_loop3A_750 = arith.index_cast %parallel_loop3A_749 : i32 to index
        %parallel_loop3A_751 = arith.constant 96 : index
        %parallel_loop3A_752 = tpu.vector_load %arg8[%parallel_loop3A_750, %parallel_loop3A_751] {strides = array<i32>} : memref<200x128xf32, #tpu.memory_space<vmem>>, vector<1x16xf32>,
        %parallel_loop3A_753 = vector.shape_cast %parallel_loop3A_752 : vector<1x16xf32> to vector<16xf32>
        %parallel_loop3A_754 = arith.addf %parallel_loop3A_745, %parallel_loop3A_753 : vector<16xf32>
        %parallel_loop3A_755 = arith.mulf %parallel_loop3A_754, %parallel_loop3A_511 : vector<16xf32>
        %parallel_loop3A_756 = arith.addf %parallel_loop3A_497, %parallel_loop3A_755 : vector<16xf32>
        %parallel_loop3A_757 = arith.constant 4 : i32
        %parallel_loop3A_758 = arith.muli %parallel_loop3A_757, %parallel_loop3A_490 : i32
        %parallel_loop3A_759 = arith.index_cast %parallel_loop3A_758 : i32 to index
        %parallel_loop3A_760 = arith.constant 112 : index
        %parallel_loop3A_761 = tpu.vector_load %arg8[%parallel_loop3A_759, %parallel_loop3A_760] {strides = array<i32>} : memref<200x128xf32, #tpu.memory_space<vmem>>, vector<1x16xf32>,
        %parallel_loop3A_762 = vector.shape_cast %parallel_loop3A_761 : vector<1x16xf32> to vector<16xf32>
        %parallel_loop3A_763 = arith.constant 4 : i32
        %parallel_loop3A_764 = arith.muli %parallel_loop3A_763, %parallel_loop3A_490 : i32
        %parallel_loop3A_765 = arith.constant 1 : i32
        %parallel_loop3A_766 = arith.addi %parallel_loop3A_764, %parallel_loop3A_765 : i32
        %parallel_loop3A_767 = arith.index_cast %parallel_loop3A_766 : i32 to index
        %parallel_loop3A_768 = arith.constant 112 : index
        %parallel_loop3A_769 = tpu.vector_load %arg8[%parallel_loop3A_767, %parallel_loop3A_768] {strides = array<i32>} : memref<200x128xf32, #tpu.memory_space<vmem>>, vector<1x16xf32>,
        %parallel_loop3A_770 = vector.shape_cast %parallel_loop3A_769 : vector<1x16xf32> to vector<16xf32>
        %parallel_loop3A_771 = arith.addf %parallel_loop3A_762, %parallel_loop3A_770 : vector<16xf32>
        %parallel_loop3A_772 = arith.constant 4 : i32
        %parallel_loop3A_773 = arith.muli %parallel_loop3A_772, %parallel_loop3A_490 : i32
        %parallel_loop3A_774 = arith.constant 2 : i32
        %parallel_loop3A_775 = arith.addi %parallel_loop3A_773, %parallel_loop3A_774 : i32
        %parallel_loop3A_776 = arith.index_cast %parallel_loop3A_775 : i32 to index
        %parallel_loop3A_777 = arith.constant 112 : index
        %parallel_loop3A_778 = tpu.vector_load %arg8[%parallel_loop3A_776, %parallel_loop3A_777] {strides = array<i32>} : memref<200x128xf32, #tpu.memory_space<vmem>>, vector<1x16xf32>,
        %parallel_loop3A_779 = vector.shape_cast %parallel_loop3A_778 : vector<1x16xf32> to vector<16xf32>
        %parallel_loop3A_780 = arith.addf %parallel_loop3A_771, %parallel_loop3A_779 : vector<16xf32>
        %parallel_loop3A_781 = arith.constant 4 : i32
        %parallel_loop3A_782 = arith.muli %parallel_loop3A_781, %parallel_loop3A_490 : i32
        %parallel_loop3A_783 = arith.constant 3 : i32
        %parallel_loop3A_784 = arith.addi %parallel_loop3A_782, %parallel_loop3A_783 : i32
        %parallel_loop3A_785 = arith.index_cast %parallel_loop3A_784 : i32 to index
        %parallel_loop3A_786 = arith.constant 112 : index
        %parallel_loop3A_787 = tpu.vector_load %arg8[%parallel_loop3A_785, %parallel_loop3A_786] {strides = array<i32>} : memref<200x128xf32, #tpu.memory_space<vmem>>, vector<1x16xf32>,
        %parallel_loop3A_788 = vector.shape_cast %parallel_loop3A_787 : vector<1x16xf32> to vector<16xf32>
        %parallel_loop3A_789 = arith.addf %parallel_loop3A_780, %parallel_loop3A_788 : vector<16xf32>
        %parallel_loop3A_790 = arith.mulf %parallel_loop3A_789, %parallel_loop3A_511 : vector<16xf32>
        %parallel_loop3A_791 = arith.addf %parallel_loop3A_498, %parallel_loop3A_790 : vector<16xf32>
        scf.yield %parallel_loop3A_546, %parallel_loop3A_581, %parallel_loop3A_616, %parallel_loop3A_651, %parallel_loop3A_686, %parallel_loop3A_721, %parallel_loop3A_756, %parallel_loop3A_791 : vector<16xf32>, vector<16xf32>, vector<16xf32>, vector<16xf32>, vector<16xf32>, vector<16xf32>, vector<16xf32>, vector<16xf32>
      } {sc.loop_unroll_factor = 4 : i64, sc.parallel_access}
      %swap3A_450 = arith.index_cast %scan3A_35 : i32 to index
      %swap3A_451 = arith.constant 0 : index
      %swap3A_452 = tpu.vector_load %arg11[%swap3A_450, %swap3A_451] {strides = array<i32>} : memref<32x128xf32, #tpu.memory_space<vmem>>, vector<1x16xf32>,
      %swap3A_453 = vector.shape_cast %swap3A_452 : vector<1x16xf32> to vector<16xf32>
      %swap3A_454 = vector.shape_cast %parallel_loop3A_449#0 : vector<16xf32> to vector<1x16xf32>
      tpu.vector_store %arg11[%swap3A_450, %swap3A_451], %swap3A_454 {strides = array<i32>} : memref<32x128xf32, #tpu.memory_space<vmem>>, vector<1x16xf32>,
      %swap3A_455 = arith.index_cast %scan3A_35 : i32 to index
      %swap3A_456 = arith.constant 16 : index
      %swap3A_457 = tpu.vector_load %arg11[%swap3A_455, %swap3A_456] {strides = array<i32>} : memref<32x128xf32, #tpu.memory_space<vmem>>, vector<1x16xf32>,
      %swap3A_458 = vector.shape_cast %swap3A_457 : vector<1x16xf32> to vector<16xf32>
      %swap3A_459 = vector.shape_cast %parallel_loop3A_449#1 : vector<16xf32> to vector<1x16xf32>
      tpu.vector_store %arg11[%swap3A_455, %swap3A_456], %swap3A_459 {strides = array<i32>} : memref<32x128xf32, #tpu.memory_space<vmem>>, vector<1x16xf32>,
      %swap3A_460 = arith.index_cast %scan3A_35 : i32 to index
      %swap3A_461 = arith.constant 32 : index
      %swap3A_462 = tpu.vector_load %arg11[%swap3A_460, %swap3A_461] {strides = array<i32>} : memref<32x128xf32, #tpu.memory_space<vmem>>, vector<1x16xf32>,
      %swap3A_463 = vector.shape_cast %swap3A_462 : vector<1x16xf32> to vector<16xf32>
      %swap3A_464 = vector.shape_cast %parallel_loop3A_449#2 : vector<16xf32> to vector<1x16xf32>
      tpu.vector_store %arg11[%swap3A_460, %swap3A_461], %swap3A_464 {strides = array<i32>} : memref<32x128xf32, #tpu.memory_space<vmem>>, vector<1x16xf32>,
      %swap3A_465 = arith.index_cast %scan3A_35 : i32 to index
      %swap3A_466 = arith.constant 48 : index
      %swap3A_467 = tpu.vector_load %arg11[%swap3A_465, %swap3A_466] {strides = array<i32>} : memref<32x128xf32, #tpu.memory_space<vmem>>, vector<1x16xf32>,
      %swap3A_468 = vector.shape_cast %swap3A_467 : vector<1x16xf32> to vector<16xf32>
      %swap3A_469 = vector.shape_cast %parallel_loop3A_449#3 : vector<16xf32> to vector<1x16xf32>
      tpu.vector_store %arg11[%swap3A_465, %swap3A_466], %swap3A_469 {strides = array<i32>} : memref<32x128xf32, #tpu.memory_space<vmem>>, vector<1x16xf32>,
      %swap3A_470 = arith.index_cast %scan3A_35 : i32 to index
      %swap3A_471 = arith.constant 64 : index
      %swap3A_472 = tpu.vector_load %arg11[%swap3A_470, %swap3A_471] {strides = array<i32>} : memref<32x128xf32, #tpu.memory_space<vmem>>, vector<1x16xf32>,
      %swap3A_473 = vector.shape_cast %swap3A_472 : vector<1x16xf32> to vector<16xf32>
      %swap3A_474 = vector.shape_cast %parallel_loop3A_449#4 : vector<16xf32> to vector<1x16xf32>
      tpu.vector_store %arg11[%swap3A_470, %swap3A_471], %swap3A_474 {strides = array<i32>} : memref<32x128xf32, #tpu.memory_space<vmem>>, vector<1x16xf32>,
      %swap3A_475 = arith.index_cast %scan3A_35 : i32 to index
      %swap3A_476 = arith.constant 80 : index
      %swap3A_477 = tpu.vector_load %arg11[%swap3A_475, %swap3A_476] {strides = array<i32>} : memref<32x128xf32, #tpu.memory_space<vmem>>, vector<1x16xf32>,
      %swap3A_478 = vector.shape_cast %swap3A_477 : vector<1x16xf32> to vector<16xf32>
      %swap3A_479 = vector.shape_cast %parallel_loop3A_449#5 : vector<16xf32> to vector<1x16xf32>
      tpu.vector_store %arg11[%swap3A_475, %swap3A_476], %swap3A_479 {strides = array<i32>} : memref<32x128xf32, #tpu.memory_space<vmem>>, vector<1x16xf32>,
      %swap3A_480 = arith.index_cast %scan3A_35 : i32 to index
      %swap3A_481 = arith.constant 96 : index
      %swap3A_482 = tpu.vector_load %arg11[%swap3A_480, %swap3A_481] {strides = array<i32>} : memref<32x128xf32, #tpu.memory_space<vmem>>, vector<1x16xf32>,
      %swap3A_483 = vector.shape_cast %swap3A_482 : vector<1x16xf32> to vector<16xf32>
      %swap3A_484 = vector.shape_cast %parallel_loop3A_449#6 : vector<16xf32> to vector<1x16xf32>
      tpu.vector_store %arg11[%swap3A_480, %swap3A_481], %swap3A_484 {strides = array<i32>} : memref<32x128xf32, #tpu.memory_space<vmem>>, vector<1x16xf32>,
      %swap3A_485 = arith.index_cast %scan3A_35 : i32 to index
      %swap3A_486 = arith.constant 112 : index
      %swap3A_487 = tpu.vector_load %arg11[%swap3A_485, %swap3A_486] {strides = array<i32>} : memref<32x128xf32, #tpu.memory_space<vmem>>, vector<1x16xf32>,
      %swap3A_488 = vector.shape_cast %swap3A_487 : vector<1x16xf32> to vector<16xf32>
      %swap3A_489 = vector.shape_cast %parallel_loop3A_449#7 : vector<16xf32> to vector<1x16xf32>
      tpu.vector_store %arg11[%swap3A_485, %swap3A_486], %swap3A_489 {strides = array<i32>} : memref<32x128xf32, #tpu.memory_space<vmem>>, vector<1x16xf32>,
    }
    %scan3A_23 = arith.constant 32 : i32
    %dma_wait3A = arith.constant 0 : i32
    %dma_wait3A_24 = arith.constant 0 : i32
    %dma_wait3A_25 = tpu.memref_slice %arg3[%dma_wait3A, %dma_wait3A_24] : memref<400000x128xf32, #tpu.memory_space<hbm>> -> memref<200x128xf32, #tpu.memory_space<hbm>>
    %dma_wait3A_26 = arith.constant 0 : i32
    %dma_wait3A_27 = arith.constant 0 : i32
    %dma_wait3A_28 = tpu.memref_slice %arg3[%dma_wait3A_26, %dma_wait3A_27] : memref<400000x128xf32, #tpu.memory_space<hbm>> -> memref<200x128xf32, #tpu.memory_space<hbm>>
    tpu.wait_dma2 semaphore(%arg12 : memref<!tpu.dma_semaphore, #tpu.memory_space<semaphore_mem>>) src(%dma_wait3A_28 : memref<200x128xf32, #tpu.memory_space<hbm>>) dst(%arg6 : memref<200x128xf32, #tpu.memory_space<vmem>>)
    %dma_wait3A_29 = arith.constant 0 : i32
    %dma_wait3A_30 = arith.constant 0 : i32
    %dma_wait3A_31 = tpu.memref_slice %arg3[%dma_wait3A_29, %dma_wait3A_30] : memref<400000x128xf32, #tpu.memory_space<hbm>> -> memref<200x128xf32, #tpu.memory_space<hbm>>
    %dma_wait3A_32 = arith.constant 0 : i32
    %dma_wait3A_33 = arith.constant 0 : i32
    %dma_wait3A_34 = tpu.memref_slice %arg3[%dma_wait3A_32, %dma_wait3A_33] : memref<400000x128xf32, #tpu.memory_space<hbm>> -> memref<200x128xf32, #tpu.memory_space<hbm>>
    tpu.wait_dma2 semaphore(%arg13 : memref<!tpu.dma_semaphore, #tpu.memory_space<semaphore_mem>>) src(%dma_wait3A_34 : memref<200x128xf32, #tpu.memory_space<hbm>>) dst(%arg7 : memref<200x128xf32, #tpu.memory_space<vmem>>)
    "tpu.region"() ({
      %run_scoped3A = tpu.sem_alloc : memref<!tpu.dma_semaphore, #tpu.memory_space<semaphore_mem>>
      %dma_start3A_35 = arith.constant 0 : i32
      %dma_start3A_36 = tpu.memref_slice %arg4[%mul3A_2, %dma_start3A_35] : memref<1024x128xf32, #tpu.memory_space<hbm>> -> memref<32x128xf32, #tpu.memory_space<hbm>>
      %dma_start3A_37 = arith.constant 0 : i32
      %dma_start3A_38 = tpu.memref_slice %arg4[%mul3A_2, %dma_start3A_37] : memref<1024x128xf32, #tpu.memory_space<hbm>> -> memref<32x128xf32, #tpu.memory_space<hbm>>
      tpu.enqueue_dma source(%arg11 : memref<32x128xf32, #tpu.memory_space<vmem>>) target(%dma_start3A_38 : memref<32x128xf32, #tpu.memory_space<hbm>>) target_semaphore(%run_scoped3A : memref<!tpu.dma_semaphore, #tpu.memory_space<semaphore_mem>>)
      %dma_wait3A_39 = arith.constant 0 : i32
      %dma_wait3A_40 = tpu.memref_slice %arg4[%mul3A_2, %dma_wait3A_39] : memref<1024x128xf32, #tpu.memory_space<hbm>> -> memref<32x128xf32, #tpu.memory_space<hbm>>
      %dma_wait3A_41 = arith.constant 0 : i32
      %dma_wait3A_42 = tpu.memref_slice %arg4[%mul3A_2, %dma_wait3A_41] : memref<1024x128xf32, #tpu.memory_space<hbm>> -> memref<32x128xf32, #tpu.memory_space<hbm>>
      tpu.wait_dma2 semaphore(%run_scoped3A : memref<!tpu.dma_semaphore, #tpu.memory_space<semaphore_mem>>) src(%arg11 : memref<32x128xf32, #tpu.memory_space<vmem>>) dst(%dma_wait3A_42 : memref<32x128xf32, #tpu.memory_space<hbm>>)
      tpu.yield
    }) : () -> ()
    return
  }
}

</mosaic_0001>

<sc_bundles>
// kernel: kernel.3.cloned.1.call-start
scs
__scs_entry_jumppad:
0x0: {  	(pc) =	sbr.rel $0x88, $3  }
0x1: {  	(tag) =	ssettag $0x0;
	lr =	simm.s32 $0x1  }
0x2: {  	[smem:$0x3F9F] =	sst lr;
	_ =	strace $0xD0000000  }
0x3: {  	_ = 	snop  }
0x4: {  	_ = 	snop  }
0x5: {  	_ = 	snop  }
0x6: {  	_ = 	snop  }
0x7: {  	_ = 	snop  }
__scs_overlays_trampoline_lowered:
0x8: {  	[smem:$0x3FAE] =	sst s0  }
0x9: {  	[smem:$0x3FAF] =	sst s1  }
0xa: {  	[smem:$0x3FB0] =	sst s2  }
0xb: {  	[smem:$0x3FB1] =	sst s3  }
0xc: {  	[smem:$0x3FB2] =	sst s4  }
0xd: {  	[smem:$0x3FB3] =	sst s5  }
0xe: {  	[smem:$0x3FB4] =	sst s6  }
0xf: {  	[smem:$0x3FB5] =	sst s7  }
0x10: {  	[smem:$0x3FB6] =	sst s8  }
0x11: {  	[smem:$0x3FB7] =	sst s9;
	s0 =	simm.s32 @!p0 $0x0  }
0x12: {  	s1 =	sld [smem:$0x3F9D];
	s0 =	simm.s32 @p0 $0x1  }
0x13: {  	[smem:$0x3FB8] =	sst s0;
	s0 =	simm.s32 @!p1 $0x0  }
0x14: {  	s2 =	sld [smem:$0x3F9C];
	s0 =	simm.s32 @p1 $0x1  }
0x15: {  	[smem:$0x3FB9] =	sst s0;
	s0 =	simm.s32 @!p2 $0x0  }
0x16: {  	s3 =	sld [smem:$0x3FDB];
	s0 =	simm.s32 @p2 $0x1  }
0x17: {  	s4 =	simm.s32 $0x1BF5;
	[smem:$0x3FBB] =	sst s0  }
0x18: {  	s0 =	sld [smem:$0x3F9E];
	_ =	swait.ge [sflag:s4], $0x0  }
0x19: {  	s7 =	sld [smem:$0x3F9F]  }
0x1a: {  	s8 =	sadd.s32 $0xFFFFE003, lr  }
0x1b: {  	s9 =	sadd.s32 $0xFFFFFEF7, lr;
	s5 =	simm.s32 $0xFFFFFFFF;
	p2 =	slt.u32 s8, $0xFFFFF086  }
0x1c: {  	p1 =	slt.u32 s9, $0xF7A;
	s5 =	simm.s32 @!p2 $0x0  }
0x1d: {  	s5 =	simm.s32 @p1 $0x1;
	p0 =	seq.s32 s7, s2  }
0x1e: {  	s7 =	smul.u32 @!p0 $0xF7A, s2;
	p2 =	seq.s32 @!p0 s5, $0x0  }
0x1f: {  	s9 =	smul.u32 $0xF7A, s1;
	s8 =	simm.s32 @!p0 $0x1BF5;
	p2 =	por !p2, p0  }
0x20: {  	[sflag:s8] =	ssyncset.s32 @!p0 $0xFFFFF086;
	s6 =	sadd.s32 @!p0 s3, s7;
	s7 =	simm.s32 @!p0 $0x108  }
0x21: {  	s3 =	sadd.s32 s3, s9;
	s6 =	sadd.s32 @!p0 $0x88, s6;
	s7 =	simm.s32 @p2 $0x1082  }
0x22: {  	[simem:s7], [sflag:s8] =	dma.local @!p0 [hbm:s6], $0xF7A  }
0x23: {  	s9 =	sor.u32 $0xD0000000, s2;
	s6 =	simm.s32 $0x108;
	_ =	swait.ge @!p0 [sflag:s8], $0x0  }
0x24: {  	s3 =	sadd.s32 $0x88, s3;
	s6 =	simm.s32 @!p1 $0x1082;
	[sflag:s4] =	ssyncset.s32 $0xFFFFF086  }
0x25: {  	[simem:s6], [sflag:s4] =	dma.local [hbm:s3], $0xF7A  }
0x26: {  	[smem:$0x3F9F] =	sst s1;
	(tag) =	ssettag s2;
	_ =	strace s9  }
0x27: {  	s1 =	sld [smem:$0x3FAF]  }
0x28: {  	s2 =	sld [smem:$0x3FB0]  }
0x29: {  	s4 =	sld [smem:$0x3FB2]  }
0x2a: {  	p0 =	seq.s32 s5, $0x0;
	s5 =	sld [smem:$0x3FB3]  }
0x2b: {  	s6 =	sld [smem:$0x3FB4]  }
0x2c: {  	s7 =	sld [smem:$0x3FB5]  }
0x2d: {  	s3 =	simm.s32 $0x108;
	s8 =	sld [smem:$0x3FB6]  }
0x2e: {  	s3 =	simm.s32 @!p0 $0x1082;
	s9 =	sld [smem:$0x3FB7]  }
0x2f: {  	lr =	sadd.s32 s0, s3;
	s0 =	sld [smem:$0x3FAE]  }
0x30: {  	s3 =	sld [smem:$0x3FB1]  }
0x31: {  	[smem:$0x3FBA] =	sst s10  }
0x32: {  	s10 =	sld [smem:$0x3FB8];
	_ =	sdelay $0x3  }
0x33: {  	p0 =	seq.s32 s10, $0x1;
	s10 =	sld [smem:$0x3FBA];
	_ =	sdelay $0x3  }
0x34: {  	[smem:$0x3FBA] =	sst s10  }
0x35: {  	s10 =	sld [smem:$0x3FB9];
	_ =	sdelay $0x3  }
0x36: {  	p1 =	seq.s32 s10, $0x1;
	s10 =	sld [smem:$0x3FBA];
	_ =	sdelay $0x3  }
0x37: {  	[smem:$0x3FBA] =	sst s10  }
0x38: {  	s10 =	sld [smem:$0x3FBB]  }
0x39: {  	_ = 	snop;
	(pc) =	sbr.ind lr, $3  }
0x3a: {  	_ = 	snop  }
0x3b: {  	_ = 	snop  }
0x3c: {  	p2 =	seq.s32 s10, $0x1;
	s10 =	sld [smem:$0x3FBA]  }
0x3d: {  	_ =	shalt  }
0x3e: {  	_ =	shalt  }
0x3f: {  	_ =	shalt  }
0x40: {  	_ =	shalt  }
0x41: {  	_ =	shalt  }
0x42: {  	_ =	shalt  }
0x43: {  	_ =	shalt  }
0x44: {  	_ =	shalt  }
0x45: {  	_ =	shalt  }
0x46: {  	_ =	shalt  }
0x47: {  	_ =	shalt  }
0x48: {  	_ =	shalt  }
0x49: {  	_ =	shalt  }
0x4a: {  	_ =	shalt  }
0x4b: {  	_ =	shalt  }
0x4c: {  	_ =	shalt  }
0x4d: {  	_ =	shalt  }
0x4e: {  	_ =	shalt  }
0x4f: {  	_ =	shalt  }
0x50: {  	_ =	shalt  }
0x51: {  	_ =	shalt  }
0x52: {  	_ =	shalt  }
0x53: {  	_ =	shalt  }
0x54: {  	_ =	shalt  }
0x55: {  	_ =	shalt  }
0x56: {  	_ =	shalt  }
0x57: {  	_ =	shalt  }
0x58: {  	_ =	shalt  }
0x59: {  	_ =	shalt  }
0x5a: {  	_ =	shalt  }
0x5b: {  	_ =	shalt  }
0x5c: {  	_ =	shalt  }
0x5d: {  	_ =	shalt  }
0x5e: {  	_ =	shalt  }
0x5f: {  	_ =	shalt  }
0x60: {  	_ =	shalt  }
0x61: {  	_ =	shalt  }
0x62: {  	_ =	shalt  }
0x63: {  	_ =	shalt  }
0x64: {  	_ =	shalt  }
0x65: {  	_ =	shalt  }
0x66: {  	_ =	shalt  }
0x67: {  	_ =	shalt  }
0x68: {  	_ =	shalt  }
0x69: {  	_ =	shalt  }
0x6a: {  	_ =	shalt  }
0x6b: {  	_ =	shalt  }
0x6c: {  	_ =	shalt  }
0x6d: {  	_ =	shalt  }
0x6e: {  	_ =	shalt  }
0x6f: {  	_ =	shalt  }
0x70: {  	_ =	shalt  }
0x71: {  	_ =	shalt  }
0x72: {  	_ =	shalt  }
0x73: {  	_ =	shalt  }
0x74: {  	_ =	shalt  }
0x75: {  	_ =	shalt  }
0x76: {  	_ =	shalt  }
0x77: {  	_ =	shalt  }
0x78: {  	_ =	shalt  }
0x79: {  	_ =	shalt  }
0x7a: {  	_ =	shalt  }
0x7b: {  	_ =	shalt  }
0x7c: {  	_ =	shalt  }
0x7d: {  	_ =	shalt  }
0x7e: {  	_ =	shalt  }
0x7f: {  	_ =	shalt  }
0x80: {  	_ =	shalt  }
0x81: {  	_ =	shalt  }
0x82: {  	_ =	shalt  }
0x83: {  	_ =	shalt  }
0x84: {  	_ =	shalt  }
0x85: {  	_ =	shalt  }
0x86: {  	_ =	shalt  }
0x87: {  	_ =	shalt  }
.Lfunc_end0:
.L_simem_size_0:
called_computation_lowered:
.L_overlay_start_0:
0x88: {  	s2 =	sld [smem:$0x3FD9]  }
0x89: {  	s3 =	sld [smem:$0x3FFE];
	_ =	sdelay $0x1  }
0x8a: {  	s1 =	srdreg.scid  }
0x8b: {  	s0 =	sand.u32 $0x1, s1  }
0x8c: {  	s17 =	sshll.u32 s0, $0xA;
	s2 =	sadd.s32 s3, s2  }
0x8d: {  	s2 =	sadd.s32 s2, s17  }
0x8e: {  	[smem:$0x3FC6] =	sst s2  }
0x8f: {  	_ = 	snop  }
0x90: {  	s2 =	sld [smem:$0x3FC8]  }
0x91: {  	s18 =	sld [smem:$0x3FD0];
	(tm) =	ssettm $0x1  }
0x92: {  	s4 =	sld [smem:$0x3FFB];
	_ =	sdelay $0x3  }
0x93: {  	_ =	strace s4  }
0x94: {  	s4 =	sld [smem:$0x3FFC];
	_ =	sdelay $0x3  }
0x95: {  	_ =	strace s4  }
0x96: {  	s4 =	sld [smem:$0x3FFD];
	_ =	sdelay $0x3  }
0x97: {  	_ =	strace s4  }
0x98: {  	_ =	strace $0x8FFFFFFF  }
0x99: {  	s19 =	sld [smem:$0x3FDB];
	_ =	sdelay $0x1  }
0x9a: {  	s5 =	simm.s32 $_scs_section_size  }
0x9b: {  	s6 =	simm.s32 $_size__tile_overlayer_lowered;
	s7 =	simm.s32 $_tile_overlayer_lowered  }
0x9c: {  	s22 =	simm.s32 $0x1BFF;
	s21 =	sshll.u32 s7, $0x1;
	s4 =	sadd.s32 s5, s19  }
0x9d: {  	s8 =	simm.s32 $0x0;
	s20 =	sshll.u32 s6, $0x1;
	s6 =	sadd.s32 s21, s4  }
0x9e: {  	[timem:s8], [sflag:s22] =	dma.local [hbm:s6], s20  }
0x9f: {  	_ =	swait.ge [sflag:s22], s20  }
0xa0: {  	s5 =	ssub.s32 $0x0, s20;
	[sflag:s22] =	ssyncset.done $0x0  }
0xa1: {  	[sflag:s22] =	ssyncadd.s32 s5;
	_ =	sdelay $0x1  }
0xa2: {  	s23 =	simm.s32 $0x1B8B  }
0xa3: {  	_ =	swait.ge [sflag:s23], $0x1  }
0xa4: {  	[sflag:s23] =	ssyncset.done $0x0  }
0xa5: {  	s25 =	simm.s32 $0x1B8E;
	s24 =	sld [smem:$0x3FFE];
	[sflag:s23] =	ssyncadd.s32 $0xFFFFFFFF  }
0xa6: {  	s26 =	simm.s32 $execute0_lowered;
	[smem:$0x3FD2] =	sst s25  }
0xa7: {  	s6 =	sshll.u32 s26, $0x1;
	_ =	strace $0x80000046;
	[dreg:$0x1] =	wrdreg $0xFFFFFFFF  }
0xa8: {  	s28 =	simm.s32 $_size_execute0_lowered;
	s4 =	sadd.s32 s4, s6;
	[dreg:$0x0] =	wrdreg $0x0  }
0xa9: {  	s6 =	sshll.u32 s28, $0x1;
	[dreg:$0x2] =	wrdreg s4  }
0xaa: {  	[dreg:$0x3] =	wrdreg s6  }
0xab: {  	[dreg:$0x4] =	wrdreg $0xC0  }
0xac: {  	_ =	task [dreg:s8], $0x5FFFF  }
0xad: {  	[dreg:$0x1] =	wrdreg $0xFFFFFFFF  }
0xae: {  	[dreg:$0x0] =	wrdreg $0x60  }
0xaf: {  	[dreg:$0x2] =	wrdreg s24  }
0xb0: {  	[dreg:$0x3] =	wrdreg s2  }
0xb1: {  	[dreg:$0x4] =	wrdreg s18  }
0xb2: {  	[dreg:$0x5] =	wrdreg $0x9  }
0xb3: {  	_ =	task.clear_ibuf [dreg:s8], $0x6FFFF;
	_ =	strace $0x90000046  }
0xb4: {  	s29 =	simm.s32 $0x9;
	_ =	strace $0x80000048  }
0xb5: {  	_ =	swait.ge [sflag:s29], $0x1  }
0xb6: {  	[sflag:s29] =	ssyncadd.s32 $0xFFFFFFFF  }
0xb7: {  	_ =	strace $0x90000048  }
0xb8: {  	_ =	sfence  }
0xb9: {  	s30 =	sld [smem:$0x0];
	_ =	sdelay $0x2  }
0xba: {  	s31 =	sshll.u32 s1, $0xD;
	s1 =	sshrl.u32 s1, $0x2  }
0xbb: {  	s3 =	sand.u32 $0x4000, s31;
	s1 =	sadd.s32 s1, s30  }
0xbc: {  	s0 =	sor.u32 s3, s0;
	s1 =	sshll.u32 s1, $0x11  }
0xbd: {  	s0 =	sor.u32 s1, s0  }
0xbe: {  	s0 =	sadd.s32 $0x8F2B, s0  }
0xbf: {  	[sflag:s0] =	ssyncadd.remote.s32 $0x1  }
0xc0: {  	_ =	sfence.sel $0xFFFF  }
0xc1: {  	[dreg:$0x0] =	wrdreg $0xFFFFFFFF;
	(pc) =	sbr.abs _section_cstart, $3  }
0xc2: {  	[dreg:$0x1] =	wrdreg $0xFFFFFFFF  }
0xc3: {  	_ =	task.clear_ibuf [dreg:s8], $0x2FFFF;
	_ =	strace $0x9FFFFFFF  }
0xc4: {  	(tm) =	ssettm $0x7FFFFFFF  }
0xc5: {  	_ =	shalt  }
tec
execute0_lowered:
.L_overlay_start_1:
0x0: {  	(tag) =	ssettag $0x1  }
0x1: {  	v0 =	vimm.s32 $0xFEDCBA98;
	v1 =	vimm.s32 $0x76543210  }
0x2: {  	s1 =	srdreg.scid;
	s4 =	rddreg [dreg:$0x0];
	v3 =	vimm.s32 $0x32107654;
	v4 =	vimm.s32 $0xDCFE98BA;
	v5 =	vimm.s32 $0x54761032  }
0x3: {  	s0 =	stileid.u32;
	s7 =	rddreg [dreg:$0x2];
	v6 =	vimm.s32 $0xEFCDAB89;
	v7 =	vimm.s32 $0x67452301;
	v0 =	vunpack.c.l.s4.s8 v0  }
0x4: {  	s3 =	simm.s32 $0x0;
	s9 =	simm.s32 $0x4B00;
	s10 =	simm.s32 $0xAF00;
	v1 =	vunpack.c.l.s4.s8 v1;
	v3 =	vunpack.c.l.s4.s8 v3;
	v4 =	vunpack.c.l.s4.s8 v4  }
0x5: {  	s11 =	simm.s32 $0x1;
	s12 =	simm.s32 $0x11300;
	s13 =	simm.s32 $0x2;
	v5 =	vunpack.c.l.s4.s8 v5;
	v2 =	vunpack.c.0.s8.s32 v0;
	v0 =	vimm.s32 $0xBA98FEDC  }
0x6: {  	s14 =	simm.s32 $0x3;
	s5 =	sand.u32 $0x1, s1;
	s2 =	sshll.u32 s0, $0x1;
	v6 =	vunpack.c.l.s4.s8 v6;
	v7 =	vunpack.c.l.s4.s8 v7;
	v0 =	vunpack.c.l.s4.s8 v0  }
0x7: {  	s15 =	simm.s32 $0x19380;
	s1 =	rddreg [dreg:$0x1];
	s6 =	sor.u32 s5, s2;
	v3 =	vunpack.c.0.s8.s32 v3;
	v4 =	vunpack.c.0.s8.s32 v4;
	v5 =	vunpack.c.0.s8.s32 v5  }
0x8: {  	s16 =	simm.s32 $0x0;
	[smem:$0x7FF] =	sst s3;
	s8 =	smul.u32 $0x960, s6;
	v6 =	vunpack.c.0.s8.s32 v6;
	v7 =	vunpack.c.0.s8.s32 v7;
	v0 =	vunpack.c.0.s8.s32 v0  }
0x9: {  	s2 =	rddreg [dreg:$0x3];
	s5 =	ssub.s32 $0x2, s5;
	_ =	strace $0x80000047;
	v8 =	vunpack.c.0.s8.s32 v1;
	v1 =	vcombine.low v5, v4  }
0xa: {  	s30 =	sshrl.u32 s5, $0x1;
	s31 =	sshll.u32 s6, $0x9;
	s4 =	sadd.s32 s8, s4;
	v0 =	vcombine.low v3, v0;
	v3 =	vand.u32 $0xF, v2;
	v2 =	vcombine.low v7, v6  }
0xb: {  	s8 =	ssub.s32 s5, s30;
	s5 =	sadd.s32 s7, s31;
	s7 =	simm.s32 $0x4;
	v4 =	vlaneseq.u32;
	v6 =	vand.u32 $0xF, v1;
	v3 =	vcombine.low v3, v8  }
0xc: {  	s4 =	sadd.s32 $0x400, s4;
	s6 =	smax.u32 s8, $0x1;
	s8 =	simm.s32 $0xC8;
	v8 =	vimm.s32 $0x0;
	v5 =	vand.u32 $0xF, v0;
	v7 =	vand.u32 $0xF, v2  }
.LBB2_1:
0xd: {  	[tilespmem:s3], [sflag:$0x4] =	stream.linear.gather [hbm4b:s4+s3], $0x4B00, $0x38;
	[tilespmem:$0x1A380] =	vst v63  }
0xe: {  	_ =	swait.ge [sflag:s7], $0x4B00  }
0xf: {  	[sflag:s7] =	ssyncset.done $0x0  }
0x10: {  	[sflag:s7] =	ssyncadd.s32 $0xFFFFB500  }
0x11: {  	[tilespmem:s9], [sflag:$0x1] =	stream.indirect.gather [hbm4b:s1+s8], $0x80, s3, s8, $0xb8;
	[tilespmem:$0x1A380] =	vst v63  }
0x12: {  	s17 =	simm.s32 $0x0  }
0x13: {  	[tilespmem:s10], [sflag:$0x2] =	stream.indirect.gather [hbm4b:s1+s8], $0x80, s8, s8, $0xb8;
	[tilespmem:$0x1A380] =	vst v63  }
.LBB2_2:
0x14: {  	s18 =	smul.u32 $0x960, s17  }
0x15: {  	_ =	swait.ge [sflag:s11], $0x6400  }
0x16: {  	[sflag:s11] =	ssyncset.done $0x0;
	s18 =	sshra.s32 s18, $0x2  }
0x17: {  	[sflag:s11] =	ssyncadd.s32 $0xFFFF9C00;
	s18 =	sadd.s32 $0x190, s18  }
0x18: {  	[tilespmem:s12], [sflag:$0x3] =	stream.indirect.gather [hbm4b:s1+s8], $0x80, s18, s8, $0xb8;
	[tilespmem:$0x1A380] =	vst v63  }
0x19: {  	s18 =	simm.s32 $0x4C00  }
0x1a: {  	v9 =	vld [tilespmem:s18+$0xFFFFFF80]  }
0x1b: {  	v10 =	vld [tilespmem:s18+$0xFFFFFF00];
	_ =	sdelay $0x1  }
0x1c: {  	v11 =	vld [tilespmem:s18+$0x0];
	_ =	sdelay $0x1  }
0x1d: {  	v12 =	vld [tilespmem:s18+$0x80]  }
0x1e: {  	v9 =	vadd.f32 v9, v10;
	_ =	sdelay $0x1  }
0x1f: {  	v9 =	vadd.f32 v11, v9;
	_ =	sdelay $0x1  }
0x20: {  	v9 =	vadd.f32 v12, v9  }
0x21: {  	s19 =	simm.s32 $0x0  }
0x22: {  	[tilespmem:s19+$0x17700] =	vst v9  }
0x23: {  	v10 =	vld [tilespmem:s18+$0xFFFFFF10]  }
0x24: {  	v11 =	vld [tilespmem:s18+$0xFFFFFF90];
	_ =	sdelay $0x1  }
0x25: {  	v12 =	vld [tilespmem:s18+$0x10];
	_ =	sdelay $0x1  }
0x26: {  	v13 =	vld [tilespmem:s18+$0x90]  }
0x27: {  	v10 =	vadd.f32 v11, v10;
	_ =	sdelay $0x1  }
0x28: {  	v10 =	vadd.f32 v12, v10;
	_ =	sdelay $0x1  }
0x29: {  	v11 =	vadd.f32 v13, v10;
	_ =	sdelay $0x1  }
0x2a: {  	[tilespmem:s19+$0x17710] =	vst v11  }
0x2b: {  	v10 =	vld [tilespmem:s18+$0xFFFFFF20]  }
0x2c: {  	v12 =	vld [tilespmem:s18+$0xFFFFFFA0];
	_ =	sdelay $0x1  }
0x2d: {  	v13 =	vld [tilespmem:s18+$0x20];
	_ =	sdelay $0x1  }
0x2e: {  	v14 =	vld [tilespmem:s18+$0xA0]  }
0x2f: {  	v10 =	vadd.f32 v12, v10;
	_ =	sdelay $0x1  }
0x30: {  	v10 =	vadd.f32 v13, v10;
	_ =	sdelay $0x1  }
0x31: {  	v12 =	vadd.f32 v14, v10;
	_ =	sdelay $0x1  }
0x32: {  	[tilespmem:s19+$0x17720] =	vst v12  }
0x33: {  	v10 =	vld [tilespmem:s18+$0xFFFFFF30]  }
0x34: {  	v13 =	vld [tilespmem:s18+$0xFFFFFFB0];
	_ =	sdelay $0x1  }
0x35: {  	v14 =	vld [tilespmem:s18+$0x30];
	_ =	sdelay $0x1  }
0x36: {  	v15 =	vld [tilespmem:s18+$0xB0]  }
0x37: {  	v10 =	vadd.f32 v13, v10;
	_ =	sdelay $0x1  }
0x38: {  	v10 =	vadd.f32 v14, v10;
	_ =	sdelay $0x1  }
0x39: {  	v14 =	vadd.f32 v15, v10;
	_ =	sdelay $0x1  }
0x3a: {  	[tilespmem:s19+$0x17730] =	vst v14  }
0x3b: {  	v10 =	vld [tilespmem:s18+$0xFFFFFF40]  }
0x3c: {  	v13 =	vld [tilespmem:s18+$0xFFFFFFC0];
	_ =	sdelay $0x1  }
0x3d: {  	v15 =	vld [tilespmem:s18+$0x40];
	_ =	sdelay $0x1  }
0x3e: {  	v16 =	vld [tilespmem:s18+$0xC0]  }
0x3f: {  	v10 =	vadd.f32 v13, v10;
	_ =	sdelay $0x1  }
0x40: {  	v10 =	vadd.f32 v15, v10;
	_ =	sdelay $0x1  }
0x41: {  	v15 =	vadd.f32 v16, v10;
	_ =	sdelay $0x1  }
0x42: {  	[tilespmem:s19+$0x17740] =	vst v15  }
0x43: {  	v10 =	vld [tilespmem:s18+$0xFFFFFF50]  }
0x44: {  	v13 =	vld [tilespmem:s18+$0xFFFFFFD0];
	_ =	sdelay $0x1  }
0x45: {  	v16 =	vld [tilespmem:s18+$0x50];
	_ =	sdelay $0x1  }
0x46: {  	v17 =	vld [tilespmem:s18+$0xD0]  }
0x47: {  	v10 =	vadd.f32 v13, v10;
	_ =	sdelay $0x1  }
0x48: {  	v10 =	vadd.f32 v16, v10;
	_ =	sdelay $0x1  }
0x49: {  	v20 =	vadd.f32 v17, v10;
	_ =	sdelay $0x1  }
0x4a: {  	[tilespmem:s19+$0x17750] =	vst v20  }
0x4b: {  	v10 =	vld [tilespmem:s18+$0xFFFFFF60]  }
0x4c: {  	v13 =	vld [tilespmem:s18+$0xFFFFFFE0];
	_ =	sdelay $0x1  }
0x4d: {  	v16 =	vld [tilespmem:s18+$0x60];
	_ =	sdelay $0x1  }
0x4e: {  	v17 =	vld [tilespmem:s18+$0xE0]  }
0x4f: {  	v10 =	vadd.f32 v13, v10;
	_ =	sdelay $0x1  }
0x50: {  	v10 =	vadd.f32 v16, v10;
	_ =	sdelay $0x1  }
0x51: {  	v21 =	vadd.f32 v17, v10;
	_ =	sdelay $0x1  }
0x52: {  	v13 =	vimm.f32 $0.0e+00;
	[tilespmem:s19+$0x17760] =	vst v21  }
0x53: {  	v9 =	vadd.f32 v9, v13;
	v10 =	vld [tilespmem:s18+$0xFFFFFF70]  }
0x54: {  	v11 =	vadd.f32 v11, v13;
	v16 =	vadd.f32 v15, v13;
	v18 =	vld [tilespmem:s18+$0xFFFFFFF0]  }
0x55: {  	v15 =	vadd.f32 v20, v13;
	v17 =	vadd.f32 v12, v13;
	v19 =	vld [tilespmem:s18+$0x70]  }
0x56: {  	s20 =	simm.s32 $0x200;
	v12 =	vadd.f32 v14, v13;
	v14 =	vadd.f32 v21, v13;
	v20 =	vld [tilespmem:s18+$0xF0]  }
.LBB2_3:
0x57: {  	p0 =	sne.s32 s20, $0x6200  }
0x58: {  	s18 =	sadd.s32 $0x200, s18;
	s21 =	smov.u32 s20;
	s20 =	sadd.s32 $0x200, s20  }
0x59: {  	_ = 	snop  }
0x5a: {  	v10 =	vadd.f32 v18, v10;
	_ =	sdelay $0x1  }
0x5b: {  	v10 =	vadd.f32 v19, v10;
	_ =	sdelay $0x1  }
0x5c: {  	v10 =	vadd.f32 v20, v10;
	_ =	sdelay $0x1  }
0x5d: {  	[tilespmem:s19+$0x17770] =	vst v10;
	v13 =	vadd.f32 v10, v13  }
0x5e: {  	v10 =	vld [tilespmem:s18+$0xFFFFFF80]  }
0x5f: {  	v18 =	vld [tilespmem:s18+$0xFFFFFF00]  }
0x60: {  	v19 =	vld [tilespmem:s18+$0x0];
	_ =	sdelay $0x2  }
0x61: {  	v20 =	vld [tilespmem:s18+$0x80]  }
0x62: {  	v10 =	vadd.f32 v10, v18;
	_ =	sdelay $0x1  }
0x63: {  	v10 =	vadd.f32 v19, v10;
	_ =	sdelay $0x1  }
0x64: {  	v10 =	vadd.f32 v20, v10  }
0x65: {  	s19 =	sshra.s32 s21, $0x2  }
0x66: {  	[tilespmem:s19+$0x17700] =	vst v10;
	v9 =	vadd.f32 v10, v9  }
0x67: {  	v10 =	vld [tilespmem:s18+$0xFFFFFF10]  }
0x68: {  	v18 =	vld [tilespmem:s18+$0xFFFFFF90];
	_ =	sdelay $0x1  }
0x69: {  	v19 =	vld [tilespmem:s18+$0x10];
	_ =	sdelay $0x1  }
0x6a: {  	v20 =	vld [tilespmem:s18+$0x90]  }
0x6b: {  	v10 =	vadd.f32 v18, v10;
	_ =	sdelay $0x1  }
0x6c: {  	v10 =	vadd.f32 v19, v10;
	_ =	sdelay $0x1  }
0x6d: {  	v10 =	vadd.f32 v20, v10;
	_ =	sdelay $0x1  }
0x6e: {  	[tilespmem:s19+$0x17710] =	vst v10;
	v11 =	vadd.f32 v10, v11  }
0x6f: {  	v10 =	vld [tilespmem:s18+$0xFFFFFF20]  }
0x70: {  	v18 =	vld [tilespmem:s18+$0xFFFFFFA0];
	_ =	sdelay $0x1  }
0x71: {  	v19 =	vld [tilespmem:s18+$0x20];
	_ =	sdelay $0x1  }
0x72: {  	v20 =	vld [tilespmem:s18+$0xA0]  }
0x73: {  	v10 =	vadd.f32 v18, v10;
	_ =	sdelay $0x1  }
0x74: {  	v10 =	vadd.f32 v19, v10;
	_ =	sdelay $0x1  }
0x75: {  	v10 =	vadd.f32 v20, v10;
	_ =	sdelay $0x1  }
0x76: {  	[tilespmem:s19+$0x17720] =	vst v10;
	v17 =	vadd.f32 v10, v17  }
0x77: {  	v10 =	vld [tilespmem:s18+$0xFFFFFF30]  }
0x78: {  	v18 =	vld [tilespmem:s18+$0xFFFFFFB0]  }
0x79: {  	v19 =	vld [tilespmem:s18+$0x30];
	_ =	sdelay $0x2  }
0x7a: {  	v20 =	vld [tilespmem:s18+$0xB0]  }
0x7b: {  	v10 =	vadd.f32 v18, v10;
	_ =	sdelay $0x1  }
0x7c: {  	v10 =	vadd.f32 v19, v10;
	_ =	sdelay $0x1  }
0x7d: {  	v10 =	vadd.f32 v20, v10;
	_ =	sdelay $0x1  }
0x7e: {  	[tilespmem:s19+$0x17730] =	vst v10;
	v12 =	vadd.f32 v10, v12  }
0x7f: {  	v10 =	vld [tilespmem:s18+$0xFFFFFF40]  }
0x80: {  	v18 =	vld [tilespmem:s18+$0xFFFFFFC0];
	_ =	sdelay $0x1  }
0x81: {  	v19 =	vld [tilespmem:s18+$0x40];
	_ =	sdelay $0x1  }
0x82: {  	v20 =	vld [tilespmem:s18+$0xC0]  }
0x83: {  	v10 =	vadd.f32 v18, v10;
	_ =	sdelay $0x1  }
0x84: {  	v10 =	vadd.f32 v19, v10;
	_ =	sdelay $0x1  }
0x85: {  	v10 =	vadd.f32 v20, v10;
	_ =	sdelay $0x1  }
0x86: {  	[tilespmem:s19+$0x17740] =	vst v10;
	v16 =	vadd.f32 v10, v16  }
0x87: {  	v10 =	vld [tilespmem:s18+$0xFFFFFF50]  }
0x88: {  	v18 =	vld [tilespmem:s18+$0xFFFFFFD0]  }
0x89: {  	v19 =	vld [tilespmem:s18+$0x50]  }
0x8a: {  	v20 =	vld [tilespmem:s18+$0xD0];
	_ =	sdelay $0x2  }
0x8b: {  	v10 =	vadd.f32 v18, v10;
	_ =	sdelay $0x1  }
0x8c: {  	v10 =	vadd.f32 v19, v10;
	_ =	sdelay $0x1  }
0x8d: {  	v10 =	vadd.f32 v20, v10;
	_ =	sdelay $0x1  }
0x8e: {  	[tilespmem:s19+$0x17750] =	vst v10;
	v15 =	vadd.f32 v10, v15  }
0x8f: {  	v10 =	vld [tilespmem:s18+$0xFFFFFF60]  }
0x90: {  	v18 =	vld [tilespmem:s18+$0xFFFFFFE0]  }
0x91: {  	v19 =	vld [tilespmem:s18+$0x60]  }
0x92: {  	v20 =	vld [tilespmem:s18+$0xE0];
	_ =	sdelay $0x2  }
0x93: {  	v10 =	vadd.f32 v18, v10;
	_ =	sdelay $0x1  }
0x94: {  	v10 =	vadd.f32 v19, v10;
	_ =	sdelay $0x1  }
0x95: {  	v10 =	vadd.f32 v20, v10;
	_ =	sdelay $0x1  }
.Ltmp0:
0x96: {  	[tilespmem:s19+$0x17760] =	vst v10;
	v14 =	vadd.f32 v10, v14;
	(pc) =	sbr.rel @p0 .LBB2_3-.Ltmp0, $4  }
0x97: {  	v10 =	vld [tilespmem:s18+$0xFFFFFF70]  }
0x98: {  	v18 =	vld [tilespmem:s18+$0xFFFFFFF0]  }
0x99: {  	v19 =	vld [tilespmem:s18+$0x70]  }
0x9a: {  	v20 =	vld [tilespmem:s18+$0xF0]  }
0x9b: {  	_ =	sdelay $0x1  }
0x9c: {  	v10 =	vadd.f32 v18, v10;
	_ =	sdelay $0x1  }
0x9d: {  	v10 =	vadd.f32 v19, v10;
	_ =	sdelay $0x1  }
0x9e: {  	v19 =	vadd.f32 v20, v10;
	_ =	sdelay $0x1  }
0x9f: {  	s18 =	simm.s32 $0x17740;
	[tilespmem:s19+$0x17770] =	vst v19  }
0xa0: {  	v18 =	vld [tilespmem:s18+$0xFFFFFFC0]  }
0xa1: {  	v20 =	vld [tilespmem:s18+$0xFFFFFFD0];
	_ =	sdelay $0x1  }
0xa2: {  	v21 =	vld [tilespmem:s18+$0xFFFFFFE0]  }
0xa3: {  	v11 =	vmul.f32 $1.999999960e-02, v11;
	v10 =	vmul.f32 $1.999999960e-02, v9  }
0xa4: {  	v9 =	vmul.f32 $1.999999960e-02, v17;
	v22 =	vld [tilespmem:s18+$0xFFFFFFF0]  }
0xa5: {  	v17 =	vmul.f32 v18, v10;
	v18 =	vmul.f32 v20, v11  }
0xa6: {  	v20 =	vld [tilespmem:s18+$0x0]  }
0xa7: {  	v12 =	vmul.f32 $1.999999960e-02, v12;
	s29 =	simm.s32 $0x177C0;
	v23 =	vld [tilespmem:s18+$0x10];
	v21 =	vmul.f32 v21, v9;
	v18 =	vadd.f32 v18, v17  }
0xa8: {  	v24 =	vld [tilespmem:s29+$0xFFFFFFC0]  }
0xa9: {  	v17 =	vmul.f32 $1.999999960e-02, v16;
	v16 =	vadd.f32 v21, v18;
	v21 =	vmul.f32 v22, v12;
	v22 =	vld [tilespmem:s29+$0xFFFFFFD0]  }
0xaa: {  	v25 =	vld [tilespmem:s18+$0x20]  }
0xab: {  	v18 =	vmul.f32 $1.999999960e-02, v15;
	v15 =	vld [tilespmem:s29+$0xFFFFFFE0];
	v20 =	vmul.f32 v20, v17;
	v16 =	vadd.f32 v21, v16  }
0xac: {  	v13 =	vadd.f32 v19, v13;
	v21 =	vld [tilespmem:s18+$0x30]  }
0xad: {  	v19 =	vmul.f32 $1.999999960e-02, v14;
	v14 =	vmul.f32 v23, v18;
	v23 =	vld [tilespmem:s29+$0xFFFFFFF0];
	v20 =	vadd.f32 v20, v16  }
0xae: {  	v24 =	vmul.f32 v24, v10;
	v22 =	vmul.f32 v22, v11  }
0xaf: {  	v16 =	vmul.f32 $1.999999960e-02, v13;
	v13 =	vadd.f32 v14, v20;
	v14 =	vmul.f32 v25, v19;
	v20 =	vld [tilespmem:s29+$0x0]  }
0xb0: {  	s30 =	simm.s32 $0x17840;
	v15 =	vmul.f32 v15, v9;
	v22 =	vadd.f32 v22, v24;
	v24 =	vld [tilespmem:s29+$0x10]  }
0xb1: {  	v13 =	vadd.f32 v14, v13;
	v14 =	vmul.f32 v21, v16;
	v21 =	vld [tilespmem:s30+$0xFFFFFFC0]  }
0xb2: {  	v15 =	vadd.f32 v15, v22;
	v22 =	vmul.f32 v23, v12;
	v23 =	vld [tilespmem:s30+$0xFFFFFFD0]  }
0xb3: {  	v13 =	vadd.f32 v14, v13  }
0xb4: {  	v14 =	vld [tilespmem:s29+$0x20];
	v15 =	vadd.f32 v22, v15;
	v20 =	vmul.f32 v20, v17  }
0xb5: {  	v25 =	vld [tilespmem:s30+$0xFFFFFFE0];
	v22 =	vperm.xlane v13, v3  }
0xb6: {  	v26 =	vld [tilespmem:s29+$0x30];
	v24 =	vmul.f32 v24, v18;
	v15 =	vadd.f32 v20, v15  }
0xb7: {  	v20 =	vmul.f32 v21, v10;
	v21 =	vld [tilespmem:s30+$0xFFFFFFF0];
	v13 =	vadd.f32 v13, v22;
	v22 =	vmul.f32 v23, v11;
	_ =	sdelay $0x1  }
0xb8: {  	v15 =	vadd.f32 v24, v15;
	v14 =	vmul.f32 v14, v19;
	v20 =	vadd.f32 v22, v20;
	v22 =	vld [tilespmem:s30+$0x0]  }
0xb9: {  	v24 =	vmul.f32 v25, v9;
	v25 =	vld [tilespmem:s30+$0x10];
	v23 =	vperm.xlane v13, v0  }
0xba: {  	s22 =	simm.s32 $0x178C0;
	v27 =	vld [tilespmem:s30+$0x20];
	v14 =	vadd.f32 v14, v15;
	v15 =	vmul.f32 v26, v16  }
0xbb: {  	v26 =	vld [tilespmem:s22+$0xFFFFFFC0];
	v23 =	vadd.f32 v13, v23;
	v20 =	vadd.f32 v24, v20;
	v21 =	vmul.f32 v21, v12  }
0xbc: {  	v14 =	vadd.f32 v15, v14;
	v15 =	vld [tilespmem:s22+$0xFFFFFFD0]  }
0xbd: {  	s20 =	simm.s32 $0x0;
	v29 =	vld [tilespmem:s22+$0xFFFFFFE0];
	v24 =	vperm.xlane v23, v1;
	v20 =	vadd.f32 v21, v20;
	v21 =	vmul.f32 v22, v17  }
0xbe: {  	s31 =	sand.u32 $0xF, s20;
	v25 =	vmul.f32 v25, v18;
	v22 =	vperm.xlane v14, v3  }
0xbf: {  	v30 =	vadd.f32 v23, v24;
	v23 =	vmov s31;
	v20 =	vadd.f32 v21, v20  }
0xc0: {  	v27 =	vmul.f32 v27, v19;
	v28 =	vmul.f32 v26, v10;
	vm0 =	veq.s32 v23, v4;
	v23 =	vld [tilespmem:s30+$0x30]  }
0xc1: {  	v22 =	vadd.f32 v14, v22;
	v14 =	vmul.f32 v15, v11;
	v26 =	vadd.f32 v25, v20;
	v25 =	vld [tilespmem:s22+$0xFFFFFFF0]  }
0xc2: {  	v29 =	vmul.f32 v29, v9;
	v13 =	vimm.f32 $-1.000000020e+30;
	v15 =	vperm.xlane v30, v2  }
0xc3: {  	s21 =	simm.s32 $0x1;
	s24 =	simm.s32 $0x4;
	v24 =	vperm.xlane v22, v0;
	v20 =	vimm.f32 $-1.000000020e+30;
	v28 =	vadd.f32 v14, v28  }
0xc4: {  	s23 =	simm.s32 $0x178C0;
	s19 =	simm.s32 $0x2;
	s18 =	simm.s32 $0x3;
	v21 =	vadd.f32 v30, v15;
	v14 =	vimm.f32 $-1.000000020e+30;
	v15 =	vimm.f32 $-1.000000020e+30  }
.LBB2_5:
0xc5: {  	p0 =	sne.s32 s24, $0x31;
	v30 =	vld [tilespmem:s22+$0x0];
	v26 =	vadd.f32 v27, v26;
	v23 =	vmul.f32 v23, v16;
	v22 =	vadd.f32 v22, v24;
	s25 =	sshrl.u32 s20, $0x4;
	s20 =	smov.u32 s21  }
0xc6: {  	s22 =	sadd.s32 $0x80, s22;
	s21 =	smov.u32 s19;
	v24 =	vadd.f32 v29, v28;
	v25 =	vmul.f32 v25, v12;
	v27 =	vld [tilespmem:s23+$0x10];
	v28 =	vsel vm0, v21, v13;
	p1 =	seq.s32 s25, $0x0  }
0xc7: {  	s19 =	smov.u32 s18;
	s18 =	smov.u32 s24;
	v29 =	vld [tilespmem:s22+$0xFFFFFFC0];
	v26 =	vadd.f32 v23, v26;
	v31 =	vperm.xlane v22, v1;
	v13 =	vpsel p1, v28, v13  }
0xc8: {  	v32 =	vsel vm0, v21, v14;
	p2 =	seq.s32 s25, $0x2;
	p3 =	seq.s32 s25, $0x3;
	v23 =	vsel vm0, v21, v20;
	p1 =	seq.s32 s25, $0x1;
	v21 =	vsel vm0, v21, v15;
	v28 =	vld [tilespmem:s22+$0xFFFFFFD0]  }
0xc9: {  	v14 =	vpsel p2, v32, v14;
	v20 =	vpsel p1, v23, v20;
	v15 =	vpsel p3, v21, v15;
	v33 =	vld [tilespmem:s23+$0x20]  }
0xca: {  	s25 =	sand.u32 $0xF, s20;
	v24 =	vadd.f32 v25, v24;
	v32 =	vperm.xlane v26, v3;
	v21 =	vld [tilespmem:s22+$0xFFFFFFE0];
	v30 =	vmul.f32 v30, v17  }
.Ltmp1:
0xcb: {  	v34 =	vmov s25;
	v31 =	vadd.f32 v22, v31;
	v27 =	vmul.f32 v27, v18;
	v23 =	vld [tilespmem:s23+$0x30];
	s23 =	smov.u32 s22;
	(pc) =	sbr.rel @p0 .LBB2_5-.Ltmp1, $4  }
0xcc: {  	v22 =	vadd.f32 v26, v32;
	v29 =	vmul.f32 v29, v10;
	v25 =	vld [tilespmem:s22+$0xFFFFFFF0];
	v24 =	vadd.f32 v30, v24  }
0xcd: {  	vm0 =	veq.s32 v34, v4;
	v30 =	vperm.xlane v31, v2;
	v28 =	vmul.f32 v28, v11  }
0xce: {  	v26 =	vadd.f32 v27, v24;
	v27 =	vmul.f32 v33, v19;
	v24 =	vperm.xlane v22, v0  }
0xcf: {  	s24 =	sadd.s32 $0x1, s24;
	v28 =	vadd.f32 v28, v29;
	v29 =	vmul.f32 v21, v9;
	v21 =	vadd.f32 v31, v30  }
0xd0: {  	v30 =	vld [tilespmem:s22+$0x0];
	_ =	sdelay $0x1  }
0xd1: {  	v31 =	vld [tilespmem:s23+$0x10]  }
0xd2: {  	v28 =	vadd.f32 v29, v28;
	v25 =	vmul.f32 v25, v12  }
0xd3: {  	v61 =	vld [tilespmem:s23+$0x20]  }
0xd4: {  	v25 =	vadd.f32 v25, v28;
	v62 =	vmul.f32 v30, v17  }
0xd5: {  	v26 =	vadd.f32 v27, v26;
	v63 =	vld [tilespmem:s23+$0x30]  }
0xd6: {  	v23 =	vmul.f32 v23, v16;
	v33 =	vmul.f32 v31, v18;
	v25 =	vadd.f32 v62, v25;
	_ =	sdelay $0x1  }
0xd7: {  	v23 =	vadd.f32 v23, v26;
	v34 =	vmul.f32 v61, v19;
	v25 =	vadd.f32 v33, v25;
	_ =	sdelay $0x1  }
0xd8: {  	v35 =	vperm.xlane v23, v3;
	v36 =	vmul.f32 v63, v16;
	v25 =	vadd.f32 v34, v25  }
0xd9: {  	v22 =	vadd.f32 v22, v24  }
0xda: {  	v23 =	vadd.f32 v23, v35;
	v37 =	vadd.f32 v36, v25  }
0xdb: {  	v38 =	vperm.xlane v22, v1  }
0xdc: {  	v39 =	vperm.xlane v23, v0;
	v40 =	vperm.xlane v37, v3  }
0xdd: {  	v41 =	vsel vm0, v21, v13;
	v22 =	vadd.f32 v22, v38  }
0xde: {  	v42 =	vsel vm0, v21, v20;
	v23 =	vadd.f32 v23, v39;
	v24 =	vadd.f32 v37, v40  }
0xdf: {  	s20 =	sshrl.u32 s20, $0x4;
	s23 =	sand.u32 $0xF, s21;
	v43 =	vsel vm0, v21, v14;
	v21 =	vsel vm0, v21, v15;
	v44 =	vperm.xlane v22, v2  }
0xe0: {  	s25 =	sand.u32 $0xF, s19;
	p0 =	seq.s32 s20, $0x0;
	v47 =	vmov s23;
	v45 =	vperm.xlane v23, v1;
	v46 =	vperm.xlane v24, v0  }
0xe1: {  	v50 =	vmov s25;
	v13 =	vpsel p0, v41, v13;
	v22 =	vadd.f32 v22, v44  }
0xe2: {  	s24 =	sshrl.u32 s21, $0x4;
	s28 =	sand.u32 $0xF, s18;
	p1 =	seq.s32 s20, $0x3;
	vm13 =	veq.s32 v47, v4;
	v23 =	vadd.f32 v23, v45;
	v24 =	vadd.f32 v24, v46  }
0xe3: {  	p4 =	seq.s32 s24, $0x0;
	v52 =	vmov s28;
	v15 =	vpsel p1, v21, v15;
	v21 =	vsel vm13, v22, v13  }
0xe4: {  	p2 =	seq.s32 s20, $0x1;
	p3 =	seq.s32 s20, $0x2;
	v13 =	vpsel p4, v21, v13;
	v21 =	vperm.xlane v23, v2;
	v48 =	vperm.xlane v24, v1  }
0xe5: {  	v20 =	vpsel p2, v42, v20;
	v14 =	vpsel p3, v43, v14;
	vm14 =	veq.s32 v50, v4  }
0xe6: {  	vm15 =	veq.s32 v52, v4;
	v21 =	vadd.f32 v23, v21;
	v23 =	vadd.f32 v24, v48  }
0xe7: {  	p5 =	seq.s32 s24, $0x1;
	p6 =	seq.s32 s24, $0x2;
	v49 =	vsel vm13, v22, v20;
	v27 =	vsel vm13, v22, v14;
	v22 =	vsel vm13, v22, v15  }
0xe8: {  	s26 =	sshrl.u32 s19, $0x4;
	p2 =	seq.s32 s24, $0x3;
	v20 =	vpsel p5, v49, v20;
	v14 =	vpsel p6, v27, v14;
	v24 =	vperm.xlane v23, v2  }
0xe9: {  	p3 =	seq.s32 s26, $0x0;
	v15 =	vpsel p2, v22, v15;
	v22 =	vsel vm14, v21, v13;
	v51 =	vsel vm14, v21, v14  }
0xea: {  	p4 =	seq.s32 s26, $0x1;
	p5 =	seq.s32 s26, $0x2;
	v13 =	vpsel p3, v22, v13;
	v22 =	vsel vm14, v21, v20;
	v23 =	vadd.f32 v23, v24  }
0xeb: {  	s29 =	sshrl.u32 s18, $0x4;
	p6 =	seq.s32 s26, $0x3;
	v21 =	vsel vm14, v21, v15;
	v14 =	vpsel p5, v51, v14;
	v20 =	vpsel p4, v22, v20  }
0xec: {  	p3 =	seq.s32 s29, $0x0;
	v15 =	vpsel p6, v21, v15;
	p4 =	seq.s32 s29, $0x1;
	v21 =	vsel vm15, v23, v13;
	v22 =	vsel vm15, v23, v20  }
0xed: {  	p5 =	seq.s32 s29, $0x2;
	v13 =	vpsel p3, v21, v13;
	v21 =	vsel vm15, v23, v14;
	v20 =	vpsel p4, v22, v20  }
0xee: {  	p6 =	seq.s32 s29, $0x3;
	v22 =	vsel vm15, v23, v15;
	v14 =	vpsel p5, v21, v14;
	v21 =	vmax.f32 v13, v20  }
0xef: {  	v15 =	vpsel p6, v22, v15;
	v21 =	vmax.f32 v21, v14  }
0xf0: {  	v21 =	vmax.f32 v21, v15  }
0xf1: {  	v22 =	vperm.xlane v21, v3;
	_ =	sdelay $0x1  }
0xf2: {  	v21 =	vmax.f32 v21, v22  }
0xf3: {  	v22 =	vperm.xlane v21, v5;
	_ =	sdelay $0x1  }
0xf4: {  	v21 =	vmax.f32 v21, v22  }
0xf5: {  	v22 =	vperm.xlane v21, v6;
	_ =	sdelay $0x1  }
0xf6: {  	v21 =	vmax.f32 v21, v22  }
0xf7: {  	v22 =	vperm.xlane v21, v7;
	_ =	sdelay $0x1  }
0xf8: {  	v21 =	vmax.f32 v21, v22  }
0xf9: {  	v13 =	vsub.f32 v13, v21  }
0xfa: {  	v20 =	vsub.f32 v20, v21  }
0xfb: {  	v13 =	vmul.f32 $1.442695020e+00, v13  }
0xfc: {  	v14 =	vsub.f32 v14, v21;
	v20 =	vmul.f32 $1.442695020e+00, v20  }
0xfd: {  	(erf) = vpow2.f32 v13  }
0xfe: {  	v13 =	vmul.f32 $1.442695020e+00, v14;
	v14 =	vsub.f32 v15, v21;
	(erf) = vpow2.f32 v20;
	_ =	sdelay $0x1  }
0xff: {  	(erf) = vpow2.f32 v13;
	v13 =	vmul.f32 $1.442695020e+00, v14;
	_ =	sdelay $0x1  }
0x100: {  	(erf) = vpow2.f32 v13;
	_ =	sdelay $0x3  }
0x101: {  	v13 =	vpop (erf)  }
0x102: {  	v14 =	vpop (erf)  }
0x103: {  	v15 =	vadd.f32 v14, v13  }
0x104: {  	v20 =	vpop (erf)  }
0x105: {  	v15 =	vadd.f32 v15, v20  }
0x106: {  	v21 =	vpop (erf)  }
0x107: {  	v15 =	vadd.f32 v15, v21;
	_ =	sdelay $0x1  }
0x108: {  	v22 =	vperm.xlane v15, v3;
	_ =	sdelay $0x1  }
0x109: {  	v15 =	vadd.f32 v15, v22;
	_ =	sdelay $0x1  }
0x10a: {  	v22 =	vperm.xlane v15, v5;
	_ =	sdelay $0x1  }
0x10b: {  	v15 =	vadd.f32 v15, v22;
	_ =	sdelay $0x1  }
0x10c: {  	v22 =	vperm.xlane v15, v6;
	_ =	sdelay $0x1  }
0x10d: {  	v15 =	vadd.f32 v15, v22;
	_ =	sdelay $0x1  }
0x10e: {  	v22 =	vperm.xlane v15, v7;
	_ =	sdelay $0x1  }
0x10f: {  	v15 =	vadd.f32 v15, v22;
	_ =	sdelay $0x1  }
0x110: {  	(erf) = vrcp.f32 v15;
	_ =	sdelay $0x8  }
0x111: {  	v15 =	vpop (erf)  }
0x112: {  	v13 =	vmul.f32 v15, v13  }
0x113: {  	v14 =	vmul.f32 v15, v14  }
0x114: {  	[tilespmem:$0x19300] =	vst v13;
	v13 =	vmul.f32 v15, v20  }
0x115: {  	[tilespmem:$0x19310] =	vst v14;
	v14 =	vmul.f32 v15, v21  }
0x116: {  	s18 =	sadd.s32 $0x1, s17;
	[tilespmem:$0x19320] =	vst v13  }
0x117: {  	s30 =	smin.u32 s18, $0x1F;
	[tilespmem:$0x19330] =	vst v14  }
0x118: {  	s19 =	smul.u32 $0x960, s30;
	_ =	swait.ge [sflag:s13], $0x6400  }
0x119: {  	[sflag:s13] =	ssyncset.done $0x0  }
0x11a: {  	s22 =	simm.s32 $0xB000;
	s19 =	sshrl.u32 s19, $0x2;
	[sflag:s13] =	ssyncadd.s32 $0xFFFF9C00  }
0x11b: {  	[tilespmem:s9], [sflag:$0x1] =	stream.indirect.gather [hbm4b:s1+s8], $0x80, s19, s8, $0xb8;
	[tilespmem:$0x1A380] =	vst v63  }
0x11c: {  	v13 =	vld [tilespmem:s22+$0xFFFFFF00]  }
0x11d: {  	v14 =	vld [tilespmem:s22+$0xFFFFFF80];
	_ =	sdelay $0x1  }
0x11e: {  	v15 =	vld [tilespmem:s22+$0x0];
	_ =	sdelay $0x1  }
0x11f: {  	v20 =	vld [tilespmem:s22+$0x80]  }
0x120: {  	v13 =	vadd.f32 v14, v13;
	_ =	sdelay $0x1  }
0x121: {  	v13 =	vadd.f32 v15, v13;
	_ =	sdelay $0x1  }
0x122: {  	v13 =	vadd.f32 v20, v13  }
0x123: {  	s31 =	simm.s32 $0x0;
	s21 =	simm.s32 $0x17740  }
0x124: {  	v14 =	vld [tilespmem:s31+$0x19300];
	[tilespmem:s21+$0xFFFFFFC0] =	vst v13  }
0x125: {  	v15 =	vld [tilespmem:s22+$0xFFFFFF10]  }
0x126: {  	v20 =	vld [tilespmem:s22+$0xFFFFFF90];
	_ =	sdelay $0x1  }
0x127: {  	v21 =	vld [tilespmem:s22+$0x10];
	_ =	sdelay $0x1  }
0x128: {  	v22 =	vld [tilespmem:s22+$0x90]  }
0x129: {  	v15 =	vadd.f32 v20, v15;
	_ =	sdelay $0x1  }
0x12a: {  	v15 =	vadd.f32 v21, v15;
	_ =	sdelay $0x1  }
0x12b: {  	v15 =	vadd.f32 v22, v15;
	_ =	sdelay $0x1  }
0x12c: {  	[tilespmem:s21+$0xFFFFFFD0] =	vst v15  }
0x12d: {  	v20 =	vld [tilespmem:s22+$0xFFFFFF20]  }
0x12e: {  	v21 =	vld [tilespmem:s22+$0xFFFFFFA0];
	_ =	sdelay $0x1  }
0x12f: {  	v22 =	vld [tilespmem:s22+$0x20];
	_ =	sdelay $0x1  }
0x130: {  	v23 =	vld [tilespmem:s22+$0xA0]  }
0x131: {  	v20 =	vadd.f32 v21, v20;
	_ =	sdelay $0x1  }
0x132: {  	v20 =	vadd.f32 v22, v20;
	_ =	sdelay $0x1  }
0x133: {  	v21 =	vadd.f32 v23, v20;
	_ =	sdelay $0x1  }
0x134: {  	[tilespmem:s21+$0xFFFFFFE0] =	vst v21  }
0x135: {  	v20 =	vld [tilespmem:s22+$0xFFFFFF30]  }
0x136: {  	v22 =	vld [tilespmem:s22+$0xFFFFFFB0];
	_ =	sdelay $0x1  }
0x137: {  	v23 =	vld [tilespmem:s22+$0x30];
	_ =	sdelay $0x1  }
0x138: {  	v53 =	vld [tilespmem:s22+$0xB0]  }
0x139: {  	v20 =	vadd.f32 v22, v20;
	_ =	sdelay $0x1  }
0x13a: {  	v20 =	vadd.f32 v23, v20;
	_ =	sdelay $0x1  }
0x13b: {  	v22 =	vadd.f32 v53, v20;
	_ =	sdelay $0x1  }
0x13c: {  	[tilespmem:s21+$0xFFFFFFF0] =	vst v22  }
0x13d: {  	v20 =	vld [tilespmem:s22+$0xFFFFFF40]  }
0x13e: {  	v23 =	vld [tilespmem:s22+$0xFFFFFFC0];
	_ =	sdelay $0x1  }
0x13f: {  	v54 =	vld [tilespmem:s22+$0x40];
	_ =	sdelay $0x1  }
0x140: {  	v55 =	vld [tilespmem:s22+$0xC0]  }
0x141: {  	v20 =	vadd.f32 v23, v20;
	_ =	sdelay $0x1  }
0x142: {  	v20 =	vadd.f32 v54, v20;
	_ =	sdelay $0x1  }
0x143: {  	v23 =	vadd.f32 v55, v20;
	_ =	sdelay $0x1  }
0x144: {  	[tilespmem:s21+$0x0] =	vst v23  }
0x145: {  	v20 =	vld [tilespmem:s22+$0xFFFFFF50]  }
0x146: {  	v56 =	vld [tilespmem:s22+$0xFFFFFFD0];
	_ =	sdelay $0x1  }
0x147: {  	v57 =	vld [tilespmem:s22+$0x50];
	_ =	sdelay $0x1  }
0x148: {  	v58 =	vld [tilespmem:s22+$0xD0]  }
0x149: {  	v20 =	vadd.f32 v56, v20;
	_ =	sdelay $0x1  }
0x14a: {  	v20 =	vadd.f32 v57, v20;
	_ =	sdelay $0x1  }
0x14b: {  	v59 =	vadd.f32 v58, v20;
	_ =	sdelay $0x1  }
0x14c: {  	[tilespmem:s21+$0x10] =	vst v59  }
0x14d: {  	v20 =	vld [tilespmem:s22+$0xFFFFFF60]  }
0x14e: {  	v60 =	vld [tilespmem:s22+$0xFFFFFFE0];
	_ =	sdelay $0x1  }
0x14f: {  	v61 =	vld [tilespmem:s22+$0x60];
	_ =	sdelay $0x1  }
0x150: {  	v62 =	vld [tilespmem:s22+$0xE0]  }
0x151: {  	v20 =	vadd.f32 v60, v20;
	_ =	sdelay $0x1  }
0x152: {  	v25 =	vadd.f32 v61, v20  }
0x153: {  	v20 =	vperm.xlane v14, v8  }
0x154: {  	v25 =	vadd.f32 v62, v25  }
0x155: {  	v13 =	vmul.f32 v13, v20;
	v15 =	vmul.f32 v15, v20  }
0x156: {  	v22 =	vmul.f32 v22, v20;
	v63 =	vmul.f32 v21, v20;
	[tilespmem:s21+$0x20] =	vst v25  }
0x157: {  	v14 =	vadd.f32 v13, v10;
	v13 =	vadd.f32 v15, v11;
	v11 =	vmul.f32 v23, v20;
	v21 =	vld [tilespmem:s22+$0xFFFFFF70]  }
0x158: {  	v10 =	vadd.f32 v22, v12;
	v12 =	vmul.f32 v59, v20;
	v23 =	vmul.f32 v25, v20;
	v22 =	vld [tilespmem:s22+$0xFFFFFFF0]  }
0x159: {  	s20 =	simm.s32 $0x0;
	v15 =	vadd.f32 v63, v9;
	v11 =	vadd.f32 v11, v17;
	v17 =	vld [tilespmem:s22+$0x70]  }
0x15a: {  	s23 =	simm.s32 $0x4;
	s25 =	simm.s32 $0x17740;
	s24 =	simm.s32 $0x17740;
	v12 =	vadd.f32 v12, v18;
	v9 =	vadd.f32 v23, v19;
	v18 =	vld [tilespmem:s22+$0xF0]  }
.LBB2_7:
0x15b: {  	_ =	sdelay $0x1  }
0x15c: {  	p0 =	sne.s32 s23, $0xC4;
	s25 =	sadd.s32 $0x80, s25;
	s22 =	sadd.s32 $0x200, s22;
	v19 =	vadd.f32 v22, v21  }
0x15d: {  	s26 =	smov.u32 s23;
	s23 =	sadd.s32 $0x4, s23  }
0x15e: {  	v17 =	vadd.f32 v17, v19;
	_ =	sdelay $0x1  }
0x15f: {  	v17 =	vadd.f32 v18, v17;
	_ =	sdelay $0x1  }
0x160: {  	[tilespmem:s24+$0x30] =	vst v17;
	v17 =	vmul.f32 v17, v20;
	s24 =	smov.u32 s25  }
0x161: {  	v18 =	vld [tilespmem:s22+$0xFFFFFF00]  }
0x162: {  	v19 =	vld [tilespmem:s22+$0xFFFFFF80];
	v16 =	vadd.f32 v17, v16  }
0x163: {  	v17 =	vld [tilespmem:s22+$0x0];
	_ =	sdelay $0x2  }
0x164: {  	v20 =	vld [tilespmem:s22+$0x80]  }
0x165: {  	v18 =	vadd.f32 v19, v18;
	_ =	sdelay $0x1  }
0x166: {  	v17 =	vadd.f32 v17, v18;
	_ =	sdelay $0x1  }
0x167: {  	s26 =	sshra.s32 s26, $0x2;
	v17 =	vadd.f32 v20, v17  }
0x168: {  	v18 =	vld [tilespmem:s26+$0x19300]  }
0x169: {  	[tilespmem:s25+$0xFFFFFFC0] =	vst v17  }
0x16a: {  	v19 =	vld [tilespmem:s22+$0xFFFFFF10]  }
0x16b: {  	v20 =	vld [tilespmem:s22+$0xFFFFFF90];
	_ =	sdelay $0x1  }
0x16c: {  	v21 =	vld [tilespmem:s22+$0x10];
	_ =	sdelay $0x1  }
0x16d: {  	v22 =	vld [tilespmem:s22+$0x90]  }
0x16e: {  	v19 =	vadd.f32 v20, v19;
	_ =	sdelay $0x1  }
0x16f: {  	v19 =	vadd.f32 v21, v19;
	_ =	sdelay $0x1  }
0x170: {  	v19 =	vadd.f32 v22, v19;
	_ =	sdelay $0x1  }
0x171: {  	[tilespmem:s25+$0xFFFFFFD0] =	vst v19  }
0x172: {  	v20 =	vld [tilespmem:s22+$0xFFFFFF20]  }
0x173: {  	v21 =	vld [tilespmem:s22+$0xFFFFFFA0];
	_ =	sdelay $0x1  }
0x174: {  	v22 =	vld [tilespmem:s22+$0x20];
	_ =	sdelay $0x1  }
0x175: {  	v23 =	vld [tilespmem:s22+$0xA0]  }
0x176: {  	v20 =	vadd.f32 v21, v20;
	_ =	sdelay $0x1  }
0x177: {  	v20 =	vadd.f32 v22, v20;
	_ =	sdelay $0x1  }
0x178: {  	v21 =	vadd.f32 v23, v20;
	_ =	sdelay $0x1  }
0x179: {  	[tilespmem:s25+$0xFFFFFFE0] =	vst v21  }
0x17a: {  	v20 =	vld [tilespmem:s22+$0xFFFFFF30]  }
0x17b: {  	v22 =	vld [tilespmem:s22+$0xFFFFFFB0];
	_ =	sdelay $0x1  }
0x17c: {  	v23 =	vld [tilespmem:s22+$0x30];
	_ =	sdelay $0x1  }
0x17d: {  	v24 =	vld [tilespmem:s22+$0xB0]  }
0x17e: {  	v20 =	vadd.f32 v22, v20;
	_ =	sdelay $0x1  }
0x17f: {  	v22 =	vadd.f32 v23, v20;
	_ =	sdelay $0x1  }
0x180: {  	v20 =	vperm.xlane v18, v8;
	v18 =	vadd.f32 v24, v22;
	_ =	sdelay $0x1  }
0x181: {  	v17 =	vmul.f32 v17, v20;
	[tilespmem:s25+$0xFFFFFFF0] =	vst v18;
	v18 =	vmul.f32 v18, v20  }
0x182: {  	v19 =	vmul.f32 v19, v20;
	v21 =	vmul.f32 v21, v20;
	v22 =	vld [tilespmem:s22+$0xFFFFFF40]  }
0x183: {  	v14 =	vadd.f32 v17, v14;
	v17 =	vld [tilespmem:s22+$0xFFFFFFC0]  }
0x184: {  	v13 =	vadd.f32 v19, v13;
	v10 =	vadd.f32 v18, v10  }
0x185: {  	v15 =	vadd.f32 v21, v15;
	v18 =	vld [tilespmem:s22+$0x40];
	_ =	sdelay $0x1  }
0x186: {  	v19 =	vld [tilespmem:s22+$0xC0]  }
0x187: {  	v17 =	vadd.f32 v17, v22;
	_ =	sdelay $0x1  }
0x188: {  	v17 =	vadd.f32 v18, v17;
	_ =	sdelay $0x1  }
0x189: {  	v17 =	vadd.f32 v19, v17;
	_ =	sdelay $0x1  }
0x18a: {  	[tilespmem:s25+$0x0] =	vst v17;
	v17 =	vmul.f32 v17, v20  }
0x18b: {  	v18 =	vld [tilespmem:s22+$0xFFFFFF50]  }
0x18c: {  	v11 =	vadd.f32 v17, v11;
	v17 =	vld [tilespmem:s22+$0xFFFFFFD0]  }
0x18d: {  	v19 =	vld [tilespmem:s22+$0x50]  }
0x18e: {  	v21 =	vld [tilespmem:s22+$0xD0];
	_ =	sdelay $0x2  }
0x18f: {  	v17 =	vadd.f32 v17, v18;
	_ =	sdelay $0x1  }
0x190: {  	v17 =	vadd.f32 v19, v17;
	_ =	sdelay $0x1  }
0x191: {  	v17 =	vadd.f32 v21, v17;
	_ =	sdelay $0x1  }
0x192: {  	[tilespmem:s25+$0x10] =	vst v17;
	v17 =	vmul.f32 v17, v20  }
0x193: {  	v18 =	vld [tilespmem:s22+$0xFFFFFF60]  }
0x194: {  	v12 =	vadd.f32 v17, v12;
	v17 =	vld [tilespmem:s22+$0xFFFFFFE0]  }
0x195: {  	v19 =	vld [tilespmem:s22+$0x60]  }
0x196: {  	v21 =	vld [tilespmem:s22+$0xE0];
	_ =	sdelay $0x2  }
0x197: {  	v17 =	vadd.f32 v17, v18;
	_ =	sdelay $0x1  }
0x198: {  	v17 =	vadd.f32 v19, v17;
	_ =	sdelay $0x1  }
0x199: {  	v17 =	vadd.f32 v21, v17;
	_ =	sdelay $0x1  }
.Ltmp2:
0x19a: {  	[tilespmem:s25+$0x20] =	vst v17;
	v17 =	vmul.f32 v17, v20;
	(pc) =	sbr.rel @p0 .LBB2_7-.Ltmp2, $4  }
0x19b: {  	v21 =	vld [tilespmem:s22+$0xFFFFFF70]  }
0x19c: {  	v9 =	vadd.f32 v17, v9;
	v22 =	vld [tilespmem:s22+$0xFFFFFFF0]  }
0x19d: {  	v17 =	vld [tilespmem:s22+$0x70]  }
0x19e: {  	v18 =	vld [tilespmem:s22+$0xF0]  }
0x19f: {  	_ =	sdelay $0x1  }
0x1a0: {  	v19 =	vadd.f32 v22, v21;
	_ =	sdelay $0x1  }
0x1a1: {  	v17 =	vadd.f32 v17, v19;
	_ =	sdelay $0x1  }
0x1a2: {  	v17 =	vadd.f32 v18, v17;
	_ =	sdelay $0x1  }
0x1a3: {  	[tilespmem:s24+$0x30] =	vst v17  }
0x1a4: {  	v18 =	vld [tilespmem:s21+$0xFFFFFFC0]  }
0x1a5: {  	v19 =	vld [tilespmem:s21+$0xFFFFFFD0];
	_ =	sdelay $0x1  }
0x1a6: {  	v21 =	vld [tilespmem:s21+$0xFFFFFFE0];
	_ =	sdelay $0x1  }
0x1a7: {  	v22 =	vld [tilespmem:s21+$0xFFFFFFF0]  }
0x1a8: {  	v18 =	vmul.f32 v18, v14;
	v19 =	vmul.f32 v19, v13  }
0x1a9: {  	s22 =	simm.s32 $0x177C0;
	v23 =	vld [tilespmem:s21+$0x0]  }
0x1aa: {  	v24 =	vld [tilespmem:s22+$0xFFFFFFC0];
	v18 =	vadd.f32 v19, v18;
	v19 =	vmul.f32 v21, v15  }
0x1ab: {  	v21 =	vld [tilespmem:s21+$0x10]  }
0x1ac: {  	v18 =	vadd.f32 v19, v18;
	v19 =	vmul.f32 v22, v10;
	v22 =	vld [tilespmem:s22+$0xFFFFFFD0]  }
0x1ad: {  	v25 =	vld [tilespmem:s21+$0x20]  }
0x1ae: {  	v26 =	vld [tilespmem:s22+$0xFFFFFFE0];
	v18 =	vadd.f32 v19, v18;
	v19 =	vmul.f32 v23, v11  }
0x1af: {  	v23 =	vld [tilespmem:s21+$0x30]  }
0x1b0: {  	v17 =	vmul.f32 v17, v20;
	v20 =	vmul.f32 v21, v12;
	v21 =	vld [tilespmem:s22+$0xFFFFFFF0];
	v18 =	vadd.f32 v19, v18  }
0x1b1: {  	v19 =	vmul.f32 v24, v14;
	v22 =	vmul.f32 v22, v13  }
0x1b2: {  	v16 =	vadd.f32 v17, v16;
	v17 =	vadd.f32 v20, v18;
	v18 =	vmul.f32 v25, v9;
	v20 =	vld [tilespmem:s22+$0x0]  }
0x1b3: {  	s30 =	simm.s32 $0x17840;
	v24 =	vld [tilespmem:s22+$0x10];
	v19 =	vadd.f32 v22, v19;
	v22 =	vmul.f32 v26, v15  }
0x1b4: {  	v17 =	vadd.f32 v18, v17;
	v18 =	vmul.f32 v23, v16;
	v23 =	vld [tilespmem:s30+$0xFFFFFFC0]  }
0x1b5: {  	v21 =	vmul.f32 v21, v10;
	v19 =	vadd.f32 v22, v19;
	v22 =	vld [tilespmem:s30+$0xFFFFFFD0]  }
0x1b6: {  	v17 =	vadd.f32 v18, v17  }
0x1b7: {  	v18 =	vld [tilespmem:s22+$0x20];
	v19 =	vadd.f32 v21, v19;
	v20 =	vmul.f32 v20, v11  }
0x1b8: {  	v25 =	vld [tilespmem:s30+$0xFFFFFFE0];
	v21 =	vperm.xlane v17, v3  }
0x1b9: {  	v26 =	vld [tilespmem:s22+$0x30];
	v24 =	vmul.f32 v24, v12;
	v19 =	vadd.f32 v20, v19  }
0x1ba: {  	v20 =	vmul.f32 v23, v14;
	v23 =	vld [tilespmem:s30+$0xFFFFFFF0];
	v17 =	vadd.f32 v17, v21;
	v21 =	vmul.f32 v22, v13  }
0x1bb: {  	v27 =	vld [tilespmem:s30+$0x20]  }
0x1bc: {  	s24 =	simm.s32 $0x178C0;
	v19 =	vadd.f32 v24, v19;
	v18 =	vmul.f32 v18, v9;
	v20 =	vadd.f32 v21, v20;
	v21 =	vld [tilespmem:s30+$0x0]  }
0x1bd: {  	v29 =	vld [tilespmem:s24+$0xFFFFFFE0];
	v24 =	vmul.f32 v25, v15  }
0x1be: {  	v25 =	vld [tilespmem:s30+$0x10];
	v22 =	vperm.xlane v17, v0;
	v18 =	vadd.f32 v18, v19;
	v19 =	vmul.f32 v26, v16  }
0x1bf: {  	v26 =	vld [tilespmem:s24+$0xFFFFFFC0];
	v20 =	vadd.f32 v24, v20;
	v23 =	vmul.f32 v23, v10  }
0x1c0: {  	v22 =	vadd.f32 v17, v22;
	v18 =	vadd.f32 v19, v18;
	v19 =	vld [tilespmem:s24+$0xFFFFFFD0]  }
0x1c1: {  	v27 =	vmul.f32 v27, v9;
	v20 =	vadd.f32 v23, v20;
	v21 =	vmul.f32 v21, v11  }
0x1c2: {  	v24 =	vperm.xlane v22, v1;
	v23 =	vperm.xlane v18, v3  }
0x1c3: {  	s31 =	sand.u32 $0xF, s20;
	v29 =	vmul.f32 v29, v15;
	v25 =	vmul.f32 v25, v12;
	v20 =	vadd.f32 v21, v20  }
0x1c4: {  	v30 =	vadd.f32 v22, v24;
	v24 =	vmov s31;
	v22 =	vadd.f32 v18, v23;
	v23 =	vld [tilespmem:s30+$0x30]  }
0x1c5: {  	v28 =	vmul.f32 v26, v14;
	v18 =	vmul.f32 v19, v13;
	v26 =	vadd.f32 v25, v20;
	v25 =	vld [tilespmem:s24+$0xFFFFFFF0]  }
0x1c6: {  	v17 =	vimm.f32 $-1.000000020e+30;
	vm0 =	veq.s32 v24, v4;
	v19 =	vperm.xlane v30, v2  }
0x1c7: {  	s23 =	simm.s32 $0x1;
	s26 =	simm.s32 $0x4;
	v24 =	vperm.xlane v22, v0;
	v20 =	vimm.f32 $-1.000000020e+30;
	v28 =	vadd.f32 v18, v28  }
0x1c8: {  	s25 =	simm.s32 $0x178C0;
	s21 =	simm.s32 $0x3;
	s22 =	simm.s32 $0x2;
	v21 =	vadd.f32 v30, v19;
	v18 =	vimm.f32 $-1.000000020e+30;
	v19 =	vimm.f32 $-1.000000020e+30  }
.LBB2_9:
0x1c9: {  	p0 =	sne.s32 s26, $0x31;
	v30 =	vld [tilespmem:s24+$0x0];
	v26 =	vadd.f32 v27, v26;
	v23 =	vmul.f32 v23, v16;
	v22 =	vadd.f32 v22, v24;
	s28 =	sshrl.u32 s20, $0x4;
	s20 =	smov.u32 s23  }
0x1ca: {  	s24 =	sadd.s32 $0x80, s24;
	s23 =	smov.u32 s22;
	v24 =	vadd.f32 v29, v28;
	v25 =	vmul.f32 v25, v10;
	v27 =	vld [tilespmem:s25+$0x10];
	v28 =	vsel vm0, v21, v17;
	p1 =	seq.s32 s28, $0x0  }
0x1cb: {  	s22 =	smov.u32 s21;
	s21 =	smov.u32 s26;
	v29 =	vld [tilespmem:s24+$0xFFFFFFC0];
	v26 =	vadd.f32 v23, v26;
	v31 =	vperm.xlane v22, v1;
	v17 =	vpsel p1, v28, v17  }
0x1cc: {  	v32 =	vsel vm0, v21, v18;
	p2 =	seq.s32 s28, $0x2;
	p3 =	seq.s32 s28, $0x3;
	v23 =	vsel vm0, v21, v20;
	p1 =	seq.s32 s28, $0x1;
	v21 =	vsel vm0, v21, v19;
	v28 =	vld [tilespmem:s24+$0xFFFFFFD0]  }
0x1cd: {  	v18 =	vpsel p2, v32, v18;
	v20 =	vpsel p1, v23, v20;
	v19 =	vpsel p3, v21, v19;
	v33 =	vld [tilespmem:s25+$0x20]  }
0x1ce: {  	s28 =	sand.u32 $0xF, s20;
	v24 =	vadd.f32 v25, v24;
	v32 =	vperm.xlane v26, v3;
	v21 =	vld [tilespmem:s24+$0xFFFFFFE0];
	v30 =	vmul.f32 v30, v11  }
.Ltmp3:
0x1cf: {  	v34 =	vmov s28;
	v31 =	vadd.f32 v22, v31;
	v27 =	vmul.f32 v27, v12;
	v23 =	vld [tilespmem:s25+$0x30];
	s25 =	smov.u32 s24;
	(pc) =	sbr.rel @p0 .LBB2_9-.Ltmp3, $4  }
0x1d0: {  	v22 =	vadd.f32 v26, v32;
	v29 =	vmul.f32 v29, v14;
	v25 =	vld [tilespmem:s24+$0xFFFFFFF0];
	v24 =	vadd.f32 v30, v24  }
0x1d1: {  	vm0 =	veq.s32 v34, v4;
	v30 =	vperm.xlane v31, v2;
	v28 =	vmul.f32 v28, v13  }
0x1d2: {  	v26 =	vadd.f32 v27, v24;
	v27 =	vmul.f32 v33, v9;
	v24 =	vperm.xlane v22, v0  }
0x1d3: {  	s26 =	sadd.s32 $0x1, s26;
	v28 =	vadd.f32 v28, v29;
	v29 =	vmul.f32 v21, v15;
	v21 =	vadd.f32 v31, v30  }
0x1d4: {  	v30 =	vld [tilespmem:s24+$0x0];
	_ =	sdelay $0x1  }
0x1d5: {  	v31 =	vld [tilespmem:s25+$0x10]  }
0x1d6: {  	v28 =	vadd.f32 v29, v28;
	v25 =	vmul.f32 v25, v10  }
0x1d7: {  	v29 =	vld [tilespmem:s25+$0x20]  }
0x1d8: {  	v25 =	vadd.f32 v25, v28;
	v28 =	vmul.f32 v30, v11  }
0x1d9: {  	v26 =	vadd.f32 v27, v26;
	v27 =	vld [tilespmem:s25+$0x30]  }
0x1da: {  	v23 =	vmul.f32 v23, v16;
	v30 =	vmul.f32 v31, v12;
	v25 =	vadd.f32 v28, v25;
	_ =	sdelay $0x1  }
0x1db: {  	v23 =	vadd.f32 v23, v26;
	v26 =	vmul.f32 v29, v9;
	v25 =	vadd.f32 v30, v25;
	_ =	sdelay $0x1  }
0x1dc: {  	v28 =	vperm.xlane v23, v3;
	v25 =	vadd.f32 v26, v25;
	v26 =	vmul.f32 v27, v16  }
0x1dd: {  	v22 =	vadd.f32 v22, v24  }
0x1de: {  	v23 =	vadd.f32 v23, v28;
	v24 =	vadd.f32 v26, v25  }
0x1df: {  	v25 =	vperm.xlane v22, v1  }
0x1e0: {  	s20 =	sshrl.u32 s20, $0x4;
	v26 =	vperm.xlane v23, v0;
	v27 =	vperm.xlane v24, v3  }
0x1e1: {  	p0 =	seq.s32 s20, $0x0;
	v28 =	vsel vm0, v21, v17;
	v22 =	vadd.f32 v22, v25  }
0x1e2: {  	v17 =	vpsel p0, v28, v17;
	v23 =	vadd.f32 v23, v26;
	v24 =	vadd.f32 v24, v27  }
0x1e3: {  	v25 =	vsel vm0, v21, v20;
	v26 =	vsel vm0, v21, v18;
	v27 =	vperm.xlane v22, v2  }
0x1e4: {  	s31 =	sand.u32 $0xF, s23;
	p2 =	seq.s32 s20, $0x1;
	v21 =	vsel vm0, v21, v19;
	v28 =	vperm.xlane v23, v1;
	v29 =	vperm.xlane v24, v0  }
0x1e5: {  	v20 =	vpsel p2, v25, v20;
	v25 =	vmov s31;
	v22 =	vadd.f32 v22, v27  }
0x1e6: {  	s24 =	sshrl.u32 s23, $0x4;
	p1 =	seq.s32 s20, $0x3;
	s25 =	sand.u32 $0xF, s22;
	vm13 =	veq.s32 v25, v4;
	v23 =	vadd.f32 v23, v28;
	v24 =	vadd.f32 v24, v29  }
0x1e7: {  	p4 =	seq.s32 s24, $0x0;
	v19 =	vpsel p1, v21, v19;
	v28 =	vmov s25;
	v21 =	vsel vm13, v22, v17  }
0x1e8: {  	p3 =	seq.s32 s20, $0x2;
	v17 =	vpsel p4, v21, v17;
	v21 =	vperm.xlane v23, v2;
	v25 =	vperm.xlane v24, v1  }
0x1e9: {  	v18 =	vpsel p3, v26, v18;
	vm14 =	veq.s32 v28, v4;
	v26 =	vsel vm13, v22, v20  }
0x1ea: {  	p5 =	seq.s32 s24, $0x1;
	p6 =	seq.s32 s24, $0x2;
	v27 =	vsel vm13, v22, v18;
	v21 =	vadd.f32 v23, v21;
	v23 =	vadd.f32 v24, v25  }
0x1eb: {  	s28 =	sand.u32 $0xF, s21;
	p2 =	seq.s32 s24, $0x3;
	v22 =	vsel vm13, v22, v19;
	v20 =	vpsel p5, v26, v20;
	v18 =	vpsel p6, v27, v18  }
0x1ec: {  	s26 =	sshrl.u32 s22, $0x4;
	v19 =	vpsel p2, v22, v19;
	v26 =	vmov s28;
	v24 =	vperm.xlane v23, v2  }
0x1ed: {  	p3 =	seq.s32 s26, $0x0;
	vm15 =	veq.s32 v26, v4;
	v22 =	vsel vm14, v21, v17;
	v25 =	vsel vm14, v21, v18  }
0x1ee: {  	p4 =	seq.s32 s26, $0x1;
	p5 =	seq.s32 s26, $0x2;
	v17 =	vpsel p3, v22, v17;
	v22 =	vsel vm14, v21, v20;
	v23 =	vadd.f32 v23, v24  }
0x1ef: {  	s29 =	sshrl.u32 s21, $0x4;
	p6 =	seq.s32 s26, $0x3;
	v21 =	vsel vm14, v21, v19;
	v18 =	vpsel p5, v25, v18;
	v20 =	vpsel p4, v22, v20  }
0x1f0: {  	p3 =	seq.s32 s29, $0x0;
	v19 =	vpsel p6, v21, v19;
	p4 =	seq.s32 s29, $0x1;
	v21 =	vsel vm15, v23, v17;
	v22 =	vsel vm15, v23, v20  }
0x1f1: {  	p5 =	seq.s32 s29, $0x2;
	v17 =	vpsel p3, v21, v17;
	v21 =	vsel vm15, v23, v18;
	v20 =	vpsel p4, v22, v20  }
0x1f2: {  	p6 =	seq.s32 s29, $0x3;
	v22 =	vsel vm15, v23, v19;
	v18 =	vpsel p5, v21, v18;
	v21 =	vmax.f32 v17, v20  }
0x1f3: {  	v19 =	vpsel p6, v22, v19;
	v21 =	vmax.f32 v21, v18  }
0x1f4: {  	v21 =	vmax.f32 v21, v19  }
0x1f5: {  	v22 =	vperm.xlane v21, v3;
	_ =	sdelay $0x1  }
0x1f6: {  	v21 =	vmax.f32 v21, v22  }
0x1f7: {  	v22 =	vperm.xlane v21, v5;
	_ =	sdelay $0x1  }
0x1f8: {  	v21 =	vmax.f32 v21, v22  }
0x1f9: {  	v22 =	vperm.xlane v21, v6;
	_ =	sdelay $0x1  }
0x1fa: {  	v21 =	vmax.f32 v21, v22  }
0x1fb: {  	v22 =	vperm.xlane v21, v7;
	_ =	sdelay $0x1  }
0x1fc: {  	v21 =	vmax.f32 v21, v22  }
0x1fd: {  	v17 =	vsub.f32 v17, v21  }
0x1fe: {  	v20 =	vsub.f32 v20, v21  }
0x1ff: {  	v17 =	vmul.f32 $1.442695020e+00, v17  }
0x200: {  	v18 =	vsub.f32 v18, v21;
	v20 =	vmul.f32 $1.442695020e+00, v20  }
0x201: {  	(erf) = vpow2.f32 v17  }
0x202: {  	v17 =	vmul.f32 $1.442695020e+00, v18;
	v18 =	vsub.f32 v19, v21;
	(erf) = vpow2.f32 v20;
	_ =	sdelay $0x1  }
0x203: {  	(erf) = vpow2.f32 v17;
	v17 =	vmul.f32 $1.442695020e+00, v18;
	_ =	sdelay $0x1  }
0x204: {  	(erf) = vpow2.f32 v17;
	_ =	sdelay $0x3  }
0x205: {  	v17 =	vpop (erf)  }
0x206: {  	v18 =	vpop (erf)  }
0x207: {  	v19 =	vadd.f32 v18, v17  }
0x208: {  	v20 =	vpop (erf)  }
0x209: {  	v19 =	vadd.f32 v19, v20  }
0x20a: {  	v21 =	vpop (erf)  }
0x20b: {  	v19 =	vadd.f32 v19, v21;
	_ =	sdelay $0x1  }
0x20c: {  	v22 =	vperm.xlane v19, v3;
	_ =	sdelay $0x1  }
0x20d: {  	v19 =	vadd.f32 v19, v22;
	_ =	sdelay $0x1  }
0x20e: {  	v22 =	vperm.xlane v19, v5;
	_ =	sdelay $0x1  }
0x20f: {  	v19 =	vadd.f32 v19, v22;
	_ =	sdelay $0x1  }
0x210: {  	v22 =	vperm.xlane v19, v6;
	_ =	sdelay $0x1  }
0x211: {  	v19 =	vadd.f32 v19, v22;
	_ =	sdelay $0x1  }
0x212: {  	v22 =	vperm.xlane v19, v7;
	_ =	sdelay $0x1  }
0x213: {  	v19 =	vadd.f32 v19, v22;
	_ =	sdelay $0x1  }
0x214: {  	(erf) = vrcp.f32 v19;
	_ =	sdelay $0x8  }
0x215: {  	v19 =	vpop (erf)  }
0x216: {  	v17 =	vmul.f32 v19, v17  }
0x217: {  	v18 =	vmul.f32 v19, v18  }
0x218: {  	[tilespmem:$0x19300] =	vst v17;
	v17 =	vmul.f32 v19, v20  }
0x219: {  	[tilespmem:$0x19310] =	vst v18;
	v18 =	vmul.f32 v19, v21  }
0x21a: {  	[tilespmem:$0x19320] =	vst v17  }
0x21b: {  	[tilespmem:$0x19330] =	vst v18  }
0x21c: {  	_ =	swait.ge [sflag:s14], $0x6400  }
0x21d: {  	[sflag:s14] =	ssyncset.done $0x0  }
0x21e: {  	s19 =	sadd.s32 $0xC8, s19;
	s30 =	simm.s32 $0x11400;
	[sflag:s14] =	ssyncadd.s32 $0xFFFF9C00  }
0x21f: {  	[tilespmem:s10], [sflag:$0x2] =	stream.indirect.gather [hbm4b:s1+s8], $0x80, s19, s8, $0xb8;
	[tilespmem:$0x1A380] =	vst v63  }
0x220: {  	v17 =	vld [tilespmem:s30+$0xFFFFFF70]  }
0x221: {  	v18 =	vld [tilespmem:s30+$0xFFFFFFF0]  }
0x222: {  	v19 =	vld [tilespmem:s30+$0xFFFFFF00]  }
0x223: {  	v20 =	vld [tilespmem:s30+$0x70]  }
0x224: {  	s31 =	simm.s32 $0x0;
	v21 =	vld [tilespmem:s30+$0xF0]  }
0x225: {  	v22 =	vld [tilespmem:s31+$0x19300]  }
0x226: {  	v23 =	vld [tilespmem:s30+$0xFFFFFF80]  }
0x227: {  	v24 =	vld [tilespmem:s30+$0xFFFFFF10]  }
0x228: {  	v25 =	vld [tilespmem:s30+$0xFFFFFF90]  }
0x229: {  	v26 =	vld [tilespmem:s30+$0xFFFFFF20]  }
0x22a: {  	v27 =	vld [tilespmem:s30+$0xFFFFFFA0]  }
0x22b: {  	v28 =	vld [tilespmem:s30+$0xFFFFFF30]  }
0x22c: {  	v29 =	vld [tilespmem:s30+$0xFFFFFFB0]  }
0x22d: {  	v30 =	vld [tilespmem:s30+$0xFFFFFF40]  }
0x22e: {  	v31 =	vld [tilespmem:s30+$0xFFFFFFC0]  }
0x22f: {  	v32 =	vld [tilespmem:s30+$0xFFFFFF50]  }
0x230: {  	v33 =	vld [tilespmem:s30+$0xFFFFFFD0]  }
0x231: {  	v34 =	vld [tilespmem:s30+$0xFFFFFF60]  }
0x232: {  	v35 =	vld [tilespmem:s30+$0x0];
	v17 =	vadd.f32 v18, v17  }
0x233: {  	v36 =	vld [tilespmem:s30+$0x10]  }
0x234: {  	v37 =	vld [tilespmem:s30+$0x20];
	v20 =	vadd.f32 v20, v17  }
0x235: {  	v38 =	vld [tilespmem:s30+$0x50]  }
0x236: {  	v39 =	vld [tilespmem:s30+$0x60];
	v17 =	vperm.xlane v22, v8;
	v20 =	vadd.f32 v21, v20  }
0x237: {  	v18 =	vld [tilespmem:s30+$0xFFFFFFE0];
	v19 =	vadd.f32 v23, v19  }
0x238: {  	v23 =	vadd.f32 v25, v24;
	v24 =	vadd.f32 v27, v26;
	v27 =	vld [tilespmem:s30+$0x90];
	v20 =	vmul.f32 v20, v17  }
0x239: {  	v22 =	vld [tilespmem:s30+$0x40]  }
0x23a: {  	v16 =	vadd.f32 v20, v16;
	v20 =	vld [tilespmem:s30+$0x80]  }
0x23b: {  	v26 =	vadd.f32 v29, v28;
	v21 =	vld [tilespmem:s30+$0x30]  }
0x23c: {  	v28 =	vadd.f32 v31, v30;
	v29 =	vadd.f32 v33, v32;
	v30 =	vld [tilespmem:s30+$0xA0]  }
0x23d: {  	v31 =	vld [tilespmem:s30+$0xB0];
	v19 =	vadd.f32 v35, v19;
	v61 =	vadd.f32 v36, v23  }
0x23e: {  	v25 =	vld [tilespmem:s30+$0xC0];
	v62 =	vadd.f32 v37, v24;
	v18 =	vadd.f32 v18, v34  }
0x23f: {  	v24 =	vld [tilespmem:s30+$0xD0];
	v32 =	vadd.f32 v27, v61;
	v63 =	vadd.f32 v20, v19  }
0x240: {  	s19 =	simm.s32 $0x11600;
	v23 =	vadd.f32 v22, v28;
	v26 =	vadd.f32 v21, v26;
	v20 =	vld [tilespmem:s30+$0xE0]  }
0x241: {  	v18 =	vadd.f32 v39, v18;
	v28 =	vadd.f32 v30, v62;
	v22 =	vld [tilespmem:s19+$0xFFFFFFF0];
	v27 =	vmul.f32 v63, v17  }
0x242: {  	s21 =	simm.s32 $0x8;
	s20 =	simm.s32 $0x4;
	v21 =	vadd.f32 v38, v29;
	v29 =	vmul.f32 v32, v17;
	v26 =	vadd.f32 v31, v26;
	v19 =	vld [tilespmem:s19+$0xFFFFFF70]  }
.LBB2_11:
0x243: {  	p0 =	sne.s32 s21, $0xC4;
	v30 =	vld [tilespmem:s19+$0xFFFFFF00];
	v14 =	vadd.f32 v27, v14;
	v27 =	vmul.f32 v28, v17;
	v23 =	vadd.f32 v25, v23  }
0x244: {  	v25 =	vld [tilespmem:s19+$0x70];
	v13 =	vadd.f32 v29, v13;
	v26 =	vmul.f32 v26, v17;
	v21 =	vadd.f32 v24, v21  }
0x245: {  	s22 =	sshra.s32 s20, $0x2;
	s20 =	smov.u32 s21;
	v24 =	vld [tilespmem:s19+$0xF0];
	v15 =	vadd.f32 v27, v15;
	v23 =	vmul.f32 v23, v17;
	v18 =	vadd.f32 v20, v18  }
0x246: {  	v20 =	vld [tilespmem:s22+$0x19300];
	v10 =	vadd.f32 v26, v10;
	v21 =	vmul.f32 v21, v17  }
0x247: {  	v26 =	vld [tilespmem:s19+$0xFFFFFF80];
	v19 =	vadd.f32 v22, v19;
	v11 =	vadd.f32 v23, v11;
	v17 =	vmul.f32 v18, v17  }
0x248: {  	v18 =	vld [tilespmem:s19+$0xFFFFFF10];
	v12 =	vadd.f32 v21, v12  }
0x249: {  	v21 =	vld [tilespmem:s19+$0xFFFFFF90];
	v19 =	vadd.f32 v25, v19;
	v9 =	vadd.f32 v17, v9  }
0x24a: {  	v22 =	vld [tilespmem:s19+$0xFFFFFF20]  }
0x24b: {  	v17 =	vperm.xlane v20, v8;
	v20 =	vld [tilespmem:s19+$0xFFFFFFA0];
	v19 =	vadd.f32 v24, v19  }
0x24c: {  	v23 =	vadd.f32 v26, v30;
	v24 =	vld [tilespmem:s19+$0xFFFFFF30]  }
0x24d: {  	v25 =	vld [tilespmem:s19+$0xFFFFFFB0];
	v19 =	vmul.f32 v19, v17  }
0x24e: {  	v18 =	vadd.f32 v21, v18;
	v21 =	vld [tilespmem:s19+$0xFFFFFF40]  }
0x24f: {  	v26 =	vld [tilespmem:s19+$0xFFFFFFC0];
	v16 =	vadd.f32 v19, v16  }
0x250: {  	v19 =	vadd.f32 v20, v22;
	v20 =	vld [tilespmem:s19+$0xFFFFFF50]  }
0x251: {  	v22 =	vld [tilespmem:s19+$0xFFFFFFD0]  }
0x252: {  	v24 =	vadd.f32 v25, v24;
	v25 =	vld [tilespmem:s19+$0xFFFFFF60]  }
0x253: {  	v27 =	vld [tilespmem:s19+$0xFFFFFFE0]  }
0x254: {  	v28 =	vld [tilespmem:s19+$0x0];
	v21 =	vadd.f32 v26, v21  }
0x255: {  	v26 =	vld [tilespmem:s19+$0x10]  }
0x256: {  	v29 =	vld [tilespmem:s19+$0x20];
	v20 =	vadd.f32 v22, v20  }
0x257: {  	v22 =	vld [tilespmem:s19+$0x30]  }
0x258: {  	v30 =	vld [tilespmem:s19+$0x40];
	v27 =	vadd.f32 v27, v25  }
0x259: {  	v28 =	vadd.f32 v28, v23;
	v25 =	vld [tilespmem:s19+$0x50]  }
0x25a: {  	v26 =	vadd.f32 v26, v18;
	v18 =	vld [tilespmem:s19+$0x60]  }
0x25b: {  	v31 =	vld [tilespmem:s19+$0x80];
	v29 =	vadd.f32 v29, v19  }
0x25c: {  	v19 =	vld [tilespmem:s19+$0x90];
	v32 =	vadd.f32 v22, v24  }
0x25d: {  	v22 =	vld [tilespmem:s19+$0xA0];
	v23 =	vadd.f32 v30, v21  }
0x25e: {  	v30 =	vld [tilespmem:s19+$0xB0];
	v21 =	vadd.f32 v25, v20  }
.Ltmp4:
0x25f: {  	v25 =	vld [tilespmem:s19+$0xC0];
	v18 =	vadd.f32 v18, v27;
	(pc) =	sbr.rel @p0 .LBB2_11-.Ltmp4, $4  }
0x260: {  	v27 =	vadd.f32 v31, v28;
	v24 =	vld [tilespmem:s19+$0xD0]  }
0x261: {  	v26 =	vadd.f32 v19, v26;
	v20 =	vld [tilespmem:s19+$0xE0];
	s19 =	sadd.s32 $0x200, s19  }
0x262: {  	v19 =	vld [tilespmem:s19+$0xFFFFFF70];
	v27 =	vmul.f32 v27, v17;
	v28 =	vadd.f32 v22, v29  }
0x263: {  	s21 =	sadd.s32 $0x4, s21;
	v22 =	vld [tilespmem:s19+$0xFFFFFFF0];
	v29 =	vmul.f32 v26, v17;
	v26 =	vadd.f32 v30, v32  }
0x264: {  	v30 =	vld [tilespmem:s19+$0xFFFFFF00]  }
0x265: {  	v31 =	vld [tilespmem:s19+$0x70]  }
0x266: {  	v33 =	vld [tilespmem:s19+$0xFFFFFF80]  }
0x267: {  	v34 =	vld [tilespmem:s19+$0xFFFFFF10]  }
0x268: {  	v35 =	vld [tilespmem:s19+$0xFFFFFF90]  }
0x269: {  	v36 =	vld [tilespmem:s19+$0xFFFFFF20]  }
0x26a: {  	v37 =	vld [tilespmem:s19+$0xFFFFFFA0]  }
0x26b: {  	v38 =	vld [tilespmem:s19+$0xFFFFFF30]  }
0x26c: {  	v39 =	vld [tilespmem:s19+$0xFFFFFFB0]  }
0x26d: {  	v40 =	vld [tilespmem:s19+$0xFFFFFF40]  }
0x26e: {  	v41 =	vld [tilespmem:s19+$0xFFFFFFC0]  }
0x26f: {  	v42 =	vld [tilespmem:s19+$0xFFFFFF50]  }
0x270: {  	v43 =	vld [tilespmem:s19+$0xFFFFFFD0]  }
0x271: {  	v44 =	vld [tilespmem:s19+$0xFFFFFF60]  }
0x272: {  	v45 =	vld [tilespmem:s19+$0xFFFFFFE0]  }
0x273: {  	v46 =	vld [tilespmem:s19+$0x0]  }
0x274: {  	v53 =	vld [tilespmem:s19+$0x10]  }
0x275: {  	v52 =	vmul.f32 v28, v17;
	v23 =	vadd.f32 v25, v23;
	v54 =	vld [tilespmem:s19+$0x20]  }
0x276: {  	v14 =	vadd.f32 v27, v14;
	v55 =	vld [tilespmem:s19+$0x30];
	v21 =	vadd.f32 v24, v21;
	v26 =	vmul.f32 v26, v17  }
0x277: {  	v57 =	vld [tilespmem:s19+$0x40];
	v13 =	vadd.f32 v29, v13;
	v15 =	vadd.f32 v52, v15;
	v23 =	vmul.f32 v23, v17  }
0x278: {  	v60 =	vld [tilespmem:s19+$0x80];
	v18 =	vadd.f32 v20, v18;
	v56 =	vmul.f32 v21, v17;
	v10 =	vadd.f32 v26, v10  }
0x279: {  	v63 =	vld [tilespmem:s19+$0x90];
	v19 =	vadd.f32 v22, v19;
	v11 =	vadd.f32 v23, v11  }
0x27a: {  	s20 =	sshra.s32 s20, $0x2;
	v48 =	vld [tilespmem:s19+$0xA0];
	v12 =	vadd.f32 v56, v12;
	v58 =	vadd.f32 v33, v30  }
0x27b: {  	v32 =	vld [tilespmem:s20+$0x19300];
	v59 =	vadd.f32 v35, v34;
	v61 =	vadd.f32 v37, v36  }
0x27c: {  	v50 =	vld [tilespmem:s19+$0xB0];
	v62 =	vadd.f32 v39, v38;
	v41 =	vadd.f32 v41, v40  }
0x27d: {  	v20 =	vld [tilespmem:s19+$0x60];
	v47 =	vadd.f32 v43, v42;
	v49 =	vadd.f32 v45, v44  }
0x27e: {  	v22 =	vld [tilespmem:s19+$0x50];
	v19 =	vadd.f32 v31, v19;
	v23 =	vadd.f32 v46, v58  }
0x27f: {  	v51 =	vld [tilespmem:s19+$0xC0];
	v25 =	vadd.f32 v53, v59;
	v24 =	vadd.f32 v54, v61  }
0x280: {  	v52 =	vperm.xlane v32, v8;
	v27 =	vadd.f32 v55, v62;
	v53 =	vld [tilespmem:s19+$0xD0];
	v23 =	vadd.f32 v60, v23  }
0x281: {  	v54 =	vmul.f32 v18, v17;
	v55 =	vadd.f32 v57, v41;
	v57 =	vld [tilespmem:s19+$0xE0];
	v56 =	vadd.f32 v63, v25  }
0x282: {  	v58 =	vld [tilespmem:s19+$0xF0];
	v20 =	vadd.f32 v20, v49;
	v24 =	vadd.f32 v48, v24;
	v23 =	vmul.f32 v23, v52  }
0x283: {  	v22 =	vadd.f32 v22, v47;
	v27 =	vadd.f32 v50, v27;
	v21 =	vmul.f32 v56, v52  }
0x284: {  	s17 =	sshll.u32 s17, $0x7;
	v18 =	vadd.f32 v51, v55;
	v59 =	vmul.f32 v24, v52;
	v14 =	vadd.f32 v23, v14  }
0x285: {  	s17 =	sand.u32 $0x3FFFFF80, s17;
	v60 =	vmul.f32 v27, v52;
	v22 =	vadd.f32 v53, v22;
	v13 =	vadd.f32 v21, v13  }
0x286: {  	v18 =	vmul.f32 v18, v52;
	v20 =	vadd.f32 v57, v20;
	v15 =	vadd.f32 v59, v15;
	[tilespmem:s17+$0x19380] =	vst v14  }
0x287: {  	v61 =	vadd.f32 v58, v19;
	v10 =	vadd.f32 v60, v10;
	v62 =	vmul.f32 v22, v52;
	[tilespmem:s17+$0x19390] =	vst v13  }
0x288: {  	p0 =	sne.s32 s18, $0x20;
	v9 =	vadd.f32 v54, v9;
	v11 =	vadd.f32 v18, v11;
	v63 =	vmul.f32 v20, v52;
	[tilespmem:s17+$0x193A0] =	vst v15  }
.Ltmp5:
0x289: {  	v14 =	vmul.f32 v61, v52;
	[tilespmem:s17+$0x193B0] =	vst v10;
	v12 =	vadd.f32 v62, v12;
	(pc) =	sbr.rel @p0 .LBB2_2-.Ltmp5, $4  }
0x28a: {  	[tilespmem:s17+$0x193C0] =	vst v11;
	v9 =	vadd.f32 v63, v9  }
0x28b: {  	v10 =	vadd.f32 v14, v16;
	[tilespmem:s17+$0x193D0] =	vst v12  }
0x28c: {  	[tilespmem:s17+$0x193E0] =	vst v9  }
0x28d: {  	[tilespmem:s17+$0x193F0] =	vst v10;
	s17 =	smov.u32 s18  }
0x28e: {  	_ =	swait.ge [sflag:s11], $0x6400  }
0x28f: {  	[sflag:s11] =	ssyncset.done $0x0  }
0x290: {  	[sflag:s11] =	ssyncadd.s32 $0xFFFF9C00  }
0x291: {  	s16 =	sadd.s32 $0x1, s16;
	_ =	swait.ge [sflag:s13], $0x6400  }
0x292: {  	p0 =	sne.s32 s16, s6;
	[sflag:s13] =	ssyncset.done $0x0  }
.Ltmp6:
0x293: {  	[sflag:s13] =	ssyncadd.s32 $0xFFFF9C00;
	(pc) =	sbr.rel @p0 .LBB2_1-.Ltmp6, $4  }
0x294: {  	[hbm4b:s5+s3] =	stream.linear.scatter [tilespmem:s15], [sflag:$0x4], $0x1000, $0x38;
	[tilespmem:$0x1A380] =	vst v63  }
0x295: {  	_ =	swait.ge [sflag:s7], $0x1000  }
0x296: {  	[sflag:s7] =	ssyncset.done $0x0  }
0x297: {  	[sflag:s7] =	ssyncadd.s32 $0xFFFFF000  }
0x298: {  	_ =	sfence.sel $0x180000  }
0x299: {  	[bflag:$0x0] =	sbarrier.arrive $0xFFFF  }
0x29a: {  	p0 =	sne.s32 s0, $0x0;
	_ =	strace $0x90000047  }
0x29b: {  	s0 =	sadd.s32 @!p0 $0x100000, s2;
	[bflag:$0x2] =	sbarrier.arrive $0xFFFF  }
0x29c: {  	[sflag:s0] =	ssyncadd.tile.s32 @!p0 $0x1;
	_ =	shalt  }
.Lfunc_end2:
_tile_overlayer_lowered:
.L_overlay_start_2:
0x29d: {  	(tag) =	ssettag $0x2  }
0x29e: {  	s0 =	rddreg [dreg:$0x0];
	s2 =	stileid.u32  }
0x29f: {  	s1 =	rddreg [dreg:$0x1];
	p0 =	sne.s32 s2, $0x0  }
0x2a0: {  	s3 =	rddreg [dreg:$0x2];
	[bflag:$0x3] =	sbarrier.arrive $0xFFFF;
	s2 =	simm.s32 @!p0 $0x1C04  }
0x2a1: {  	[timem:s3], [sflag:s2] =	dma.local @!p0 [hbm:s0], s1  }
0x2a2: {  	s0 =	simm.s32 @!p0 $0x4  }
0x2a3: {  	_ =	swait.ge @!p0 [sflag:s0], s1  }
0x2a4: {  	s1 =	ssub.s32 @!p0 $0x0, s1;
	[sflag:s0] =	ssyncset.done @!p0 $0x0  }
0x2a5: {  	[sflag:s0] =	ssyncadd.s32 @!p0 s1  }
0x2a6: {  	[bflag:$0x3] =	sbarrier.arrive $0xFFFF  }
0x2a7: {  	_ =	shalt  }

</sc_bundles>
